<compile_context>
chip_gen: v7x
topology: tpu7x:2x2x1
jax: 0.10.2.dev20260603
libtpu: 0.0.44.dev20260713+nightly
codegen_flags: <defaults>
</compile_context>

<pallas_src>
import jax
import jax.numpy as jnp
from jax.experimental import pallas as pl
from jax.experimental.pallas import tpu as pltpu

B, S, DIM, K, D, L, H = 4, 1024, 13, 8192, 512, 2, 8
DH = D // H
N = B * S
TT = 512


def _mm(a, b, dims):
    return jax.lax.dot_general(a.astype(jnp.bfloat16), b.astype(jnp.bfloat16),
                               dims, preferred_element_type=jnp.float32)


def _l2n(t):
    return t / jnp.maximum(jnp.sqrt(jnp.sum(t * t, axis=-1, keepdims=True)), 1e-12)


def _ln(h, scale):
    mu = jnp.mean(h, axis=-1, keepdims=True)
    var = jnp.mean((h - mu) ** 2, axis=-1, keepdims=True)
    return (h - mu) / jnp.sqrt(var + 1e-5) * scale


def _prior_kernel(h0_ref, pos_ref, wqkv_ref, wo_ref, ln1_ref, ln2_ref,
                  w1_ref, w2_ref, lnf_ref, wout_ref, vn_ref):
    h = h0_ref[0] + pos_ref[...]
    QB = 512
    NQ = S // QB
    rio = jax.lax.broadcasted_iota(jnp.int32, (QB, QB), 0)
    cio = jax.lax.broadcasted_iota(jnp.int32, (QB, QB), 1)
    dmask = rio >= cio
    for l in range(L):
        a = _ln(h, ln1_ref[l:l + 1, :])
        qkv = _mm(a, wqkv_ref[l], (((1,), (0,)), ((), ())))
        rows = []
        for j in range(NQ):
            kend = (j + 1) * QB
            o_heads = []
            for hh in range(H):
                qh = qkv[j * QB:kend, hh * DH:(hh + 1) * DH]
                kh = qkv[:kend, D + hh * DH:D + (hh + 1) * DH]
                vh = qkv[:kend, 2 * D + hh * DH:2 * D + (hh + 1) * DH]
                att = _mm(qh, kh, (((1,), (1,)), ((), ())))
                att = att / jnp.sqrt(float(DH))
                if j == 0:
                    att = jnp.where(dmask, att, -1e9)
                else:
                    att = jnp.concatenate(
                        [att[:, :j * QB],
                         jnp.where(dmask, att[:, j * QB:], -1e9)], axis=1)
                att = jax.nn.softmax(att, axis=-1)
                o_heads.append(_mm(att, vh, (((1,), (0,)), ((), ()))))
            o_j = jnp.concatenate(o_heads, axis=1)
            rows.append(h[j * QB:kend, :] +
                        _mm(o_j, wo_ref[l], (((1,), (0,)), ((), ()))))
        h = jnp.concatenate(rows, axis=0)
        mid = _ln(h, ln2_ref[l:l + 1, :])
        hid = jax.nn.gelu(_mm(mid, w1_ref[l], (((1,), (0,)), ((), ()))))
        h = h + _mm(hid, w2_ref[l], (((1,), (0,)), ((), ())))
    v = _mm(_ln(h, lnf_ref[...]), wout_ref[...], (((1,), (0,)), ((), ())))
    vn_ref[0] = _l2n(v)


def _nll_kernel(vn_ref, qn_ref, cbn_ref, nll_ref):
    t = pl.program_id(0)
    vn = vn_ref[...]
    logits = _mm(vn, cbn_ref[...], (((1,), (1,)), ((), ())))
    m = jnp.max(logits, axis=-1, keepdims=True)
    lse = m + jnp.log(jnp.sum(jnp.exp(logits - m), axis=-1, keepdims=True))
    ltgt = jnp.sum(vn * qn_ref[...], axis=-1, keepdims=True)
    gi = t * TT + jax.lax.broadcasted_iota(jnp.int32, (TT, 1), 0)
    valid = (jnp.mod(gi, S) != (S - 1)).astype(jnp.float32)
    nll_ref[...] = jnp.zeros_like(nll_ref) + jnp.sum(valid * (lse - ltgt))


def kernel(x, codebook, W_in, pos_emb, Wqkv, Wo, ln1, ln2, W1, W2, lnf, W_out):
    commitment_weight = 0.25
    prior_loss_weight = 1.0
    xn = _l2n(x)
    cbn = _l2n(codebook)
    sim = jnp.einsum('bsd,cd->bsc', xn, cbn)
    indices = jnp.argmax(sim, axis=-1)
    quant = jnp.take(cbn, indices, axis=0)
    commit = jnp.mean((jax.lax.stop_gradient(quant) - xn) ** 2)
    vq_loss = commitment_weight * commit
    quantized_sg = xn + jax.lax.stop_gradient(quant - xn)
    Z_hat = jnp.take(cbn, indices, axis=0)
    prior_in = Z_hat[:, :-1, :] @ W_in
    uniq = jnp.unique(indices, size=K, fill_value=-1)
    usage = jnp.sum(uniq >= 0).astype(jnp.float32) / K * 100.0

    h0 = jnp.pad(prior_in, ((0, 0), (0, 1), (0, 0)))
    vn = pl.pallas_call(
        _prior_kernel,
        grid=(B,),
        in_specs=[
            pl.BlockSpec((1, S, D), lambda b: (b, 0, 0)),
            pl.BlockSpec((S, D), lambda b: (0, 0)),
            pl.BlockSpec((L, D, 3 * D), lambda b: (0, 0, 0)),
            pl.BlockSpec((L, D, D), lambda b: (0, 0, 0)),
            pl.BlockSpec((L, D), lambda b: (0, 0)),
            pl.BlockSpec((L, D), lambda b: (0, 0)),
            pl.BlockSpec((L, D, 4 * D), lambda b: (0, 0, 0)),
            pl.BlockSpec((L, 4 * D, D), lambda b: (0, 0, 0)),
            pl.BlockSpec((1, D), lambda b: (0, 0)),
            pl.BlockSpec((D, DIM), lambda b: (0, 0)),
        ],
        out_specs=pl.BlockSpec((1, S, DIM), lambda b: (b, 0, 0)),
        out_shape=jax.ShapeDtypeStruct((B, S, DIM), jnp.float32),
        compiler_params=pltpu.CompilerParams(
            dimension_semantics=("parallel",)),
    )(h0, pos_emb, Wqkv, Wo, ln1, ln2, W1, W2, lnf.reshape(1, D), W_out)

    vnf = vn.reshape(N, DIM)
    qf = quant.reshape(N, DIM)
    qnext = jnp.concatenate([qf[1:], qf[:1]], axis=0)
    nt = N // TT
    nll_sum = pl.pallas_call(
        _nll_kernel,
        grid=(nt,),
        in_specs=[
            pl.BlockSpec((TT, DIM), lambda i: (i, 0)),
            pl.BlockSpec((TT, DIM), lambda i: (i, 0)),
            pl.BlockSpec((K, DIM), lambda i: (0, 0)),
        ],
        out_specs=pl.BlockSpec((1, 1, 1), lambda i: (i, 0, 0)),
        out_shape=jax.ShapeDtypeStruct((nt, 1, 1), jnp.float32),
        compiler_params=pltpu.CompilerParams(
            dimension_semantics=("parallel",)),
    )(vnf, qnext, cbn)

    prior_loss = prior_loss_weight * (jnp.sum(nll_sum) / float(B * (S - 1)))
    return (quantized_sg, indices, vq_loss, prior_loss, commit, usage)

# --- scband reference (transcript-rebuilt; emitter-appended) ---
"""Pipeline reference for scband-larpquantizer-58351425683918 (READ-ONLY COPY).

The authoritative reference and input builder live on the scoring server;
editing this copy changes nothing except your own understanding.
"""

import jax, jax.numpy as jnp
import numpy as np


def _l2norm(t, eps=1e-12):
    n = jnp.sqrt(jnp.sum(t * t, axis=-1, keepdims=True))
    return t / jnp.maximum(n, eps)


def _layernorm(h, scale, eps=1e-5):
    mu = jnp.mean(h, axis=-1, keepdims=True)
    var = jnp.mean((h - mu) ** 2, axis=-1, keepdims=True)
    return (h - mu) / jnp.sqrt(var + eps) * scale


def _prior_model(h, pos_emb, Wqkv, Wo, ln1, ln2, W1, W2, lnf, W_out):
    B, T, D = h.shape
    H = 8
    dh = D // H
    h = h + pos_emb[:T][None, :, :]
    mask = jnp.tril(jnp.ones((T, T), dtype=bool))
    L = Wqkv.shape[0]
    for l in range(L):
        a = _layernorm(h, ln1[l])
        qkv = a @ Wqkv[l]
        q, k, v = jnp.split(qkv, 3, axis=-1)
        q = q.reshape(B, T, H, dh).transpose(0, 2, 1, 3)
        k = k.reshape(B, T, H, dh).transpose(0, 2, 1, 3)
        v = v.reshape(B, T, H, dh).transpose(0, 2, 1, 3)
        att = jnp.einsum('bhqd,bhkd->bhqk', q, k) / jnp.sqrt(float(dh))
        att = jnp.where(mask[None, None, :, :], att, -1e9)
        att = jax.nn.softmax(att, axis=-1)
        o = jnp.einsum('bhqk,bhkd->bhqd', att, v)
        o = o.transpose(0, 2, 1, 3).reshape(B, T, D)
        h = h + o @ Wo[l]
        m = _layernorm(h, ln2[l])
        h = h + jax.nn.gelu(m @ W1[l]) @ W2[l]
    return _layernorm(h, lnf) @ W_out


def setup_inputs(seed: int = 0):
    key = jax.random.key(seed)
    ks = jax.random.split(key, 12)
    B, S, dim, K, D, L = 4, 1024, 13, 8192, 512, 2
    return {
        'x': jax.random.normal(ks[0], (B, S, dim), dtype=jnp.float32),
        'codebook': jax.random.normal(ks[1], (K, dim), dtype=jnp.float32),
        'W_in': jax.random.normal(ks[2], (dim, D), dtype=jnp.float32) * 0.02,
        'pos_emb': jax.random.normal(ks[3], (S, D), dtype=jnp.float32) * 0.02,
        'Wqkv': jax.random.normal(ks[4], (L, D, 3 * D), dtype=jnp.float32) * 0.02,
        'Wo': jax.random.normal(ks[5], (L, D, D), dtype=jnp.float32) * 0.02,
        'ln1': jnp.ones((L, D), dtype=jnp.float32),
        'ln2': jnp.ones((L, D), dtype=jnp.float32),
        'W1': jax.random.normal(ks[6], (L, D, 4 * D), dtype=jnp.float32) * 0.02,
        'W2': jax.random.normal(ks[7], (L, 4 * D, D), dtype=jnp.float32) * 0.02,
        'lnf': jnp.ones((D,), dtype=jnp.float32),
        'W_out': jax.random.normal(ks[8], (D, dim), dtype=jnp.float32) * 0.02,
    }


def reference(x, codebook, W_in, pos_emb, Wqkv, Wo, ln1, ln2, W1, W2, lnf, W_out):
    commitment_weight = 0.25
    prior_loss_weight = 1.0
    K = codebook.shape[0]
    # cosine-sim VQ (use_cosine_sim=True): l2-normalize inputs and codebook
    xn = _l2norm(x)
    cbn = _l2norm(codebook)
    sim = jnp.einsum('bsd,cd->bsc', xn, cbn)
    indices = jnp.argmax(sim, axis=-1)
    quant = jnp.take(cbn, indices, axis=0)
    commit = jnp.mean((jax.lax.stop_gradient(quant) - xn) ** 2)
    vq_loss = commitment_weight * commit
    # straight-through
    quantized_sg = xn + jax.lax.stop_gradient(quant - xn)
    # prior model over quantized code embeddings
    Z_hat = jnp.take(cbn, indices, axis=0)
    prior_in = Z_hat[:, :-1, :] @ W_in
    v_bar = _prior_model(prior_in, pos_emb, Wqkv, Wo, ln1, ln2, W1, W2, lnf, W_out)
    vn = _l2norm(v_bar)
    logits = jnp.einsum('btd,cd->btc', vn, cbn)
    tgt = indices[:, 1:]
    logp = jax.nn.log_softmax(logits, axis=-1)
    nll = -jnp.mean(jnp.take_along_axis(logp, tgt[:, :, None], axis=-1))
    prior_loss = prior_loss_weight * nll
    uniq = jnp.unique(indices, size=K, fill_value=-1)
    usage = jnp.sum(uniq >= 0).astype(jnp.float32) / K * 100.0
    return (quantized_sg, indices, vq_loss, prior_loss, commit, usage)

if __name__ == "__main__":
    import jax
    _d = setup_inputs()
    print(jax.jit(kernel)(*tuple(_d.values())))

</pallas_src>

<mosaic_0001>
module attributes {stable_mosaic.version = 14 : i64} {
  func.func @_prior_kernel(%arg0: i32, %arg1: memref<1x1024x512xf32, #tpu.memory_space<vmem>>, %arg2: memref<1024x512xf32, #tpu.memory_space<vmem>>, %arg3: memref<2x512x1536xf32, #tpu.memory_space<vmem>>, %arg4: memref<2x512x512xf32, #tpu.memory_space<vmem>>, %arg5: memref<2x512xf32, #tpu.memory_space<vmem>>, %arg6: memref<2x512xf32, #tpu.memory_space<vmem>>, %arg7: memref<2x512x2048xf32, #tpu.memory_space<vmem>>, %arg8: memref<2x2048x512xf32, #tpu.memory_space<vmem>>, %arg9: memref<1x512xf32, #tpu.memory_space<vmem>>, %arg10: memref<512x13xf32, #tpu.memory_space<vmem>>, %arg11: memref<1x1024x13xf32, #tpu.memory_space<vmem>>) attributes {dimension_semantics = [#tpu.dimension_semantics<parallel>], iteration_bounds = array<i64: 4>, scalar_prefetch = 0 : i64, scratch_operands = 0 : i64, tpu.core_type = #tpu.core_type<tc>, window_params = [{transform_indices = @transform_0, window_bounds = array<i64: 1, 1024, 512>}, {pipeline_mode = #tpu.pipeline_mode<synchronous>, transform_indices = @transform_1, window_bounds = array<i64: 1024, 512>}, {pipeline_mode = #tpu.pipeline_mode<synchronous>, transform_indices = @transform_2, window_bounds = array<i64: 2, 512, 1536>}, {pipeline_mode = #tpu.pipeline_mode<synchronous>, transform_indices = @transform_3, window_bounds = array<i64: 2, 512, 512>}, {pipeline_mode = #tpu.pipeline_mode<synchronous>, transform_indices = @transform_4, window_bounds = array<i64: 2, 512>}, {pipeline_mode = #tpu.pipeline_mode<synchronous>, transform_indices = @transform_5, window_bounds = array<i64: 2, 512>}, {pipeline_mode = #tpu.pipeline_mode<synchronous>, transform_indices = @transform_6, window_bounds = array<i64: 2, 512, 2048>}, {pipeline_mode = #tpu.pipeline_mode<synchronous>, transform_indices = @transform_7, window_bounds = array<i64: 2, 2048, 512>}, {pipeline_mode = #tpu.pipeline_mode<synchronous>, transform_indices = @transform_8, window_bounds = array<i64: 1, 512>}, {pipeline_mode = #tpu.pipeline_mode<synchronous>, transform_indices = @transform_9, window_bounds = array<i64: 512, 13>}, {transform_indices = @transform_10, window_bounds = array<i64: 1, 1024, 13>}]} {
    %get3A = arith.constant 0 : index
    %get3A_0 = arith.constant 0 : index
    %get3A_1 = arith.constant 0 : index
    %get3A_2 = vector.load %arg1[%get3A, %get3A_0, %get3A_1] : memref<1x1024x512xf32, #tpu.memory_space<vmem>>, vector<1x1024x512xf32>
    %get3A_3 = vector.shape_cast %get3A_2 : vector<1x1024x512xf32> to vector<1024x512xf32>
    %get3A_4 = arith.constant 0 : index
    %get3A_5 = arith.constant 0 : index
    %get3A_6 = vector.load %arg2[%get3A_4, %get3A_5] : memref<1024x512xf32, #tpu.memory_space<vmem>>, vector<1024x512xf32>
    %add3A = arith.addf %get3A_3, %get3A_6 : vector<1024x512xf32>
    %iota3A = tpu.iota {dimensions = array<i32: 0>} : vector<512x512xi32>
    %iota3A_7 = tpu.iota {dimensions = array<i32: 1>} : vector<512x512xi32>
    %ge3A = arith.cmpi sge, %iota3A, %iota3A_7 : vector<512x512xi32>
    %get3A_8 = arith.constant 0 : index
    %get3A_9 = arith.constant 0 : index
    %get3A_10 = vector.load %arg5[%get3A_8, %get3A_9] : memref<2x512xf32, #tpu.memory_space<vmem>>, vector<1x512xf32>
    %reduce_sum3A = arith.constant dense<0.000000e+00> : vector<1024xf32>
    %reduce_sum3A_11 = vector.multi_reduction <add>, %add3A, %reduce_sum3A [1] : vector<1024x512xf32> to vector<1024xf32>
    %broadcast_in_dim3A = vector.shape_cast %reduce_sum3A_11 : vector<1024xf32> to vector<1024x1xf32>
    %div3A = arith.constant 5.120000e+02 : f32
    %div3A_12 = vector.broadcast %div3A : f32 to vector<1024x1xf32>
    %div3A_13 = arith.divf %broadcast_in_dim3A, %div3A_12 : vector<1024x1xf32>
    %sub3A = vector.broadcast %div3A_13 : vector<1024x1xf32> to vector<1024x512xf32>
    %sub3A_14 = arith.subf %add3A, %sub3A : vector<1024x512xf32>
    %integer_pow3A = arith.mulf %sub3A_14, %sub3A_14 : vector<1024x512xf32>
    %reduce_sum3A_15 = arith.constant dense<0.000000e+00> : vector<1024xf32>
    %reduce_sum3A_16 = vector.multi_reduction <add>, %integer_pow3A, %reduce_sum3A_15 [1] : vector<1024x512xf32> to vector<1024xf32>
    %broadcast_in_dim3A_17 = vector.shape_cast %reduce_sum3A_16 : vector<1024xf32> to vector<1024x1xf32>
    %div3A_18 = arith.constant 5.120000e+02 : f32
    %div3A_19 = vector.broadcast %div3A_18 : f32 to vector<1024x1xf32>
    %div3A_20 = arith.divf %broadcast_in_dim3A_17, %div3A_19 : vector<1024x1xf32>
    %sub3A_21 = vector.broadcast %div3A_13 : vector<1024x1xf32> to vector<1024x512xf32>
    %sub3A_22 = arith.subf %add3A, %sub3A_21 : vector<1024x512xf32>
    %add3A_23 = arith.constant 9.99999974E-6 : f32
    %add3A_24 = vector.broadcast %add3A_23 : f32 to vector<1024x1xf32>
    %add3A_25 = arith.addf %div3A_20, %add3A_24 : vector<1024x1xf32>
    %sqrt3A = math.sqrt %add3A_25 : vector<1024x1xf32>
    %div3A_26 = vector.broadcast %sqrt3A : vector<1024x1xf32> to vector<1024x512xf32>
    %div3A_27 = arith.divf %sub3A_22, %div3A_26 : vector<1024x512xf32>
    %mul3A = vector.broadcast %get3A_10 : vector<1x512xf32> to vector<1024x512xf32>
    %mul3A_28 = arith.mulf %div3A_27, %mul3A : vector<1024x512xf32>
    %get3A_29 = arith.constant 0 : index
    %get3A_30 = arith.constant 0 : index
    %get3A_31 = arith.constant 0 : index
    %get3A_32 = vector.load %arg3[%get3A_29, %get3A_30, %get3A_31] : memref<2x512x1536xf32, #tpu.memory_space<vmem>>, vector<1x512x1536xf32>
    %get3A_33 = vector.shape_cast %get3A_32 : vector<1x512x1536xf32> to vector<512x1536xf32>
    %convert_element_type3A = arith.truncf %mul3A_28 : vector<1024x512xf32> to vector<1024x512xbf16>
    %convert_element_type3A_34 = arith.truncf %get3A_33 : vector<512x1536xf32> to vector<512x1536xbf16>
    %dot_general3A = arith.constant dense<0.000000e+00> : vector<1024x1536xf32>
    %dot_general3A_35 = tpu.matmul %convert_element_type3A, %convert_element_type3A_34, %dot_general3A {dimension_numbers = #tpu.dot_dimension_numbers<[1], [0], [0], [1], [0, 0, 1, 1], [], []>, transpose_lhs_hint = false} : vector<1024x512xbf16>, vector<512x1536xbf16>, vector<1024x1536xf32> -> vector<1024x1536xf32>
    %slice3A = vector.extract_strided_slice %dot_general3A_35 {offsets = [0, 0], sizes = [512, 64], strides = [1, 1]} : vector<1024x1536xf32> to vector<512x64xf32>
    %slice3A_36 = vector.extract_strided_slice %dot_general3A_35 {offsets = [0, 512], sizes = [512, 64], strides = [1, 1]} : vector<1024x1536xf32> to vector<512x64xf32>
    %slice3A_37 = vector.extract_strided_slice %dot_general3A_35 {offsets = [0, 1024], sizes = [512, 64], strides = [1, 1]} : vector<1024x1536xf32> to vector<512x64xf32>
    %convert_element_type3A_38 = arith.truncf %slice3A : vector<512x64xf32> to vector<512x64xbf16>
    %convert_element_type3A_39 = arith.truncf %slice3A_36 : vector<512x64xf32> to vector<512x64xbf16>
    %dot_general3A_40 = arith.constant dense<0.000000e+00> : vector<512x512xf32>
    %dot_general3A_41 = tpu.matmul %convert_element_type3A_38, %convert_element_type3A_39, %dot_general3A_40 {dimension_numbers = #tpu.dot_dimension_numbers<[1], [1], [0], [0], [0, 0, 1, 0], [], []>, transpose_lhs_hint = false} : vector<512x64xbf16>, vector<512x64xbf16>, vector<512x512xf32> -> vector<512x512xf32>
    %sqrt3A_42 = arith.constant 6.400000e+01 : f32
    %sqrt3A_43 = math.sqrt %sqrt3A_42 : f32
    %div3A_44 = vector.broadcast %sqrt3A_43 : f32 to vector<512x512xf32>
    %div3A_45 = arith.divf %dot_general3A_41, %div3A_44 : vector<512x512xf32>
    %jit3A = arith.constant -1.000000e+09 : f32
    %broadcast_in_dim3A_46 = vector.broadcast %jit3A : f32 to vector<512x512xf32>
    %select_n3A = arith.select %ge3A, %div3A_45, %broadcast_in_dim3A_46 : vector<512x512xi1>, vector<512x512xf32>
    %reduce_max3A = arith.constant dense<0xFF800000> : vector<512xf32>
    %reduce_max3A_47 = vector.multi_reduction <maximumf>, %select_n3A, %reduce_max3A [1] : vector<512x512xf32> to vector<512xf32>
    %max3A = arith.constant 0xFF800000 : f32
    %max3A_48 = vector.broadcast %max3A : f32 to vector<512xf32>
    %max3A_49 = arith.maximumf %max3A_48, %reduce_max3A_47 : vector<512xf32>
    %broadcast_in_dim3A_50 = vector.shape_cast %max3A_49 : vector<512xf32> to vector<512x1xf32>
    %sub3A_51 = vector.broadcast %broadcast_in_dim3A_50 : vector<512x1xf32> to vector<512x512xf32>
    %sub3A_52 = arith.subf %select_n3A, %sub3A_51 : vector<512x512xf32>
    %exp3A = math.exp %sub3A_52 : vector<512x512xf32>
    %reduce_sum3A_53 = arith.constant dense<0.000000e+00> : vector<512xf32>
    %reduce_sum3A_54 = vector.multi_reduction <add>, %exp3A, %reduce_sum3A_53 [1] : vector<512x512xf32> to vector<512xf32>
    %broadcast_in_dim3A_55 = vector.shape_cast %reduce_sum3A_54 : vector<512xf32> to vector<512x1xf32>
    %div3A_56 = vector.broadcast %broadcast_in_dim3A_55 : vector<512x1xf32> to vector<512x512xf32>
    %div3A_57 = arith.divf %exp3A, %div3A_56 : vector<512x512xf32>
    %convert_element_type3A_58 = arith.truncf %div3A_57 : vector<512x512xf32> to vector<512x512xbf16>
    %convert_element_type3A_59 = arith.truncf %slice3A_37 : vector<512x64xf32> to vector<512x64xbf16>
    %dot_general3A_60 = arith.constant dense<0.000000e+00> : vector<512x64xf32>
    %dot_general3A_61 = tpu.matmul %convert_element_type3A_58, %convert_element_type3A_59, %dot_general3A_60 {dimension_numbers = #tpu.dot_dimension_numbers<[1], [0], [0], [1], [0, 0, 1, 1], [], []>, transpose_lhs_hint = false} : vector<512x512xbf16>, vector<512x64xbf16>, vector<512x64xf32> -> vector<512x64xf32>
    %slice3A_62 = vector.extract_strided_slice %dot_general3A_35 {offsets = [0, 64], sizes = [512, 64], strides = [1, 1]} : vector<1024x1536xf32> to vector<512x64xf32>
    %slice3A_63 = vector.extract_strided_slice %dot_general3A_35 {offsets = [0, 576], sizes = [512, 64], strides = [1, 1]} : vector<1024x1536xf32> to vector<512x64xf32>
    %slice3A_64 = vector.extract_strided_slice %dot_general3A_35 {offsets = [0, 1088], sizes = [512, 64], strides = [1, 1]} : vector<1024x1536xf32> to vector<512x64xf32>
    %convert_element_type3A_65 = arith.truncf %slice3A_62 : vector<512x64xf32> to vector<512x64xbf16>
    %convert_element_type3A_66 = arith.truncf %slice3A_63 : vector<512x64xf32> to vector<512x64xbf16>
    %dot_general3A_67 = arith.constant dense<0.000000e+00> : vector<512x512xf32>
    %dot_general3A_68 = tpu.matmul %convert_element_type3A_65, %convert_element_type3A_66, %dot_general3A_67 {dimension_numbers = #tpu.dot_dimension_numbers<[1], [1], [0], [0], [0, 0, 1, 0], [], []>, transpose_lhs_hint = false} : vector<512x64xbf16>, vector<512x64xbf16>, vector<512x512xf32> -> vector<512x512xf32>
    %sqrt3A_69 = arith.constant 6.400000e+01 : f32
    %sqrt3A_70 = math.sqrt %sqrt3A_69 : f32
    %div3A_71 = vector.broadcast %sqrt3A_70 : f32 to vector<512x512xf32>
    %div3A_72 = arith.divf %dot_general3A_68, %div3A_71 : vector<512x512xf32>
    %jit3A_73 = arith.constant -1.000000e+09 : f32
    %broadcast_in_dim3A_74 = vector.broadcast %jit3A_73 : f32 to vector<512x512xf32>
    %select_n3A_75 = arith.select %ge3A, %div3A_72, %broadcast_in_dim3A_74 : vector<512x512xi1>, vector<512x512xf32>
    %reduce_max3A_76 = arith.constant dense<0xFF800000> : vector<512xf32>
    %reduce_max3A_77 = vector.multi_reduction <maximumf>, %select_n3A_75, %reduce_max3A_76 [1] : vector<512x512xf32> to vector<512xf32>
    %max3A_78 = arith.constant 0xFF800000 : f32
    %max3A_79 = vector.broadcast %max3A_78 : f32 to vector<512xf32>
    %max3A_80 = arith.maximumf %max3A_79, %reduce_max3A_77 : vector<512xf32>
    %broadcast_in_dim3A_81 = vector.shape_cast %max3A_80 : vector<512xf32> to vector<512x1xf32>
    %sub3A_82 = vector.broadcast %broadcast_in_dim3A_81 : vector<512x1xf32> to vector<512x512xf32>
    %sub3A_83 = arith.subf %select_n3A_75, %sub3A_82 : vector<512x512xf32>
    %exp3A_84 = math.exp %sub3A_83 : vector<512x512xf32>
    %reduce_sum3A_85 = arith.constant dense<0.000000e+00> : vector<512xf32>
    %reduce_sum3A_86 = vector.multi_reduction <add>, %exp3A_84, %reduce_sum3A_85 [1] : vector<512x512xf32> to vector<512xf32>
    %broadcast_in_dim3A_87 = vector.shape_cast %reduce_sum3A_86 : vector<512xf32> to vector<512x1xf32>
    %div3A_88 = vector.broadcast %broadcast_in_dim3A_87 : vector<512x1xf32> to vector<512x512xf32>
    %div3A_89 = arith.divf %exp3A_84, %div3A_88 : vector<512x512xf32>
    %convert_element_type3A_90 = arith.truncf %div3A_89 : vector<512x512xf32> to vector<512x512xbf16>
    %convert_element_type3A_91 = arith.truncf %slice3A_64 : vector<512x64xf32> to vector<512x64xbf16>
    %dot_general3A_92 = arith.constant dense<0.000000e+00> : vector<512x64xf32>
    %dot_general3A_93 = tpu.matmul %convert_element_type3A_90, %convert_element_type3A_91, %dot_general3A_92 {dimension_numbers = #tpu.dot_dimension_numbers<[1], [0], [0], [1], [0, 0, 1, 1], [], []>, transpose_lhs_hint = false} : vector<512x512xbf16>, vector<512x64xbf16>, vector<512x64xf32> -> vector<512x64xf32>
    %slice3A_94 = vector.extract_strided_slice %dot_general3A_35 {offsets = [0, 128], sizes = [512, 64], strides = [1, 1]} : vector<1024x1536xf32> to vector<512x64xf32>
    %slice3A_95 = vector.extract_strided_slice %dot_general3A_35 {offsets = [0, 640], sizes = [512, 64], strides = [1, 1]} : vector<1024x1536xf32> to vector<512x64xf32>
    %slice3A_96 = vector.extract_strided_slice %dot_general3A_35 {offsets = [0, 1152], sizes = [512, 64], strides = [1, 1]} : vector<1024x1536xf32> to vector<512x64xf32>
    %convert_element_type3A_97 = arith.truncf %slice3A_94 : vector<512x64xf32> to vector<512x64xbf16>
    %convert_element_type3A_98 = arith.truncf %slice3A_95 : vector<512x64xf32> to vector<512x64xbf16>
    %dot_general3A_99 = arith.constant dense<0.000000e+00> : vector<512x512xf32>
    %dot_general3A_100 = tpu.matmul %convert_element_type3A_97, %convert_element_type3A_98, %dot_general3A_99 {dimension_numbers = #tpu.dot_dimension_numbers<[1], [1], [0], [0], [0, 0, 1, 0], [], []>, transpose_lhs_hint = false} : vector<512x64xbf16>, vector<512x64xbf16>, vector<512x512xf32> -> vector<512x512xf32>
    %sqrt3A_101 = arith.constant 6.400000e+01 : f32
    %sqrt3A_102 = math.sqrt %sqrt3A_101 : f32
    %div3A_103 = vector.broadcast %sqrt3A_102 : f32 to vector<512x512xf32>
    %div3A_104 = arith.divf %dot_general3A_100, %div3A_103 : vector<512x512xf32>
    %jit3A_105 = arith.constant -1.000000e+09 : f32
    %broadcast_in_dim3A_106 = vector.broadcast %jit3A_105 : f32 to vector<512x512xf32>
    %select_n3A_107 = arith.select %ge3A, %div3A_104, %broadcast_in_dim3A_106 : vector<512x512xi1>, vector<512x512xf32>
    %reduce_max3A_108 = arith.constant dense<0xFF800000> : vector<512xf32>
    %reduce_max3A_109 = vector.multi_reduction <maximumf>, %select_n3A_107, %reduce_max3A_108 [1] : vector<512x512xf32> to vector<512xf32>
    %max3A_110 = arith.constant 0xFF800000 : f32
    %max3A_111 = vector.broadcast %max3A_110 : f32 to vector<512xf32>
    %max3A_112 = arith.maximumf %max3A_111, %reduce_max3A_109 : vector<512xf32>
    %broadcast_in_dim3A_113 = vector.shape_cast %max3A_112 : vector<512xf32> to vector<512x1xf32>
    %sub3A_114 = vector.broadcast %broadcast_in_dim3A_113 : vector<512x1xf32> to vector<512x512xf32>
    %sub3A_115 = arith.subf %select_n3A_107, %sub3A_114 : vector<512x512xf32>
    %exp3A_116 = math.exp %sub3A_115 : vector<512x512xf32>
    %reduce_sum3A_117 = arith.constant dense<0.000000e+00> : vector<512xf32>
    %reduce_sum3A_118 = vector.multi_reduction <add>, %exp3A_116, %reduce_sum3A_117 [1] : vector<512x512xf32> to vector<512xf32>
    %broadcast_in_dim3A_119 = vector.shape_cast %reduce_sum3A_118 : vector<512xf32> to vector<512x1xf32>
    %div3A_120 = vector.broadcast %broadcast_in_dim3A_119 : vector<512x1xf32> to vector<512x512xf32>
    %div3A_121 = arith.divf %exp3A_116, %div3A_120 : vector<512x512xf32>
    %convert_element_type3A_122 = arith.truncf %div3A_121 : vector<512x512xf32> to vector<512x512xbf16>
    %convert_element_type3A_123 = arith.truncf %slice3A_96 : vector<512x64xf32> to vector<512x64xbf16>
    %dot_general3A_124 = arith.constant dense<0.000000e+00> : vector<512x64xf32>
    %dot_general3A_125 = tpu.matmul %convert_element_type3A_122, %convert_element_type3A_123, %dot_general3A_124 {dimension_numbers = #tpu.dot_dimension_numbers<[1], [0], [0], [1], [0, 0, 1, 1], [], []>, transpose_lhs_hint = false} : vector<512x512xbf16>, vector<512x64xbf16>, vector<512x64xf32> -> vector<512x64xf32>
    %slice3A_126 = vector.extract_strided_slice %dot_general3A_35 {offsets = [0, 192], sizes = [512, 64], strides = [1, 1]} : vector<1024x1536xf32> to vector<512x64xf32>
    %slice3A_127 = vector.extract_strided_slice %dot_general3A_35 {offsets = [0, 704], sizes = [512, 64], strides = [1, 1]} : vector<1024x1536xf32> to vector<512x64xf32>
    %slice3A_128 = vector.extract_strided_slice %dot_general3A_35 {offsets = [0, 1216], sizes = [512, 64], strides = [1, 1]} : vector<1024x1536xf32> to vector<512x64xf32>
    %convert_element_type3A_129 = arith.truncf %slice3A_126 : vector<512x64xf32> to vector<512x64xbf16>
    %convert_element_type3A_130 = arith.truncf %slice3A_127 : vector<512x64xf32> to vector<512x64xbf16>
    %dot_general3A_131 = arith.constant dense<0.000000e+00> : vector<512x512xf32>
    %dot_general3A_132 = tpu.matmul %convert_element_type3A_129, %convert_element_type3A_130, %dot_general3A_131 {dimension_numbers = #tpu.dot_dimension_numbers<[1], [1], [0], [0], [0, 0, 1, 0], [], []>, transpose_lhs_hint = false} : vector<512x64xbf16>, vector<512x64xbf16>, vector<512x512xf32> -> vector<512x512xf32>
    %sqrt3A_133 = arith.constant 6.400000e+01 : f32
    %sqrt3A_134 = math.sqrt %sqrt3A_133 : f32
    %div3A_135 = vector.broadcast %sqrt3A_134 : f32 to vector<512x512xf32>
    %div3A_136 = arith.divf %dot_general3A_132, %div3A_135 : vector<512x512xf32>
    %jit3A_137 = arith.constant -1.000000e+09 : f32
    %broadcast_in_dim3A_138 = vector.broadcast %jit3A_137 : f32 to vector<512x512xf32>
    %select_n3A_139 = arith.select %ge3A, %div3A_136, %broadcast_in_dim3A_138 : vector<512x512xi1>, vector<512x512xf32>
    %reduce_max3A_140 = arith.constant dense<0xFF800000> : vector<512xf32>
    %reduce_max3A_141 = vector.multi_reduction <maximumf>, %select_n3A_139, %reduce_max3A_140 [1] : vector<512x512xf32> to vector<512xf32>
    %max3A_142 = arith.constant 0xFF800000 : f32
    %max3A_143 = vector.broadcast %max3A_142 : f32 to vector<512xf32>
    %max3A_144 = arith.maximumf %max3A_143, %reduce_max3A_141 : vector<512xf32>
    %broadcast_in_dim3A_145 = vector.shape_cast %max3A_144 : vector<512xf32> to vector<512x1xf32>
    %sub3A_146 = vector.broadcast %broadcast_in_dim3A_145 : vector<512x1xf32> to vector<512x512xf32>
    %sub3A_147 = arith.subf %select_n3A_139, %sub3A_146 : vector<512x512xf32>
    %exp3A_148 = math.exp %sub3A_147 : vector<512x512xf32>
    %reduce_sum3A_149 = arith.constant dense<0.000000e+00> : vector<512xf32>
    %reduce_sum3A_150 = vector.multi_reduction <add>, %exp3A_148, %reduce_sum3A_149 [1] : vector<512x512xf32> to vector<512xf32>
    %broadcast_in_dim3A_151 = vector.shape_cast %reduce_sum3A_150 : vector<512xf32> to vector<512x1xf32>
    %div3A_152 = vector.broadcast %broadcast_in_dim3A_151 : vector<512x1xf32> to vector<512x512xf32>
    %div3A_153 = arith.divf %exp3A_148, %div3A_152 : vector<512x512xf32>
    %convert_element_type3A_154 = arith.truncf %div3A_153 : vector<512x512xf32> to vector<512x512xbf16>
    %convert_element_type3A_155 = arith.truncf %slice3A_128 : vector<512x64xf32> to vector<512x64xbf16>
    %dot_general3A_156 = arith.constant dense<0.000000e+00> : vector<512x64xf32>
    %dot_general3A_157 = tpu.matmul %convert_element_type3A_154, %convert_element_type3A_155, %dot_general3A_156 {dimension_numbers = #tpu.dot_dimension_numbers<[1], [0], [0], [1], [0, 0, 1, 1], [], []>, transpose_lhs_hint = false} : vector<512x512xbf16>, vector<512x64xbf16>, vector<512x64xf32> -> vector<512x64xf32>
    %slice3A_158 = vector.extract_strided_slice %dot_general3A_35 {offsets = [0, 256], sizes = [512, 64], strides = [1, 1]} : vector<1024x1536xf32> to vector<512x64xf32>
    %slice3A_159 = vector.extract_strided_slice %dot_general3A_35 {offsets = [0, 768], sizes = [512, 64], strides = [1, 1]} : vector<1024x1536xf32> to vector<512x64xf32>
    %slice3A_160 = vector.extract_strided_slice %dot_general3A_35 {offsets = [0, 1280], sizes = [512, 64], strides = [1, 1]} : vector<1024x1536xf32> to vector<512x64xf32>
    %convert_element_type3A_161 = arith.truncf %slice3A_158 : vector<512x64xf32> to vector<512x64xbf16>
    %convert_element_type3A_162 = arith.truncf %slice3A_159 : vector<512x64xf32> to vector<512x64xbf16>
    %dot_general3A_163 = arith.constant dense<0.000000e+00> : vector<512x512xf32>
    %dot_general3A_164 = tpu.matmul %convert_element_type3A_161, %convert_element_type3A_162, %dot_general3A_163 {dimension_numbers = #tpu.dot_dimension_numbers<[1], [1], [0], [0], [0, 0, 1, 0], [], []>, transpose_lhs_hint = false} : vector<512x64xbf16>, vector<512x64xbf16>, vector<512x512xf32> -> vector<512x512xf32>
    %sqrt3A_165 = arith.constant 6.400000e+01 : f32
    %sqrt3A_166 = math.sqrt %sqrt3A_165 : f32
    %div3A_167 = vector.broadcast %sqrt3A_166 : f32 to vector<512x512xf32>
    %div3A_168 = arith.divf %dot_general3A_164, %div3A_167 : vector<512x512xf32>
    %jit3A_169 = arith.constant -1.000000e+09 : f32
    %broadcast_in_dim3A_170 = vector.broadcast %jit3A_169 : f32 to vector<512x512xf32>
    %select_n3A_171 = arith.select %ge3A, %div3A_168, %broadcast_in_dim3A_170 : vector<512x512xi1>, vector<512x512xf32>
    %reduce_max3A_172 = arith.constant dense<0xFF800000> : vector<512xf32>
    %reduce_max3A_173 = vector.multi_reduction <maximumf>, %select_n3A_171, %reduce_max3A_172 [1] : vector<512x512xf32> to vector<512xf32>
    %max3A_174 = arith.constant 0xFF800000 : f32
    %max3A_175 = vector.broadcast %max3A_174 : f32 to vector<512xf32>
    %max3A_176 = arith.maximumf %max3A_175, %reduce_max3A_173 : vector<512xf32>
    %broadcast_in_dim3A_177 = vector.shape_cast %max3A_176 : vector<512xf32> to vector<512x1xf32>
    %sub3A_178 = vector.broadcast %broadcast_in_dim3A_177 : vector<512x1xf32> to vector<512x512xf32>
    %sub3A_179 = arith.subf %select_n3A_171, %sub3A_178 : vector<512x512xf32>
    %exp3A_180 = math.exp %sub3A_179 : vector<512x512xf32>
    %reduce_sum3A_181 = arith.constant dense<0.000000e+00> : vector<512xf32>
    %reduce_sum3A_182 = vector.multi_reduction <add>, %exp3A_180, %reduce_sum3A_181 [1] : vector<512x512xf32> to vector<512xf32>
    %broadcast_in_dim3A_183 = vector.shape_cast %reduce_sum3A_182 : vector<512xf32> to vector<512x1xf32>
    %div3A_184 = vector.broadcast %broadcast_in_dim3A_183 : vector<512x1xf32> to vector<512x512xf32>
    %div3A_185 = arith.divf %exp3A_180, %div3A_184 : vector<512x512xf32>
    %convert_element_type3A_186 = arith.truncf %div3A_185 : vector<512x512xf32> to vector<512x512xbf16>
    %convert_element_type3A_187 = arith.truncf %slice3A_160 : vector<512x64xf32> to vector<512x64xbf16>
    %dot_general3A_188 = arith.constant dense<0.000000e+00> : vector<512x64xf32>
    %dot_general3A_189 = tpu.matmul %convert_element_type3A_186, %convert_element_type3A_187, %dot_general3A_188 {dimension_numbers = #tpu.dot_dimension_numbers<[1], [0], [0], [1], [0, 0, 1, 1], [], []>, transpose_lhs_hint = false} : vector<512x512xbf16>, vector<512x64xbf16>, vector<512x64xf32> -> vector<512x64xf32>
    %slice3A_190 = vector.extract_strided_slice %dot_general3A_35 {offsets = [0, 320], sizes = [512, 64], strides = [1, 1]} : vector<1024x1536xf32> to vector<512x64xf32>
    %slice3A_191 = vector.extract_strided_slice %dot_general3A_35 {offsets = [0, 832], sizes = [512, 64], strides = [1, 1]} : vector<1024x1536xf32> to vector<512x64xf32>
    %slice3A_192 = vector.extract_strided_slice %dot_general3A_35 {offsets = [0, 1344], sizes = [512, 64], strides = [1, 1]} : vector<1024x1536xf32> to vector<512x64xf32>
    %convert_element_type3A_193 = arith.truncf %slice3A_190 : vector<512x64xf32> to vector<512x64xbf16>
    %convert_element_type3A_194 = arith.truncf %slice3A_191 : vector<512x64xf32> to vector<512x64xbf16>
    %dot_general3A_195 = arith.constant dense<0.000000e+00> : vector<512x512xf32>
    %dot_general3A_196 = tpu.matmul %convert_element_type3A_193, %convert_element_type3A_194, %dot_general3A_195 {dimension_numbers = #tpu.dot_dimension_numbers<[1], [1], [0], [0], [0, 0, 1, 0], [], []>, transpose_lhs_hint = false} : vector<512x64xbf16>, vector<512x64xbf16>, vector<512x512xf32> -> vector<512x512xf32>
    %sqrt3A_197 = arith.constant 6.400000e+01 : f32
    %sqrt3A_198 = math.sqrt %sqrt3A_197 : f32
    %div3A_199 = vector.broadcast %sqrt3A_198 : f32 to vector<512x512xf32>
    %div3A_200 = arith.divf %dot_general3A_196, %div3A_199 : vector<512x512xf32>
    %jit3A_201 = arith.constant -1.000000e+09 : f32
    %broadcast_in_dim3A_202 = vector.broadcast %jit3A_201 : f32 to vector<512x512xf32>
    %select_n3A_203 = arith.select %ge3A, %div3A_200, %broadcast_in_dim3A_202 : vector<512x512xi1>, vector<512x512xf32>
    %reduce_max3A_204 = arith.constant dense<0xFF800000> : vector<512xf32>
    %reduce_max3A_205 = vector.multi_reduction <maximumf>, %select_n3A_203, %reduce_max3A_204 [1] : vector<512x512xf32> to vector<512xf32>
    %max3A_206 = arith.constant 0xFF800000 : f32
    %max3A_207 = vector.broadcast %max3A_206 : f32 to vector<512xf32>
    %max3A_208 = arith.maximumf %max3A_207, %reduce_max3A_205 : vector<512xf32>
    %broadcast_in_dim3A_209 = vector.shape_cast %max3A_208 : vector<512xf32> to vector<512x1xf32>
    %sub3A_210 = vector.broadcast %broadcast_in_dim3A_209 : vector<512x1xf32> to vector<512x512xf32>
    %sub3A_211 = arith.subf %select_n3A_203, %sub3A_210 : vector<512x512xf32>
    %exp3A_212 = math.exp %sub3A_211 : vector<512x512xf32>
    %reduce_sum3A_213 = arith.constant dense<0.000000e+00> : vector<512xf32>
    %reduce_sum3A_214 = vector.multi_reduction <add>, %exp3A_212, %reduce_sum3A_213 [1] : vector<512x512xf32> to vector<512xf32>
    %broadcast_in_dim3A_215 = vector.shape_cast %reduce_sum3A_214 : vector<512xf32> to vector<512x1xf32>
    %div3A_216 = vector.broadcast %broadcast_in_dim3A_215 : vector<512x1xf32> to vector<512x512xf32>
    %div3A_217 = arith.divf %exp3A_212, %div3A_216 : vector<512x512xf32>
    %convert_element_type3A_218 = arith.truncf %div3A_217 : vector<512x512xf32> to vector<512x512xbf16>
    %convert_element_type3A_219 = arith.truncf %slice3A_192 : vector<512x64xf32> to vector<512x64xbf16>
    %dot_general3A_220 = arith.constant dense<0.000000e+00> : vector<512x64xf32>
    %dot_general3A_221 = tpu.matmul %convert_element_type3A_218, %convert_element_type3A_219, %dot_general3A_220 {dimension_numbers = #tpu.dot_dimension_numbers<[1], [0], [0], [1], [0, 0, 1, 1], [], []>, transpose_lhs_hint = false} : vector<512x512xbf16>, vector<512x64xbf16>, vector<512x64xf32> -> vector<512x64xf32>
    %slice3A_222 = vector.extract_strided_slice %dot_general3A_35 {offsets = [0, 384], sizes = [512, 64], strides = [1, 1]} : vector<1024x1536xf32> to vector<512x64xf32>
    %slice3A_223 = vector.extract_strided_slice %dot_general3A_35 {offsets = [0, 896], sizes = [512, 64], strides = [1, 1]} : vector<1024x1536xf32> to vector<512x64xf32>
    %slice3A_224 = vector.extract_strided_slice %dot_general3A_35 {offsets = [0, 1408], sizes = [512, 64], strides = [1, 1]} : vector<1024x1536xf32> to vector<512x64xf32>
    %convert_element_type3A_225 = arith.truncf %slice3A_222 : vector<512x64xf32> to vector<512x64xbf16>
    %convert_element_type3A_226 = arith.truncf %slice3A_223 : vector<512x64xf32> to vector<512x64xbf16>
    %dot_general3A_227 = arith.constant dense<0.000000e+00> : vector<512x512xf32>
    %dot_general3A_228 = tpu.matmul %convert_element_type3A_225, %convert_element_type3A_226, %dot_general3A_227 {dimension_numbers = #tpu.dot_dimension_numbers<[1], [1], [0], [0], [0, 0, 1, 0], [], []>, transpose_lhs_hint = false} : vector<512x64xbf16>, vector<512x64xbf16>, vector<512x512xf32> -> vector<512x512xf32>
    %sqrt3A_229 = arith.constant 6.400000e+01 : f32
    %sqrt3A_230 = math.sqrt %sqrt3A_229 : f32
    %div3A_231 = vector.broadcast %sqrt3A_230 : f32 to vector<512x512xf32>
    %div3A_232 = arith.divf %dot_general3A_228, %div3A_231 : vector<512x512xf32>
    %jit3A_233 = arith.constant -1.000000e+09 : f32
    %broadcast_in_dim3A_234 = vector.broadcast %jit3A_233 : f32 to vector<512x512xf32>
    %select_n3A_235 = arith.select %ge3A, %div3A_232, %broadcast_in_dim3A_234 : vector<512x512xi1>, vector<512x512xf32>
    %reduce_max3A_236 = arith.constant dense<0xFF800000> : vector<512xf32>
    %reduce_max3A_237 = vector.multi_reduction <maximumf>, %select_n3A_235, %reduce_max3A_236 [1] : vector<512x512xf32> to vector<512xf32>
    %max3A_238 = arith.constant 0xFF800000 : f32
    %max3A_239 = vector.broadcast %max3A_238 : f32 to vector<512xf32>
    %max3A_240 = arith.maximumf %max3A_239, %reduce_max3A_237 : vector<512xf32>
    %broadcast_in_dim3A_241 = vector.shape_cast %max3A_240 : vector<512xf32> to vector<512x1xf32>
    %sub3A_242 = vector.broadcast %broadcast_in_dim3A_241 : vector<512x1xf32> to vector<512x512xf32>
    %sub3A_243 = arith.subf %select_n3A_235, %sub3A_242 : vector<512x512xf32>
    %exp3A_244 = math.exp %sub3A_243 : vector<512x512xf32>
    %reduce_sum3A_245 = arith.constant dense<0.000000e+00> : vector<512xf32>
    %reduce_sum3A_246 = vector.multi_reduction <add>, %exp3A_244, %reduce_sum3A_245 [1] : vector<512x512xf32> to vector<512xf32>
    %broadcast_in_dim3A_247 = vector.shape_cast %reduce_sum3A_246 : vector<512xf32> to vector<512x1xf32>
    %div3A_248 = vector.broadcast %broadcast_in_dim3A_247 : vector<512x1xf32> to vector<512x512xf32>
    %div3A_249 = arith.divf %exp3A_244, %div3A_248 : vector<512x512xf32>
    %convert_element_type3A_250 = arith.truncf %div3A_249 : vector<512x512xf32> to vector<512x512xbf16>
    %convert_element_type3A_251 = arith.truncf %slice3A_224 : vector<512x64xf32> to vector<512x64xbf16>
    %dot_general3A_252 = arith.constant dense<0.000000e+00> : vector<512x64xf32>
    %dot_general3A_253 = tpu.matmul %convert_element_type3A_250, %convert_element_type3A_251, %dot_general3A_252 {dimension_numbers = #tpu.dot_dimension_numbers<[1], [0], [0], [1], [0, 0, 1, 1], [], []>, transpose_lhs_hint = false} : vector<512x512xbf16>, vector<512x64xbf16>, vector<512x64xf32> -> vector<512x64xf32>
    %slice3A_254 = vector.extract_strided_slice %dot_general3A_35 {offsets = [0, 448], sizes = [512, 64], strides = [1, 1]} : vector<1024x1536xf32> to vector<512x64xf32>
    %slice3A_255 = vector.extract_strided_slice %dot_general3A_35 {offsets = [0, 960], sizes = [512, 64], strides = [1, 1]} : vector<1024x1536xf32> to vector<512x64xf32>
    %slice3A_256 = vector.extract_strided_slice %dot_general3A_35 {offsets = [0, 1472], sizes = [512, 64], strides = [1, 1]} : vector<1024x1536xf32> to vector<512x64xf32>
    %convert_element_type3A_257 = arith.truncf %slice3A_254 : vector<512x64xf32> to vector<512x64xbf16>
    %convert_element_type3A_258 = arith.truncf %slice3A_255 : vector<512x64xf32> to vector<512x64xbf16>
    %dot_general3A_259 = arith.constant dense<0.000000e+00> : vector<512x512xf32>
    %dot_general3A_260 = tpu.matmul %convert_element_type3A_257, %convert_element_type3A_258, %dot_general3A_259 {dimension_numbers = #tpu.dot_dimension_numbers<[1], [1], [0], [0], [0, 0, 1, 0], [], []>, transpose_lhs_hint = false} : vector<512x64xbf16>, vector<512x64xbf16>, vector<512x512xf32> -> vector<512x512xf32>
    %sqrt3A_261 = arith.constant 6.400000e+01 : f32
    %sqrt3A_262 = math.sqrt %sqrt3A_261 : f32
    %div3A_263 = vector.broadcast %sqrt3A_262 : f32 to vector<512x512xf32>
    %div3A_264 = arith.divf %dot_general3A_260, %div3A_263 : vector<512x512xf32>
    %jit3A_265 = arith.constant -1.000000e+09 : f32
    %broadcast_in_dim3A_266 = vector.broadcast %jit3A_265 : f32 to vector<512x512xf32>
    %select_n3A_267 = arith.select %ge3A, %div3A_264, %broadcast_in_dim3A_266 : vector<512x512xi1>, vector<512x512xf32>
    %reduce_max3A_268 = arith.constant dense<0xFF800000> : vector<512xf32>
    %reduce_max3A_269 = vector.multi_reduction <maximumf>, %select_n3A_267, %reduce_max3A_268 [1] : vector<512x512xf32> to vector<512xf32>
    %max3A_270 = arith.constant 0xFF800000 : f32
    %max3A_271 = vector.broadcast %max3A_270 : f32 to vector<512xf32>
    %max3A_272 = arith.maximumf %max3A_271, %reduce_max3A_269 : vector<512xf32>
    %broadcast_in_dim3A_273 = vector.shape_cast %max3A_272 : vector<512xf32> to vector<512x1xf32>
    %sub3A_274 = vector.broadcast %broadcast_in_dim3A_273 : vector<512x1xf32> to vector<512x512xf32>
    %sub3A_275 = arith.subf %select_n3A_267, %sub3A_274 : vector<512x512xf32>
    %exp3A_276 = math.exp %sub3A_275 : vector<512x512xf32>
    %reduce_sum3A_277 = arith.constant dense<0.000000e+00> : vector<512xf32>
    %reduce_sum3A_278 = vector.multi_reduction <add>, %exp3A_276, %reduce_sum3A_277 [1] : vector<512x512xf32> to vector<512xf32>
    %broadcast_in_dim3A_279 = vector.shape_cast %reduce_sum3A_278 : vector<512xf32> to vector<512x1xf32>
    %div3A_280 = vector.broadcast %broadcast_in_dim3A_279 : vector<512x1xf32> to vector<512x512xf32>
    %div3A_281 = arith.divf %exp3A_276, %div3A_280 : vector<512x512xf32>
    %convert_element_type3A_282 = arith.truncf %div3A_281 : vector<512x512xf32> to vector<512x512xbf16>
    %convert_element_type3A_283 = arith.truncf %slice3A_256 : vector<512x64xf32> to vector<512x64xbf16>
    %dot_general3A_284 = arith.constant dense<0.000000e+00> : vector<512x64xf32>
    %dot_general3A_285 = tpu.matmul %convert_element_type3A_282, %convert_element_type3A_283, %dot_general3A_284 {dimension_numbers = #tpu.dot_dimension_numbers<[1], [0], [0], [1], [0, 0, 1, 1], [], []>, transpose_lhs_hint = false} : vector<512x512xbf16>, vector<512x64xbf16>, vector<512x64xf32> -> vector<512x64xf32>
    %concatenate3A = tpu.concatenate %dot_general3A_61, %dot_general3A_93, %dot_general3A_125, %dot_general3A_157, %dot_general3A_189, %dot_general3A_221, %dot_general3A_253, %dot_general3A_285 in 1 : vector<512x64xf32>, vector<512x64xf32>, vector<512x64xf32>, vector<512x64xf32>, vector<512x64xf32>, vector<512x64xf32>, vector<512x64xf32>, vector<512x64xf32> -> vector<512x512xf32>
    %slice3A_286 = vector.extract_strided_slice %add3A {offsets = [0, 0], sizes = [512, 512], strides = [1, 1]} : vector<1024x512xf32> to vector<512x512xf32>
    %get3A_287 = arith.constant 0 : index
    %get3A_288 = arith.constant 0 : index
    %get3A_289 = arith.constant 0 : index
    %get3A_290 = vector.load %arg4[%get3A_287, %get3A_288, %get3A_289] : memref<2x512x512xf32, #tpu.memory_space<vmem>>, vector<1x512x512xf32>
    %get3A_291 = vector.shape_cast %get3A_290 : vector<1x512x512xf32> to vector<512x512xf32>
    %convert_element_type3A_292 = arith.truncf %concatenate3A : vector<512x512xf32> to vector<512x512xbf16>
    %convert_element_type3A_293 = arith.truncf %get3A_291 : vector<512x512xf32> to vector<512x512xbf16>
    %dot_general3A_294 = arith.constant dense<0.000000e+00> : vector<512x512xf32>
    %dot_general3A_295 = tpu.matmul %convert_element_type3A_292, %convert_element_type3A_293, %dot_general3A_294 {dimension_numbers = #tpu.dot_dimension_numbers<[1], [0], [0], [1], [0, 0, 1, 1], [], []>, transpose_lhs_hint = false} : vector<512x512xbf16>, vector<512x512xbf16>, vector<512x512xf32> -> vector<512x512xf32>
    %add3A_296 = arith.addf %slice3A_286, %dot_general3A_295 : vector<512x512xf32>
    %slice3A_297 = vector.extract_strided_slice %dot_general3A_35 {offsets = [512, 0], sizes = [512, 64], strides = [1, 1]} : vector<1024x1536xf32> to vector<512x64xf32>
    %slice3A_298 = vector.extract_strided_slice %dot_general3A_35 {offsets = [0, 512], sizes = [1024, 64], strides = [1, 1]} : vector<1024x1536xf32> to vector<1024x64xf32>
    %slice3A_299 = vector.extract_strided_slice %dot_general3A_35 {offsets = [0, 1024], sizes = [1024, 64], strides = [1, 1]} : vector<1024x1536xf32> to vector<1024x64xf32>
    %convert_element_type3A_300 = arith.truncf %slice3A_297 : vector<512x64xf32> to vector<512x64xbf16>
    %convert_element_type3A_301 = arith.truncf %slice3A_298 : vector<1024x64xf32> to vector<1024x64xbf16>
    %dot_general3A_302 = arith.constant dense<0.000000e+00> : vector<512x1024xf32>
    %dot_general3A_303 = tpu.matmul %convert_element_type3A_300, %convert_element_type3A_301, %dot_general3A_302 {dimension_numbers = #tpu.dot_dimension_numbers<[1], [1], [0], [0], [0, 0, 1, 0], [], []>, transpose_lhs_hint = false} : vector<512x64xbf16>, vector<1024x64xbf16>, vector<512x1024xf32> -> vector<512x1024xf32>
    %sqrt3A_304 = arith.constant 6.400000e+01 : f32
    %sqrt3A_305 = math.sqrt %sqrt3A_304 : f32
    %div3A_306 = vector.broadcast %sqrt3A_305 : f32 to vector<512x1024xf32>
    %div3A_307 = arith.divf %dot_general3A_303, %div3A_306 : vector<512x1024xf32>
    %slice3A_308 = vector.extract_strided_slice %div3A_307 {offsets = [0, 0], sizes = [512, 512], strides = [1, 1]} : vector<512x1024xf32> to vector<512x512xf32>
    %slice3A_309 = vector.extract_strided_slice %div3A_307 {offsets = [0, 512], sizes = [512, 512], strides = [1, 1]} : vector<512x1024xf32> to vector<512x512xf32>
    %jit3A_310 = arith.constant -1.000000e+09 : f32
    %broadcast_in_dim3A_311 = vector.broadcast %jit3A_310 : f32 to vector<512x512xf32>
    %select_n3A_312 = arith.select %ge3A, %slice3A_309, %broadcast_in_dim3A_311 : vector<512x512xi1>, vector<512x512xf32>
    %concatenate3A_313 = tpu.concatenate %slice3A_308, %select_n3A_312 in 1 : vector<512x512xf32>, vector<512x512xf32> -> vector<512x1024xf32>
    %reduce_max3A_314 = arith.constant dense<0xFF800000> : vector<512xf32>
    %reduce_max3A_315 = vector.multi_reduction <maximumf>, %concatenate3A_313, %reduce_max3A_314 [1] : vector<512x1024xf32> to vector<512xf32>
    %max3A_316 = arith.constant 0xFF800000 : f32
    %max3A_317 = vector.broadcast %max3A_316 : f32 to vector<512xf32>
    %max3A_318 = arith.maximumf %max3A_317, %reduce_max3A_315 : vector<512xf32>
    %broadcast_in_dim3A_319 = vector.shape_cast %max3A_318 : vector<512xf32> to vector<512x1xf32>
    %sub3A_320 = vector.broadcast %broadcast_in_dim3A_319 : vector<512x1xf32> to vector<512x1024xf32>
    %sub3A_321 = arith.subf %concatenate3A_313, %sub3A_320 : vector<512x1024xf32>
    %exp3A_322 = math.exp %sub3A_321 : vector<512x1024xf32>
    %reduce_sum3A_323 = arith.constant dense<0.000000e+00> : vector<512xf32>
    %reduce_sum3A_324 = vector.multi_reduction <add>, %exp3A_322, %reduce_sum3A_323 [1] : vector<512x1024xf32> to vector<512xf32>
    %broadcast_in_dim3A_325 = vector.shape_cast %reduce_sum3A_324 : vector<512xf32> to vector<512x1xf32>
    %div3A_326 = vector.broadcast %broadcast_in_dim3A_325 : vector<512x1xf32> to vector<512x1024xf32>
    %div3A_327 = arith.divf %exp3A_322, %div3A_326 : vector<512x1024xf32>
    %convert_element_type3A_328 = arith.truncf %div3A_327 : vector<512x1024xf32> to vector<512x1024xbf16>
    %convert_element_type3A_329 = arith.truncf %slice3A_299 : vector<1024x64xf32> to vector<1024x64xbf16>
    %dot_general3A_330 = arith.constant dense<0.000000e+00> : vector<512x64xf32>
    %dot_general3A_331 = tpu.matmul %convert_element_type3A_328, %convert_element_type3A_329, %dot_general3A_330 {dimension_numbers = #tpu.dot_dimension_numbers<[1], [0], [0], [1], [0, 0, 1, 1], [], []>, transpose_lhs_hint = false} : vector<512x1024xbf16>, vector<1024x64xbf16>, vector<512x64xf32> -> vector<512x64xf32>
    %slice3A_332 = vector.extract_strided_slice %dot_general3A_35 {offsets = [512, 64], sizes = [512, 64], strides = [1, 1]} : vector<1024x1536xf32> to vector<512x64xf32>
    %slice3A_333 = vector.extract_strided_slice %dot_general3A_35 {offsets = [0, 576], sizes = [1024, 64], strides = [1, 1]} : vector<1024x1536xf32> to vector<1024x64xf32>
    %slice3A_334 = vector.extract_strided_slice %dot_general3A_35 {offsets = [0, 1088], sizes = [1024, 64], strides = [1, 1]} : vector<1024x1536xf32> to vector<1024x64xf32>
    %convert_element_type3A_335 = arith.truncf %slice3A_332 : vector<512x64xf32> to vector<512x64xbf16>
    %convert_element_type3A_336 = arith.truncf %slice3A_333 : vector<1024x64xf32> to vector<1024x64xbf16>
    %dot_general3A_337 = arith.constant dense<0.000000e+00> : vector<512x1024xf32>
    %dot_general3A_338 = tpu.matmul %convert_element_type3A_335, %convert_element_type3A_336, %dot_general3A_337 {dimension_numbers = #tpu.dot_dimension_numbers<[1], [1], [0], [0], [0, 0, 1, 0], [], []>, transpose_lhs_hint = false} : vector<512x64xbf16>, vector<1024x64xbf16>, vector<512x1024xf32> -> vector<512x1024xf32>
    %sqrt3A_339 = arith.constant 6.400000e+01 : f32
    %sqrt3A_340 = math.sqrt %sqrt3A_339 : f32
    %div3A_341 = vector.broadcast %sqrt3A_340 : f32 to vector<512x1024xf32>
    %div3A_342 = arith.divf %dot_general3A_338, %div3A_341 : vector<512x1024xf32>
    %slice3A_343 = vector.extract_strided_slice %div3A_342 {offsets = [0, 0], sizes = [512, 512], strides = [1, 1]} : vector<512x1024xf32> to vector<512x512xf32>
    %slice3A_344 = vector.extract_strided_slice %div3A_342 {offsets = [0, 512], sizes = [512, 512], strides = [1, 1]} : vector<512x1024xf32> to vector<512x512xf32>
    %jit3A_345 = arith.constant -1.000000e+09 : f32
    %broadcast_in_dim3A_346 = vector.broadcast %jit3A_345 : f32 to vector<512x512xf32>
    %select_n3A_347 = arith.select %ge3A, %slice3A_344, %broadcast_in_dim3A_346 : vector<512x512xi1>, vector<512x512xf32>
    %concatenate3A_348 = tpu.concatenate %slice3A_343, %select_n3A_347 in 1 : vector<512x512xf32>, vector<512x512xf32> -> vector<512x1024xf32>
    %reduce_max3A_349 = arith.constant dense<0xFF800000> : vector<512xf32>
    %reduce_max3A_350 = vector.multi_reduction <maximumf>, %concatenate3A_348, %reduce_max3A_349 [1] : vector<512x1024xf32> to vector<512xf32>
    %max3A_351 = arith.constant 0xFF800000 : f32
    %max3A_352 = vector.broadcast %max3A_351 : f32 to vector<512xf32>
    %max3A_353 = arith.maximumf %max3A_352, %reduce_max3A_350 : vector<512xf32>
    %broadcast_in_dim3A_354 = vector.shape_cast %max3A_353 : vector<512xf32> to vector<512x1xf32>
    %sub3A_355 = vector.broadcast %broadcast_in_dim3A_354 : vector<512x1xf32> to vector<512x1024xf32>
    %sub3A_356 = arith.subf %concatenate3A_348, %sub3A_355 : vector<512x1024xf32>
    %exp3A_357 = math.exp %sub3A_356 : vector<512x1024xf32>
    %reduce_sum3A_358 = arith.constant dense<0.000000e+00> : vector<512xf32>
    %reduce_sum3A_359 = vector.multi_reduction <add>, %exp3A_357, %reduce_sum3A_358 [1] : vector<512x1024xf32> to vector<512xf32>
    %broadcast_in_dim3A_360 = vector.shape_cast %reduce_sum3A_359 : vector<512xf32> to vector<512x1xf32>
    %div3A_361 = vector.broadcast %broadcast_in_dim3A_360 : vector<512x1xf32> to vector<512x1024xf32>
    %div3A_362 = arith.divf %exp3A_357, %div3A_361 : vector<512x1024xf32>
    %convert_element_type3A_363 = arith.truncf %div3A_362 : vector<512x1024xf32> to vector<512x1024xbf16>
    %convert_element_type3A_364 = arith.truncf %slice3A_334 : vector<1024x64xf32> to vector<1024x64xbf16>
    %dot_general3A_365 = arith.constant dense<0.000000e+00> : vector<512x64xf32>
    %dot_general3A_366 = tpu.matmul %convert_element_type3A_363, %convert_element_type3A_364, %dot_general3A_365 {dimension_numbers = #tpu.dot_dimension_numbers<[1], [0], [0], [1], [0, 0, 1, 1], [], []>, transpose_lhs_hint = false} : vector<512x1024xbf16>, vector<1024x64xbf16>, vector<512x64xf32> -> vector<512x64xf32>
    %slice3A_367 = vector.extract_strided_slice %dot_general3A_35 {offsets = [512, 128], sizes = [512, 64], strides = [1, 1]} : vector<1024x1536xf32> to vector<512x64xf32>
    %slice3A_368 = vector.extract_strided_slice %dot_general3A_35 {offsets = [0, 640], sizes = [1024, 64], strides = [1, 1]} : vector<1024x1536xf32> to vector<1024x64xf32>
    %slice3A_369 = vector.extract_strided_slice %dot_general3A_35 {offsets = [0, 1152], sizes = [1024, 64], strides = [1, 1]} : vector<1024x1536xf32> to vector<1024x64xf32>
    %convert_element_type3A_370 = arith.truncf %slice3A_367 : vector<512x64xf32> to vector<512x64xbf16>
    %convert_element_type3A_371 = arith.truncf %slice3A_368 : vector<1024x64xf32> to vector<1024x64xbf16>
    %dot_general3A_372 = arith.constant dense<0.000000e+00> : vector<512x1024xf32>
    %dot_general3A_373 = tpu.matmul %convert_element_type3A_370, %convert_element_type3A_371, %dot_general3A_372 {dimension_numbers = #tpu.dot_dimension_numbers<[1], [1], [0], [0], [0, 0, 1, 0], [], []>, transpose_lhs_hint = false} : vector<512x64xbf16>, vector<1024x64xbf16>, vector<512x1024xf32> -> vector<512x1024xf32>
    %sqrt3A_374 = arith.constant 6.400000e+01 : f32
    %sqrt3A_375 = math.sqrt %sqrt3A_374 : f32
    %div3A_376 = vector.broadcast %sqrt3A_375 : f32 to vector<512x1024xf32>
    %div3A_377 = arith.divf %dot_general3A_373, %div3A_376 : vector<512x1024xf32>
    %slice3A_378 = vector.extract_strided_slice %div3A_377 {offsets = [0, 0], sizes = [512, 512], strides = [1, 1]} : vector<512x1024xf32> to vector<512x512xf32>
    %slice3A_379 = vector.extract_strided_slice %div3A_377 {offsets = [0, 512], sizes = [512, 512], strides = [1, 1]} : vector<512x1024xf32> to vector<512x512xf32>
    %jit3A_380 = arith.constant -1.000000e+09 : f32
    %broadcast_in_dim3A_381 = vector.broadcast %jit3A_380 : f32 to vector<512x512xf32>
    %select_n3A_382 = arith.select %ge3A, %slice3A_379, %broadcast_in_dim3A_381 : vector<512x512xi1>, vector<512x512xf32>
    %concatenate3A_383 = tpu.concatenate %slice3A_378, %select_n3A_382 in 1 : vector<512x512xf32>, vector<512x512xf32> -> vector<512x1024xf32>
    %reduce_max3A_384 = arith.constant dense<0xFF800000> : vector<512xf32>
    %reduce_max3A_385 = vector.multi_reduction <maximumf>, %concatenate3A_383, %reduce_max3A_384 [1] : vector<512x1024xf32> to vector<512xf32>
    %max3A_386 = arith.constant 0xFF800000 : f32
    %max3A_387 = vector.broadcast %max3A_386 : f32 to vector<512xf32>
    %max3A_388 = arith.maximumf %max3A_387, %reduce_max3A_385 : vector<512xf32>
    %broadcast_in_dim3A_389 = vector.shape_cast %max3A_388 : vector<512xf32> to vector<512x1xf32>
    %sub3A_390 = vector.broadcast %broadcast_in_dim3A_389 : vector<512x1xf32> to vector<512x1024xf32>
    %sub3A_391 = arith.subf %concatenate3A_383, %sub3A_390 : vector<512x1024xf32>
    %exp3A_392 = math.exp %sub3A_391 : vector<512x1024xf32>
    %reduce_sum3A_393 = arith.constant dense<0.000000e+00> : vector<512xf32>
    %reduce_sum3A_394 = vector.multi_reduction <add>, %exp3A_392, %reduce_sum3A_393 [1] : vector<512x1024xf32> to vector<512xf32>
    %broadcast_in_dim3A_395 = vector.shape_cast %reduce_sum3A_394 : vector<512xf32> to vector<512x1xf32>
    %div3A_396 = vector.broadcast %broadcast_in_dim3A_395 : vector<512x1xf32> to vector<512x1024xf32>
    %div3A_397 = arith.divf %exp3A_392, %div3A_396 : vector<512x1024xf32>
    %convert_element_type3A_398 = arith.truncf %div3A_397 : vector<512x1024xf32> to vector<512x1024xbf16>
    %convert_element_type3A_399 = arith.truncf %slice3A_369 : vector<1024x64xf32> to vector<1024x64xbf16>
    %dot_general3A_400 = arith.constant dense<0.000000e+00> : vector<512x64xf32>
    %dot_general3A_401 = tpu.matmul %convert_element_type3A_398, %convert_element_type3A_399, %dot_general3A_400 {dimension_numbers = #tpu.dot_dimension_numbers<[1], [0], [0], [1], [0, 0, 1, 1], [], []>, transpose_lhs_hint = false} : vector<512x1024xbf16>, vector<1024x64xbf16>, vector<512x64xf32> -> vector<512x64xf32>
    %slice3A_402 = vector.extract_strided_slice %dot_general3A_35 {offsets = [512, 192], sizes = [512, 64], strides = [1, 1]} : vector<1024x1536xf32> to vector<512x64xf32>
    %slice3A_403 = vector.extract_strided_slice %dot_general3A_35 {offsets = [0, 704], sizes = [1024, 64], strides = [1, 1]} : vector<1024x1536xf32> to vector<1024x64xf32>
    %slice3A_404 = vector.extract_strided_slice %dot_general3A_35 {offsets = [0, 1216], sizes = [1024, 64], strides = [1, 1]} : vector<1024x1536xf32> to vector<1024x64xf32>
    %convert_element_type3A_405 = arith.truncf %slice3A_402 : vector<512x64xf32> to vector<512x64xbf16>
    %convert_element_type3A_406 = arith.truncf %slice3A_403 : vector<1024x64xf32> to vector<1024x64xbf16>
    %dot_general3A_407 = arith.constant dense<0.000000e+00> : vector<512x1024xf32>
    %dot_general3A_408 = tpu.matmul %convert_element_type3A_405, %convert_element_type3A_406, %dot_general3A_407 {dimension_numbers = #tpu.dot_dimension_numbers<[1], [1], [0], [0], [0, 0, 1, 0], [], []>, transpose_lhs_hint = false} : vector<512x64xbf16>, vector<1024x64xbf16>, vector<512x1024xf32> -> vector<512x1024xf32>
    %sqrt3A_409 = arith.constant 6.400000e+01 : f32
    %sqrt3A_410 = math.sqrt %sqrt3A_409 : f32
    %div3A_411 = vector.broadcast %sqrt3A_410 : f32 to vector<512x1024xf32>
    %div3A_412 = arith.divf %dot_general3A_408, %div3A_411 : vector<512x1024xf32>
    %slice3A_413 = vector.extract_strided_slice %div3A_412 {offsets = [0, 0], sizes = [512, 512], strides = [1, 1]} : vector<512x1024xf32> to vector<512x512xf32>
    %slice3A_414 = vector.extract_strided_slice %div3A_412 {offsets = [0, 512], sizes = [512, 512], strides = [1, 1]} : vector<512x1024xf32> to vector<512x512xf32>
    %jit3A_415 = arith.constant -1.000000e+09 : f32
    %broadcast_in_dim3A_416 = vector.broadcast %jit3A_415 : f32 to vector<512x512xf32>
    %select_n3A_417 = arith.select %ge3A, %slice3A_414, %broadcast_in_dim3A_416 : vector<512x512xi1>, vector<512x512xf32>
    %concatenate3A_418 = tpu.concatenate %slice3A_413, %select_n3A_417 in 1 : vector<512x512xf32>, vector<512x512xf32> -> vector<512x1024xf32>
    %reduce_max3A_419 = arith.constant dense<0xFF800000> : vector<512xf32>
    %reduce_max3A_420 = vector.multi_reduction <maximumf>, %concatenate3A_418, %reduce_max3A_419 [1] : vector<512x1024xf32> to vector<512xf32>
    %max3A_421 = arith.constant 0xFF800000 : f32
    %max3A_422 = vector.broadcast %max3A_421 : f32 to vector<512xf32>
    %max3A_423 = arith.maximumf %max3A_422, %reduce_max3A_420 : vector<512xf32>
    %broadcast_in_dim3A_424 = vector.shape_cast %max3A_423 : vector<512xf32> to vector<512x1xf32>
    %sub3A_425 = vector.broadcast %broadcast_in_dim3A_424 : vector<512x1xf32> to vector<512x1024xf32>
    %sub3A_426 = arith.subf %concatenate3A_418, %sub3A_425 : vector<512x1024xf32>
    %exp3A_427 = math.exp %sub3A_426 : vector<512x1024xf32>
    %reduce_sum3A_428 = arith.constant dense<0.000000e+00> : vector<512xf32>
    %reduce_sum3A_429 = vector.multi_reduction <add>, %exp3A_427, %reduce_sum3A_428 [1] : vector<512x1024xf32> to vector<512xf32>
    %broadcast_in_dim3A_430 = vector.shape_cast %reduce_sum3A_429 : vector<512xf32> to vector<512x1xf32>
    %div3A_431 = vector.broadcast %broadcast_in_dim3A_430 : vector<512x1xf32> to vector<512x1024xf32>
    %div3A_432 = arith.divf %exp3A_427, %div3A_431 : vector<512x1024xf32>
    %convert_element_type3A_433 = arith.truncf %div3A_432 : vector<512x1024xf32> to vector<512x1024xbf16>
    %convert_element_type3A_434 = arith.truncf %slice3A_404 : vector<1024x64xf32> to vector<1024x64xbf16>
    %dot_general3A_435 = arith.constant dense<0.000000e+00> : vector<512x64xf32>
    %dot_general3A_436 = tpu.matmul %convert_element_type3A_433, %convert_element_type3A_434, %dot_general3A_435 {dimension_numbers = #tpu.dot_dimension_numbers<[1], [0], [0], [1], [0, 0, 1, 1], [], []>, transpose_lhs_hint = false} : vector<512x1024xbf16>, vector<1024x64xbf16>, vector<512x64xf32> -> vector<512x64xf32>
    %slice3A_437 = vector.extract_strided_slice %dot_general3A_35 {offsets = [512, 256], sizes = [512, 64], strides = [1, 1]} : vector<1024x1536xf32> to vector<512x64xf32>
    %slice3A_438 = vector.extract_strided_slice %dot_general3A_35 {offsets = [0, 768], sizes = [1024, 64], strides = [1, 1]} : vector<1024x1536xf32> to vector<1024x64xf32>
    %slice3A_439 = vector.extract_strided_slice %dot_general3A_35 {offsets = [0, 1280], sizes = [1024, 64], strides = [1, 1]} : vector<1024x1536xf32> to vector<1024x64xf32>
    %convert_element_type3A_440 = arith.truncf %slice3A_437 : vector<512x64xf32> to vector<512x64xbf16>
    %convert_element_type3A_441 = arith.truncf %slice3A_438 : vector<1024x64xf32> to vector<1024x64xbf16>
    %dot_general3A_442 = arith.constant dense<0.000000e+00> : vector<512x1024xf32>
    %dot_general3A_443 = tpu.matmul %convert_element_type3A_440, %convert_element_type3A_441, %dot_general3A_442 {dimension_numbers = #tpu.dot_dimension_numbers<[1], [1], [0], [0], [0, 0, 1, 0], [], []>, transpose_lhs_hint = false} : vector<512x64xbf16>, vector<1024x64xbf16>, vector<512x1024xf32> -> vector<512x1024xf32>
    %sqrt3A_444 = arith.constant 6.400000e+01 : f32
    %sqrt3A_445 = math.sqrt %sqrt3A_444 : f32
    %div3A_446 = vector.broadcast %sqrt3A_445 : f32 to vector<512x1024xf32>
    %div3A_447 = arith.divf %dot_general3A_443, %div3A_446 : vector<512x1024xf32>
    %slice3A_448 = vector.extract_strided_slice %div3A_447 {offsets = [0, 0], sizes = [512, 512], strides = [1, 1]} : vector<512x1024xf32> to vector<512x512xf32>
    %slice3A_449 = vector.extract_strided_slice %div3A_447 {offsets = [0, 512], sizes = [512, 512], strides = [1, 1]} : vector<512x1024xf32> to vector<512x512xf32>
    %jit3A_450 = arith.constant -1.000000e+09 : f32
    %broadcast_in_dim3A_451 = vector.broadcast %jit3A_450 : f32 to vector<512x512xf32>
    %select_n3A_452 = arith.select %ge3A, %slice3A_449, %broadcast_in_dim3A_451 : vector<512x512xi1>, vector<512x512xf32>
    %concatenate3A_453 = tpu.concatenate %slice3A_448, %select_n3A_452 in 1 : vector<512x512xf32>, vector<512x512xf32> -> vector<512x1024xf32>
    %reduce_max3A_454 = arith.constant dense<0xFF800000> : vector<512xf32>
    %reduce_max3A_455 = vector.multi_reduction <maximumf>, %concatenate3A_453, %reduce_max3A_454 [1] : vector<512x1024xf32> to vector<512xf32>
    %max3A_456 = arith.constant 0xFF800000 : f32
    %max3A_457 = vector.broadcast %max3A_456 : f32 to vector<512xf32>
    %max3A_458 = arith.maximumf %max3A_457, %reduce_max3A_455 : vector<512xf32>
    %broadcast_in_dim3A_459 = vector.shape_cast %max3A_458 : vector<512xf32> to vector<512x1xf32>
    %sub3A_460 = vector.broadcast %broadcast_in_dim3A_459 : vector<512x1xf32> to vector<512x1024xf32>
    %sub3A_461 = arith.subf %concatenate3A_453, %sub3A_460 : vector<512x1024xf32>
    %exp3A_462 = math.exp %sub3A_461 : vector<512x1024xf32>
    %reduce_sum3A_463 = arith.constant dense<0.000000e+00> : vector<512xf32>
    %reduce_sum3A_464 = vector.multi_reduction <add>, %exp3A_462, %reduce_sum3A_463 [1] : vector<512x1024xf32> to vector<512xf32>
    %broadcast_in_dim3A_465 = vector.shape_cast %reduce_sum3A_464 : vector<512xf32> to vector<512x1xf32>
    %div3A_466 = vector.broadcast %broadcast_in_dim3A_465 : vector<512x1xf32> to vector<512x1024xf32>
    %div3A_467 = arith.divf %exp3A_462, %div3A_466 : vector<512x1024xf32>
    %convert_element_type3A_468 = arith.truncf %div3A_467 : vector<512x1024xf32> to vector<512x1024xbf16>
    %convert_element_type3A_469 = arith.truncf %slice3A_439 : vector<1024x64xf32> to vector<1024x64xbf16>
    %dot_general3A_470 = arith.constant dense<0.000000e+00> : vector<512x64xf32>
    %dot_general3A_471 = tpu.matmul %convert_element_type3A_468, %convert_element_type3A_469, %dot_general3A_470 {dimension_numbers = #tpu.dot_dimension_numbers<[1], [0], [0], [1], [0, 0, 1, 1], [], []>, transpose_lhs_hint = false} : vector<512x1024xbf16>, vector<1024x64xbf16>, vector<512x64xf32> -> vector<512x64xf32>
    %slice3A_472 = vector.extract_strided_slice %dot_general3A_35 {offsets = [512, 320], sizes = [512, 64], strides = [1, 1]} : vector<1024x1536xf32> to vector<512x64xf32>
    %slice3A_473 = vector.extract_strided_slice %dot_general3A_35 {offsets = [0, 832], sizes = [1024, 64], strides = [1, 1]} : vector<1024x1536xf32> to vector<1024x64xf32>
    %slice3A_474 = vector.extract_strided_slice %dot_general3A_35 {offsets = [0, 1344], sizes = [1024, 64], strides = [1, 1]} : vector<1024x1536xf32> to vector<1024x64xf32>
    %convert_element_type3A_475 = arith.truncf %slice3A_472 : vector<512x64xf32> to vector<512x64xbf16>
    %convert_element_type3A_476 = arith.truncf %slice3A_473 : vector<1024x64xf32> to vector<1024x64xbf16>
    %dot_general3A_477 = arith.constant dense<0.000000e+00> : vector<512x1024xf32>
    %dot_general3A_478 = tpu.matmul %convert_element_type3A_475, %convert_element_type3A_476, %dot_general3A_477 {dimension_numbers = #tpu.dot_dimension_numbers<[1], [1], [0], [0], [0, 0, 1, 0], [], []>, transpose_lhs_hint = false} : vector<512x64xbf16>, vector<1024x64xbf16>, vector<512x1024xf32> -> vector<512x1024xf32>
    %sqrt3A_479 = arith.constant 6.400000e+01 : f32
    %sqrt3A_480 = math.sqrt %sqrt3A_479 : f32
    %div3A_481 = vector.broadcast %sqrt3A_480 : f32 to vector<512x1024xf32>
    %div3A_482 = arith.divf %dot_general3A_478, %div3A_481 : vector<512x1024xf32>
    %slice3A_483 = vector.extract_strided_slice %div3A_482 {offsets = [0, 0], sizes = [512, 512], strides = [1, 1]} : vector<512x1024xf32> to vector<512x512xf32>
    %slice3A_484 = vector.extract_strided_slice %div3A_482 {offsets = [0, 512], sizes = [512, 512], strides = [1, 1]} : vector<512x1024xf32> to vector<512x512xf32>
    %jit3A_485 = arith.constant -1.000000e+09 : f32
    %broadcast_in_dim3A_486 = vector.broadcast %jit3A_485 : f32 to vector<512x512xf32>
    %select_n3A_487 = arith.select %ge3A, %slice3A_484, %broadcast_in_dim3A_486 : vector<512x512xi1>, vector<512x512xf32>
    %concatenate3A_488 = tpu.concatenate %slice3A_483, %select_n3A_487 in 1 : vector<512x512xf32>, vector<512x512xf32> -> vector<512x1024xf32>
    %reduce_max3A_489 = arith.constant dense<0xFF800000> : vector<512xf32>
    %reduce_max3A_490 = vector.multi_reduction <maximumf>, %concatenate3A_488, %reduce_max3A_489 [1] : vector<512x1024xf32> to vector<512xf32>
    %max3A_491 = arith.constant 0xFF800000 : f32
    %max3A_492 = vector.broadcast %max3A_491 : f32 to vector<512xf32>
    %max3A_493 = arith.maximumf %max3A_492, %reduce_max3A_490 : vector<512xf32>
    %broadcast_in_dim3A_494 = vector.shape_cast %max3A_493 : vector<512xf32> to vector<512x1xf32>
    %sub3A_495 = vector.broadcast %broadcast_in_dim3A_494 : vector<512x1xf32> to vector<512x1024xf32>
    %sub3A_496 = arith.subf %concatenate3A_488, %sub3A_495 : vector<512x1024xf32>
    %exp3A_497 = math.exp %sub3A_496 : vector<512x1024xf32>
    %reduce_sum3A_498 = arith.constant dense<0.000000e+00> : vector<512xf32>
    %reduce_sum3A_499 = vector.multi_reduction <add>, %exp3A_497, %reduce_sum3A_498 [1] : vector<512x1024xf32> to vector<512xf32>
    %broadcast_in_dim3A_500 = vector.shape_cast %reduce_sum3A_499 : vector<512xf32> to vector<512x1xf32>
    %div3A_501 = vector.broadcast %broadcast_in_dim3A_500 : vector<512x1xf32> to vector<512x1024xf32>
    %div3A_502 = arith.divf %exp3A_497, %div3A_501 : vector<512x1024xf32>
    %convert_element_type3A_503 = arith.truncf %div3A_502 : vector<512x1024xf32> to vector<512x1024xbf16>
    %convert_element_type3A_504 = arith.truncf %slice3A_474 : vector<1024x64xf32> to vector<1024x64xbf16>
    %dot_general3A_505 = arith.constant dense<0.000000e+00> : vector<512x64xf32>
    %dot_general3A_506 = tpu.matmul %convert_element_type3A_503, %convert_element_type3A_504, %dot_general3A_505 {dimension_numbers = #tpu.dot_dimension_numbers<[1], [0], [0], [1], [0, 0, 1, 1], [], []>, transpose_lhs_hint = false} : vector<512x1024xbf16>, vector<1024x64xbf16>, vector<512x64xf32> -> vector<512x64xf32>
    %slice3A_507 = vector.extract_strided_slice %dot_general3A_35 {offsets = [512, 384], sizes = [512, 64], strides = [1, 1]} : vector<1024x1536xf32> to vector<512x64xf32>
    %slice3A_508 = vector.extract_strided_slice %dot_general3A_35 {offsets = [0, 896], sizes = [1024, 64], strides = [1, 1]} : vector<1024x1536xf32> to vector<1024x64xf32>
    %slice3A_509 = vector.extract_strided_slice %dot_general3A_35 {offsets = [0, 1408], sizes = [1024, 64], strides = [1, 1]} : vector<1024x1536xf32> to vector<1024x64xf32>
    %convert_element_type3A_510 = arith.truncf %slice3A_507 : vector<512x64xf32> to vector<512x64xbf16>
    %convert_element_type3A_511 = arith.truncf %slice3A_508 : vector<1024x64xf32> to vector<1024x64xbf16>
    %dot_general3A_512 = arith.constant dense<0.000000e+00> : vector<512x1024xf32>
    %dot_general3A_513 = tpu.matmul %convert_element_type3A_510, %convert_element_type3A_511, %dot_general3A_512 {dimension_numbers = #tpu.dot_dimension_numbers<[1], [1], [0], [0], [0, 0, 1, 0], [], []>, transpose_lhs_hint = false} : vector<512x64xbf16>, vector<1024x64xbf16>, vector<512x1024xf32> -> vector<512x1024xf32>
    %sqrt3A_514 = arith.constant 6.400000e+01 : f32
    %sqrt3A_515 = math.sqrt %sqrt3A_514 : f32
    %div3A_516 = vector.broadcast %sqrt3A_515 : f32 to vector<512x1024xf32>
    %div3A_517 = arith.divf %dot_general3A_513, %div3A_516 : vector<512x1024xf32>
    %slice3A_518 = vector.extract_strided_slice %div3A_517 {offsets = [0, 0], sizes = [512, 512], strides = [1, 1]} : vector<512x1024xf32> to vector<512x512xf32>
    %slice3A_519 = vector.extract_strided_slice %div3A_517 {offsets = [0, 512], sizes = [512, 512], strides = [1, 1]} : vector<512x1024xf32> to vector<512x512xf32>
    %jit3A_520 = arith.constant -1.000000e+09 : f32
    %broadcast_in_dim3A_521 = vector.broadcast %jit3A_520 : f32 to vector<512x512xf32>
    %select_n3A_522 = arith.select %ge3A, %slice3A_519, %broadcast_in_dim3A_521 : vector<512x512xi1>, vector<512x512xf32>
    %concatenate3A_523 = tpu.concatenate %slice3A_518, %select_n3A_522 in 1 : vector<512x512xf32>, vector<512x512xf32> -> vector<512x1024xf32>
    %reduce_max3A_524 = arith.constant dense<0xFF800000> : vector<512xf32>
    %reduce_max3A_525 = vector.multi_reduction <maximumf>, %concatenate3A_523, %reduce_max3A_524 [1] : vector<512x1024xf32> to vector<512xf32>
    %max3A_526 = arith.constant 0xFF800000 : f32
    %max3A_527 = vector.broadcast %max3A_526 : f32 to vector<512xf32>
    %max3A_528 = arith.maximumf %max3A_527, %reduce_max3A_525 : vector<512xf32>
    %broadcast_in_dim3A_529 = vector.shape_cast %max3A_528 : vector<512xf32> to vector<512x1xf32>
    %sub3A_530 = vector.broadcast %broadcast_in_dim3A_529 : vector<512x1xf32> to vector<512x1024xf32>
    %sub3A_531 = arith.subf %concatenate3A_523, %sub3A_530 : vector<512x1024xf32>
    %exp3A_532 = math.exp %sub3A_531 : vector<512x1024xf32>
    %reduce_sum3A_533 = arith.constant dense<0.000000e+00> : vector<512xf32>
    %reduce_sum3A_534 = vector.multi_reduction <add>, %exp3A_532, %reduce_sum3A_533 [1] : vector<512x1024xf32> to vector<512xf32>
    %broadcast_in_dim3A_535 = vector.shape_cast %reduce_sum3A_534 : vector<512xf32> to vector<512x1xf32>
    %div3A_536 = vector.broadcast %broadcast_in_dim3A_535 : vector<512x1xf32> to vector<512x1024xf32>
    %div3A_537 = arith.divf %exp3A_532, %div3A_536 : vector<512x1024xf32>
    %convert_element_type3A_538 = arith.truncf %div3A_537 : vector<512x1024xf32> to vector<512x1024xbf16>
    %convert_element_type3A_539 = arith.truncf %slice3A_509 : vector<1024x64xf32> to vector<1024x64xbf16>
    %dot_general3A_540 = arith.constant dense<0.000000e+00> : vector<512x64xf32>
    %dot_general3A_541 = tpu.matmul %convert_element_type3A_538, %convert_element_type3A_539, %dot_general3A_540 {dimension_numbers = #tpu.dot_dimension_numbers<[1], [0], [0], [1], [0, 0, 1, 1], [], []>, transpose_lhs_hint = false} : vector<512x1024xbf16>, vector<1024x64xbf16>, vector<512x64xf32> -> vector<512x64xf32>
    %slice3A_542 = vector.extract_strided_slice %dot_general3A_35 {offsets = [512, 448], sizes = [512, 64], strides = [1, 1]} : vector<1024x1536xf32> to vector<512x64xf32>
    %slice3A_543 = vector.extract_strided_slice %dot_general3A_35 {offsets = [0, 960], sizes = [1024, 64], strides = [1, 1]} : vector<1024x1536xf32> to vector<1024x64xf32>
    %slice3A_544 = vector.extract_strided_slice %dot_general3A_35 {offsets = [0, 1472], sizes = [1024, 64], strides = [1, 1]} : vector<1024x1536xf32> to vector<1024x64xf32>
    %convert_element_type3A_545 = arith.truncf %slice3A_542 : vector<512x64xf32> to vector<512x64xbf16>
    %convert_element_type3A_546 = arith.truncf %slice3A_543 : vector<1024x64xf32> to vector<1024x64xbf16>
    %dot_general3A_547 = arith.constant dense<0.000000e+00> : vector<512x1024xf32>
    %dot_general3A_548 = tpu.matmul %convert_element_type3A_545, %convert_element_type3A_546, %dot_general3A_547 {dimension_numbers = #tpu.dot_dimension_numbers<[1], [1], [0], [0], [0, 0, 1, 0], [], []>, transpose_lhs_hint = false} : vector<512x64xbf16>, vector<1024x64xbf16>, vector<512x1024xf32> -> vector<512x1024xf32>
    %sqrt3A_549 = arith.constant 6.400000e+01 : f32
    %sqrt3A_550 = math.sqrt %sqrt3A_549 : f32
    %div3A_551 = vector.broadcast %sqrt3A_550 : f32 to vector<512x1024xf32>
    %div3A_552 = arith.divf %dot_general3A_548, %div3A_551 : vector<512x1024xf32>
    %slice3A_553 = vector.extract_strided_slice %div3A_552 {offsets = [0, 0], sizes = [512, 512], strides = [1, 1]} : vector<512x1024xf32> to vector<512x512xf32>
    %slice3A_554 = vector.extract_strided_slice %div3A_552 {offsets = [0, 512], sizes = [512, 512], strides = [1, 1]} : vector<512x1024xf32> to vector<512x512xf32>
    %jit3A_555 = arith.constant -1.000000e+09 : f32
    %broadcast_in_dim3A_556 = vector.broadcast %jit3A_555 : f32 to vector<512x512xf32>
    %select_n3A_557 = arith.select %ge3A, %slice3A_554, %broadcast_in_dim3A_556 : vector<512x512xi1>, vector<512x512xf32>
    %concatenate3A_558 = tpu.concatenate %slice3A_553, %select_n3A_557 in 1 : vector<512x512xf32>, vector<512x512xf32> -> vector<512x1024xf32>
    %reduce_max3A_559 = arith.constant dense<0xFF800000> : vector<512xf32>
    %reduce_max3A_560 = vector.multi_reduction <maximumf>, %concatenate3A_558, %reduce_max3A_559 [1] : vector<512x1024xf32> to vector<512xf32>
    %max3A_561 = arith.constant 0xFF800000 : f32
    %max3A_562 = vector.broadcast %max3A_561 : f32 to vector<512xf32>
    %max3A_563 = arith.maximumf %max3A_562, %reduce_max3A_560 : vector<512xf32>
    %broadcast_in_dim3A_564 = vector.shape_cast %max3A_563 : vector<512xf32> to vector<512x1xf32>
    %sub3A_565 = vector.broadcast %broadcast_in_dim3A_564 : vector<512x1xf32> to vector<512x1024xf32>
    %sub3A_566 = arith.subf %concatenate3A_558, %sub3A_565 : vector<512x1024xf32>
    %exp3A_567 = math.exp %sub3A_566 : vector<512x1024xf32>
    %reduce_sum3A_568 = arith.constant dense<0.000000e+00> : vector<512xf32>
    %reduce_sum3A_569 = vector.multi_reduction <add>, %exp3A_567, %reduce_sum3A_568 [1] : vector<512x1024xf32> to vector<512xf32>
    %broadcast_in_dim3A_570 = vector.shape_cast %reduce_sum3A_569 : vector<512xf32> to vector<512x1xf32>
    %div3A_571 = vector.broadcast %broadcast_in_dim3A_570 : vector<512x1xf32> to vector<512x1024xf32>
    %div3A_572 = arith.divf %exp3A_567, %div3A_571 : vector<512x1024xf32>
    %convert_element_type3A_573 = arith.truncf %div3A_572 : vector<512x1024xf32> to vector<512x1024xbf16>
    %convert_element_type3A_574 = arith.truncf %slice3A_544 : vector<1024x64xf32> to vector<1024x64xbf16>
    %dot_general3A_575 = arith.constant dense<0.000000e+00> : vector<512x64xf32>
    %dot_general3A_576 = tpu.matmul %convert_element_type3A_573, %convert_element_type3A_574, %dot_general3A_575 {dimension_numbers = #tpu.dot_dimension_numbers<[1], [0], [0], [1], [0, 0, 1, 1], [], []>, transpose_lhs_hint = false} : vector<512x1024xbf16>, vector<1024x64xbf16>, vector<512x64xf32> -> vector<512x64xf32>
    %concatenate3A_577 = tpu.concatenate %dot_general3A_331, %dot_general3A_366, %dot_general3A_401, %dot_general3A_436, %dot_general3A_471, %dot_general3A_506, %dot_general3A_541, %dot_general3A_576 in 1 : vector<512x64xf32>, vector<512x64xf32>, vector<512x64xf32>, vector<512x64xf32>, vector<512x64xf32>, vector<512x64xf32>, vector<512x64xf32>, vector<512x64xf32> -> vector<512x512xf32>
    %slice3A_578 = vector.extract_strided_slice %add3A {offsets = [512, 0], sizes = [512, 512], strides = [1, 1]} : vector<1024x512xf32> to vector<512x512xf32>
    %get3A_579 = arith.constant 0 : index
    %get3A_580 = arith.constant 0 : index
    %get3A_581 = arith.constant 0 : index
    %get3A_582 = vector.load %arg4[%get3A_579, %get3A_580, %get3A_581] : memref<2x512x512xf32, #tpu.memory_space<vmem>>, vector<1x512x512xf32>
    %get3A_583 = vector.shape_cast %get3A_582 : vector<1x512x512xf32> to vector<512x512xf32>
    %convert_element_type3A_584 = arith.truncf %concatenate3A_577 : vector<512x512xf32> to vector<512x512xbf16>
    %convert_element_type3A_585 = arith.truncf %get3A_583 : vector<512x512xf32> to vector<512x512xbf16>
    %dot_general3A_586 = arith.constant dense<0.000000e+00> : vector<512x512xf32>
    %dot_general3A_587 = tpu.matmul %convert_element_type3A_584, %convert_element_type3A_585, %dot_general3A_586 {dimension_numbers = #tpu.dot_dimension_numbers<[1], [0], [0], [1], [0, 0, 1, 1], [], []>, transpose_lhs_hint = false} : vector<512x512xbf16>, vector<512x512xbf16>, vector<512x512xf32> -> vector<512x512xf32>
    %add3A_588 = arith.addf %slice3A_578, %dot_general3A_587 : vector<512x512xf32>
    %concatenate3A_589 = tpu.concatenate %add3A_296, %add3A_588 in 0 : vector<512x512xf32>, vector<512x512xf32> -> vector<1024x512xf32>
    %get3A_590 = arith.constant 0 : index
    %get3A_591 = arith.constant 0 : index
    %get3A_592 = vector.load %arg6[%get3A_590, %get3A_591] : memref<2x512xf32, #tpu.memory_space<vmem>>, vector<1x512xf32>
    %reduce_sum3A_593 = arith.constant dense<0.000000e+00> : vector<1024xf32>
    %reduce_sum3A_594 = vector.multi_reduction <add>, %concatenate3A_589, %reduce_sum3A_593 [1] : vector<1024x512xf32> to vector<1024xf32>
    %broadcast_in_dim3A_595 = vector.shape_cast %reduce_sum3A_594 : vector<1024xf32> to vector<1024x1xf32>
    %div3A_596 = arith.constant 5.120000e+02 : f32
    %div3A_597 = vector.broadcast %div3A_596 : f32 to vector<1024x1xf32>
    %div3A_598 = arith.divf %broadcast_in_dim3A_595, %div3A_597 : vector<1024x1xf32>
    %sub3A_599 = vector.broadcast %div3A_598 : vector<1024x1xf32> to vector<1024x512xf32>
    %sub3A_600 = arith.subf %concatenate3A_589, %sub3A_599 : vector<1024x512xf32>
    %integer_pow3A_601 = arith.mulf %sub3A_600, %sub3A_600 : vector<1024x512xf32>
    %reduce_sum3A_602 = arith.constant dense<0.000000e+00> : vector<1024xf32>
    %reduce_sum3A_603 = vector.multi_reduction <add>, %integer_pow3A_601, %reduce_sum3A_602 [1] : vector<1024x512xf32> to vector<1024xf32>
    %broadcast_in_dim3A_604 = vector.shape_cast %reduce_sum3A_603 : vector<1024xf32> to vector<1024x1xf32>
    %div3A_605 = arith.constant 5.120000e+02 : f32
    %div3A_606 = vector.broadcast %div3A_605 : f32 to vector<1024x1xf32>
    %div3A_607 = arith.divf %broadcast_in_dim3A_604, %div3A_606 : vector<1024x1xf32>
    %sub3A_608 = vector.broadcast %div3A_598 : vector<1024x1xf32> to vector<1024x512xf32>
    %sub3A_609 = arith.subf %concatenate3A_589, %sub3A_608 : vector<1024x512xf32>
    %add3A_610 = arith.constant 9.99999974E-6 : f32
    %add3A_611 = vector.broadcast %add3A_610 : f32 to vector<1024x1xf32>
    %add3A_612 = arith.addf %div3A_607, %add3A_611 : vector<1024x1xf32>
    %sqrt3A_613 = math.sqrt %add3A_612 : vector<1024x1xf32>
    %div3A_614 = vector.broadcast %sqrt3A_613 : vector<1024x1xf32> to vector<1024x512xf32>
    %div3A_615 = arith.divf %sub3A_609, %div3A_614 : vector<1024x512xf32>
    %mul3A_616 = vector.broadcast %get3A_592 : vector<1x512xf32> to vector<1024x512xf32>
    %mul3A_617 = arith.mulf %div3A_615, %mul3A_616 : vector<1024x512xf32>
    %get3A_618 = arith.constant 0 : index
    %get3A_619 = arith.constant 0 : index
    %get3A_620 = arith.constant 0 : index
    %get3A_621 = vector.load %arg7[%get3A_618, %get3A_619, %get3A_620] : memref<2x512x2048xf32, #tpu.memory_space<vmem>>, vector<1x512x2048xf32>
    %get3A_622 = vector.shape_cast %get3A_621 : vector<1x512x2048xf32> to vector<512x2048xf32>
    %convert_element_type3A_623 = arith.truncf %mul3A_617 : vector<1024x512xf32> to vector<1024x512xbf16>
    %convert_element_type3A_624 = arith.truncf %get3A_622 : vector<512x2048xf32> to vector<512x2048xbf16>
    %dot_general3A_625 = arith.constant dense<0.000000e+00> : vector<1024x2048xf32>
    %dot_general3A_626 = tpu.matmul %convert_element_type3A_623, %convert_element_type3A_624, %dot_general3A_625 {dimension_numbers = #tpu.dot_dimension_numbers<[1], [0], [0], [1], [0, 0, 1, 1], [], []>, transpose_lhs_hint = false} : vector<1024x512xbf16>, vector<512x2048xbf16>, vector<1024x2048xf32> -> vector<1024x2048xf32>
    %integer_pow3A_627 = arith.mulf %dot_general3A_626, %dot_general3A_626 : vector<1024x2048xf32>
    %integer_pow3A_628 = arith.mulf %dot_general3A_626, %integer_pow3A_627 : vector<1024x2048xf32>
    %mul3A_629 = arith.constant 4.471500e-02 : f32
    %mul3A_630 = vector.broadcast %mul3A_629 : f32 to vector<1024x2048xf32>
    %mul3A_631 = arith.mulf %mul3A_630, %integer_pow3A_628 : vector<1024x2048xf32>
    %add3A_632 = arith.addf %dot_general3A_626, %mul3A_631 : vector<1024x2048xf32>
    %mul3A_633 = arith.constant 0.797884583 : f32
    %mul3A_634 = vector.broadcast %mul3A_633 : f32 to vector<1024x2048xf32>
    %mul3A_635 = arith.mulf %mul3A_634, %add3A_632 : vector<1024x2048xf32>
    %tanh3A = math.tanh %mul3A_635 : vector<1024x2048xf32>
    %add3A_636 = arith.constant 1.000000e+00 : f32
    %add3A_637 = vector.broadcast %add3A_636 : f32 to vector<1024x2048xf32>
    %add3A_638 = arith.addf %add3A_637, %tanh3A : vector<1024x2048xf32>
    %mul3A_639 = arith.constant 5.000000e-01 : f32
    %mul3A_640 = vector.broadcast %mul3A_639 : f32 to vector<1024x2048xf32>
    %mul3A_641 = arith.mulf %mul3A_640, %add3A_638 : vector<1024x2048xf32>
    %mul3A_642 = arith.mulf %dot_general3A_626, %mul3A_641 : vector<1024x2048xf32>
    %get3A_643 = arith.constant 0 : index
    %get3A_644 = arith.constant 0 : index
    %get3A_645 = arith.constant 0 : index
    %get3A_646 = vector.load %arg8[%get3A_643, %get3A_644, %get3A_645] : memref<2x2048x512xf32, #tpu.memory_space<vmem>>, vector<1x2048x512xf32>
    %get3A_647 = vector.shape_cast %get3A_646 : vector<1x2048x512xf32> to vector<2048x512xf32>
    %convert_element_type3A_648 = arith.truncf %mul3A_642 : vector<1024x2048xf32> to vector<1024x2048xbf16>
    %convert_element_type3A_649 = arith.truncf %get3A_647 : vector<2048x512xf32> to vector<2048x512xbf16>
    %dot_general3A_650 = arith.constant dense<0.000000e+00> : vector<1024x512xf32>
    %dot_general3A_651 = tpu.matmul %convert_element_type3A_648, %convert_element_type3A_649, %dot_general3A_650 {dimension_numbers = #tpu.dot_dimension_numbers<[1], [0], [0], [1], [0, 0, 1, 1], [], []>, transpose_lhs_hint = false} : vector<1024x2048xbf16>, vector<2048x512xbf16>, vector<1024x512xf32> -> vector<1024x512xf32>
    %add3A_652 = arith.addf %concatenate3A_589, %dot_general3A_651 : vector<1024x512xf32>
    %get3A_653 = arith.constant 1 : index
    %get3A_654 = arith.constant 0 : index
    %get3A_655 = vector.load %arg5[%get3A_653, %get3A_654] : memref<2x512xf32, #tpu.memory_space<vmem>>, vector<1x512xf32>
    %reduce_sum3A_656 = arith.constant dense<0.000000e+00> : vector<1024xf32>
    %reduce_sum3A_657 = vector.multi_reduction <add>, %add3A_652, %reduce_sum3A_656 [1] : vector<1024x512xf32> to vector<1024xf32>
    %broadcast_in_dim3A_658 = vector.shape_cast %reduce_sum3A_657 : vector<1024xf32> to vector<1024x1xf32>
    %div3A_659 = arith.constant 5.120000e+02 : f32
    %div3A_660 = vector.broadcast %div3A_659 : f32 to vector<1024x1xf32>
    %div3A_661 = arith.divf %broadcast_in_dim3A_658, %div3A_660 : vector<1024x1xf32>
    %sub3A_662 = vector.broadcast %div3A_661 : vector<1024x1xf32> to vector<1024x512xf32>
    %sub3A_663 = arith.subf %add3A_652, %sub3A_662 : vector<1024x512xf32>
    %integer_pow3A_664 = arith.mulf %sub3A_663, %sub3A_663 : vector<1024x512xf32>
    %reduce_sum3A_665 = arith.constant dense<0.000000e+00> : vector<1024xf32>
    %reduce_sum3A_666 = vector.multi_reduction <add>, %integer_pow3A_664, %reduce_sum3A_665 [1] : vector<1024x512xf32> to vector<1024xf32>
    %broadcast_in_dim3A_667 = vector.shape_cast %reduce_sum3A_666 : vector<1024xf32> to vector<1024x1xf32>
    %div3A_668 = arith.constant 5.120000e+02 : f32
    %div3A_669 = vector.broadcast %div3A_668 : f32 to vector<1024x1xf32>
    %div3A_670 = arith.divf %broadcast_in_dim3A_667, %div3A_669 : vector<1024x1xf32>
    %sub3A_671 = vector.broadcast %div3A_661 : vector<1024x1xf32> to vector<1024x512xf32>
    %sub3A_672 = arith.subf %add3A_652, %sub3A_671 : vector<1024x512xf32>
    %add3A_673 = arith.constant 9.99999974E-6 : f32
    %add3A_674 = vector.broadcast %add3A_673 : f32 to vector<1024x1xf32>
    %add3A_675 = arith.addf %div3A_670, %add3A_674 : vector<1024x1xf32>
    %sqrt3A_676 = math.sqrt %add3A_675 : vector<1024x1xf32>
    %div3A_677 = vector.broadcast %sqrt3A_676 : vector<1024x1xf32> to vector<1024x512xf32>
    %div3A_678 = arith.divf %sub3A_672, %div3A_677 : vector<1024x512xf32>
    %mul3A_679 = vector.broadcast %get3A_655 : vector<1x512xf32> to vector<1024x512xf32>
    %mul3A_680 = arith.mulf %div3A_678, %mul3A_679 : vector<1024x512xf32>
    %get3A_681 = arith.constant 1 : index
    %get3A_682 = arith.constant 0 : index
    %get3A_683 = arith.constant 0 : index
    %get3A_684 = vector.load %arg3[%get3A_681, %get3A_682, %get3A_683] : memref<2x512x1536xf32, #tpu.memory_space<vmem>>, vector<1x512x1536xf32>
    %get3A_685 = vector.shape_cast %get3A_684 : vector<1x512x1536xf32> to vector<512x1536xf32>
    %convert_element_type3A_686 = arith.truncf %mul3A_680 : vector<1024x512xf32> to vector<1024x512xbf16>
    %convert_element_type3A_687 = arith.truncf %get3A_685 : vector<512x1536xf32> to vector<512x1536xbf16>
    %dot_general3A_688 = arith.constant dense<0.000000e+00> : vector<1024x1536xf32>
    %dot_general3A_689 = tpu.matmul %convert_element_type3A_686, %convert_element_type3A_687, %dot_general3A_688 {dimension_numbers = #tpu.dot_dimension_numbers<[1], [0], [0], [1], [0, 0, 1, 1], [], []>, transpose_lhs_hint = false} : vector<1024x512xbf16>, vector<512x1536xbf16>, vector<1024x1536xf32> -> vector<1024x1536xf32>
    %slice3A_690 = vector.extract_strided_slice %dot_general3A_689 {offsets = [0, 0], sizes = [512, 64], strides = [1, 1]} : vector<1024x1536xf32> to vector<512x64xf32>
    %slice3A_691 = vector.extract_strided_slice %dot_general3A_689 {offsets = [0, 512], sizes = [512, 64], strides = [1, 1]} : vector<1024x1536xf32> to vector<512x64xf32>
    %slice3A_692 = vector.extract_strided_slice %dot_general3A_689 {offsets = [0, 1024], sizes = [512, 64], strides = [1, 1]} : vector<1024x1536xf32> to vector<512x64xf32>
    %convert_element_type3A_693 = arith.truncf %slice3A_690 : vector<512x64xf32> to vector<512x64xbf16>
    %convert_element_type3A_694 = arith.truncf %slice3A_691 : vector<512x64xf32> to vector<512x64xbf16>
    %dot_general3A_695 = arith.constant dense<0.000000e+00> : vector<512x512xf32>
    %dot_general3A_696 = tpu.matmul %convert_element_type3A_693, %convert_element_type3A_694, %dot_general3A_695 {dimension_numbers = #tpu.dot_dimension_numbers<[1], [1], [0], [0], [0, 0, 1, 0], [], []>, transpose_lhs_hint = false} : vector<512x64xbf16>, vector<512x64xbf16>, vector<512x512xf32> -> vector<512x512xf32>
    %sqrt3A_697 = arith.constant 6.400000e+01 : f32
    %sqrt3A_698 = math.sqrt %sqrt3A_697 : f32
    %div3A_699 = vector.broadcast %sqrt3A_698 : f32 to vector<512x512xf32>
    %div3A_700 = arith.divf %dot_general3A_696, %div3A_699 : vector<512x512xf32>
    %jit3A_701 = arith.constant -1.000000e+09 : f32
    %broadcast_in_dim3A_702 = vector.broadcast %jit3A_701 : f32 to vector<512x512xf32>
    %select_n3A_703 = arith.select %ge3A, %div3A_700, %broadcast_in_dim3A_702 : vector<512x512xi1>, vector<512x512xf32>
    %reduce_max3A_704 = arith.constant dense<0xFF800000> : vector<512xf32>
    %reduce_max3A_705 = vector.multi_reduction <maximumf>, %select_n3A_703, %reduce_max3A_704 [1] : vector<512x512xf32> to vector<512xf32>
    %max3A_706 = arith.constant 0xFF800000 : f32
    %max3A_707 = vector.broadcast %max3A_706 : f32 to vector<512xf32>
    %max3A_708 = arith.maximumf %max3A_707, %reduce_max3A_705 : vector<512xf32>
    %broadcast_in_dim3A_709 = vector.shape_cast %max3A_708 : vector<512xf32> to vector<512x1xf32>
    %sub3A_710 = vector.broadcast %broadcast_in_dim3A_709 : vector<512x1xf32> to vector<512x512xf32>
    %sub3A_711 = arith.subf %select_n3A_703, %sub3A_710 : vector<512x512xf32>
    %exp3A_712 = math.exp %sub3A_711 : vector<512x512xf32>
    %reduce_sum3A_713 = arith.constant dense<0.000000e+00> : vector<512xf32>
    %reduce_sum3A_714 = vector.multi_reduction <add>, %exp3A_712, %reduce_sum3A_713 [1] : vector<512x512xf32> to vector<512xf32>
    %broadcast_in_dim3A_715 = vector.shape_cast %reduce_sum3A_714 : vector<512xf32> to vector<512x1xf32>
    %div3A_716 = vector.broadcast %broadcast_in_dim3A_715 : vector<512x1xf32> to vector<512x512xf32>
    %div3A_717 = arith.divf %exp3A_712, %div3A_716 : vector<512x512xf32>
    %convert_element_type3A_718 = arith.truncf %div3A_717 : vector<512x512xf32> to vector<512x512xbf16>
    %convert_element_type3A_719 = arith.truncf %slice3A_692 : vector<512x64xf32> to vector<512x64xbf16>
    %dot_general3A_720 = arith.constant dense<0.000000e+00> : vector<512x64xf32>
    %dot_general3A_721 = tpu.matmul %convert_element_type3A_718, %convert_element_type3A_719, %dot_general3A_720 {dimension_numbers = #tpu.dot_dimension_numbers<[1], [0], [0], [1], [0, 0, 1, 1], [], []>, transpose_lhs_hint = false} : vector<512x512xbf16>, vector<512x64xbf16>, vector<512x64xf32> -> vector<512x64xf32>
    %slice3A_722 = vector.extract_strided_slice %dot_general3A_689 {offsets = [0, 64], sizes = [512, 64], strides = [1, 1]} : vector<1024x1536xf32> to vector<512x64xf32>
    %slice3A_723 = vector.extract_strided_slice %dot_general3A_689 {offsets = [0, 576], sizes = [512, 64], strides = [1, 1]} : vector<1024x1536xf32> to vector<512x64xf32>
    %slice3A_724 = vector.extract_strided_slice %dot_general3A_689 {offsets = [0, 1088], sizes = [512, 64], strides = [1, 1]} : vector<1024x1536xf32> to vector<512x64xf32>
    %convert_element_type3A_725 = arith.truncf %slice3A_722 : vector<512x64xf32> to vector<512x64xbf16>
    %convert_element_type3A_726 = arith.truncf %slice3A_723 : vector<512x64xf32> to vector<512x64xbf16>
    %dot_general3A_727 = arith.constant dense<0.000000e+00> : vector<512x512xf32>
    %dot_general3A_728 = tpu.matmul %convert_element_type3A_725, %convert_element_type3A_726, %dot_general3A_727 {dimension_numbers = #tpu.dot_dimension_numbers<[1], [1], [0], [0], [0, 0, 1, 0], [], []>, transpose_lhs_hint = false} : vector<512x64xbf16>, vector<512x64xbf16>, vector<512x512xf32> -> vector<512x512xf32>
    %sqrt3A_729 = arith.constant 6.400000e+01 : f32
    %sqrt3A_730 = math.sqrt %sqrt3A_729 : f32
    %div3A_731 = vector.broadcast %sqrt3A_730 : f32 to vector<512x512xf32>
    %div3A_732 = arith.divf %dot_general3A_728, %div3A_731 : vector<512x512xf32>
    %jit3A_733 = arith.constant -1.000000e+09 : f32
    %broadcast_in_dim3A_734 = vector.broadcast %jit3A_733 : f32 to vector<512x512xf32>
    %select_n3A_735 = arith.select %ge3A, %div3A_732, %broadcast_in_dim3A_734 : vector<512x512xi1>, vector<512x512xf32>
    %reduce_max3A_736 = arith.constant dense<0xFF800000> : vector<512xf32>
    %reduce_max3A_737 = vector.multi_reduction <maximumf>, %select_n3A_735, %reduce_max3A_736 [1] : vector<512x512xf32> to vector<512xf32>
    %max3A_738 = arith.constant 0xFF800000 : f32
    %max3A_739 = vector.broadcast %max3A_738 : f32 to vector<512xf32>
    %max3A_740 = arith.maximumf %max3A_739, %reduce_max3A_737 : vector<512xf32>
    %broadcast_in_dim3A_741 = vector.shape_cast %max3A_740 : vector<512xf32> to vector<512x1xf32>
    %sub3A_742 = vector.broadcast %broadcast_in_dim3A_741 : vector<512x1xf32> to vector<512x512xf32>
    %sub3A_743 = arith.subf %select_n3A_735, %sub3A_742 : vector<512x512xf32>
    %exp3A_744 = math.exp %sub3A_743 : vector<512x512xf32>
    %reduce_sum3A_745 = arith.constant dense<0.000000e+00> : vector<512xf32>
    %reduce_sum3A_746 = vector.multi_reduction <add>, %exp3A_744, %reduce_sum3A_745 [1] : vector<512x512xf32> to vector<512xf32>
    %broadcast_in_dim3A_747 = vector.shape_cast %reduce_sum3A_746 : vector<512xf32> to vector<512x1xf32>
    %div3A_748 = vector.broadcast %broadcast_in_dim3A_747 : vector<512x1xf32> to vector<512x512xf32>
    %div3A_749 = arith.divf %exp3A_744, %div3A_748 : vector<512x512xf32>
    %convert_element_type3A_750 = arith.truncf %div3A_749 : vector<512x512xf32> to vector<512x512xbf16>
    %convert_element_type3A_751 = arith.truncf %slice3A_724 : vector<512x64xf32> to vector<512x64xbf16>
    %dot_general3A_752 = arith.constant dense<0.000000e+00> : vector<512x64xf32>
    %dot_general3A_753 = tpu.matmul %convert_element_type3A_750, %convert_element_type3A_751, %dot_general3A_752 {dimension_numbers = #tpu.dot_dimension_numbers<[1], [0], [0], [1], [0, 0, 1, 1], [], []>, transpose_lhs_hint = false} : vector<512x512xbf16>, vector<512x64xbf16>, vector<512x64xf32> -> vector<512x64xf32>
    %slice3A_754 = vector.extract_strided_slice %dot_general3A_689 {offsets = [0, 128], sizes = [512, 64], strides = [1, 1]} : vector<1024x1536xf32> to vector<512x64xf32>
    %slice3A_755 = vector.extract_strided_slice %dot_general3A_689 {offsets = [0, 640], sizes = [512, 64], strides = [1, 1]} : vector<1024x1536xf32> to vector<512x64xf32>
    %slice3A_756 = vector.extract_strided_slice %dot_general3A_689 {offsets = [0, 1152], sizes = [512, 64], strides = [1, 1]} : vector<1024x1536xf32> to vector<512x64xf32>
    %convert_element_type3A_757 = arith.truncf %slice3A_754 : vector<512x64xf32> to vector<512x64xbf16>
    %convert_element_type3A_758 = arith.truncf %slice3A_755 : vector<512x64xf32> to vector<512x64xbf16>
    %dot_general3A_759 = arith.constant dense<0.000000e+00> : vector<512x512xf32>
    %dot_general3A_760 = tpu.matmul %convert_element_type3A_757, %convert_element_type3A_758, %dot_general3A_759 {dimension_numbers = #tpu.dot_dimension_numbers<[1], [1], [0], [0], [0, 0, 1, 0], [], []>, transpose_lhs_hint = false} : vector<512x64xbf16>, vector<512x64xbf16>, vector<512x512xf32> -> vector<512x512xf32>
    %sqrt3A_761 = arith.constant 6.400000e+01 : f32
    %sqrt3A_762 = math.sqrt %sqrt3A_761 : f32
    %div3A_763 = vector.broadcast %sqrt3A_762 : f32 to vector<512x512xf32>
    %div3A_764 = arith.divf %dot_general3A_760, %div3A_763 : vector<512x512xf32>
    %jit3A_765 = arith.constant -1.000000e+09 : f32
    %broadcast_in_dim3A_766 = vector.broadcast %jit3A_765 : f32 to vector<512x512xf32>
    %select_n3A_767 = arith.select %ge3A, %div3A_764, %broadcast_in_dim3A_766 : vector<512x512xi1>, vector<512x512xf32>
    %reduce_max3A_768 = arith.constant dense<0xFF800000> : vector<512xf32>
    %reduce_max3A_769 = vector.multi_reduction <maximumf>, %select_n3A_767, %reduce_max3A_768 [1] : vector<512x512xf32> to vector<512xf32>
    %max3A_770 = arith.constant 0xFF800000 : f32
    %max3A_771 = vector.broadcast %max3A_770 : f32 to vector<512xf32>
    %max3A_772 = arith.maximumf %max3A_771, %reduce_max3A_769 : vector<512xf32>
    %broadcast_in_dim3A_773 = vector.shape_cast %max3A_772 : vector<512xf32> to vector<512x1xf32>
    %sub3A_774 = vector.broadcast %broadcast_in_dim3A_773 : vector<512x1xf32> to vector<512x512xf32>
    %sub3A_775 = arith.subf %select_n3A_767, %sub3A_774 : vector<512x512xf32>
    %exp3A_776 = math.exp %sub3A_775 : vector<512x512xf32>
    %reduce_sum3A_777 = arith.constant dense<0.000000e+00> : vector<512xf32>
    %reduce_sum3A_778 = vector.multi_reduction <add>, %exp3A_776, %reduce_sum3A_777 [1] : vector<512x512xf32> to vector<512xf32>
    %broadcast_in_dim3A_779 = vector.shape_cast %reduce_sum3A_778 : vector<512xf32> to vector<512x1xf32>
    %div3A_780 = vector.broadcast %broadcast_in_dim3A_779 : vector<512x1xf32> to vector<512x512xf32>
    %div3A_781 = arith.divf %exp3A_776, %div3A_780 : vector<512x512xf32>
    %convert_element_type3A_782 = arith.truncf %div3A_781 : vector<512x512xf32> to vector<512x512xbf16>
    %convert_element_type3A_783 = arith.truncf %slice3A_756 : vector<512x64xf32> to vector<512x64xbf16>
    %dot_general3A_784 = arith.constant dense<0.000000e+00> : vector<512x64xf32>
    %dot_general3A_785 = tpu.matmul %convert_element_type3A_782, %convert_element_type3A_783, %dot_general3A_784 {dimension_numbers = #tpu.dot_dimension_numbers<[1], [0], [0], [1], [0, 0, 1, 1], [], []>, transpose_lhs_hint = false} : vector<512x512xbf16>, vector<512x64xbf16>, vector<512x64xf32> -> vector<512x64xf32>
    %slice3A_786 = vector.extract_strided_slice %dot_general3A_689 {offsets = [0, 192], sizes = [512, 64], strides = [1, 1]} : vector<1024x1536xf32> to vector<512x64xf32>
    %slice3A_787 = vector.extract_strided_slice %dot_general3A_689 {offsets = [0, 704], sizes = [512, 64], strides = [1, 1]} : vector<1024x1536xf32> to vector<512x64xf32>
    %slice3A_788 = vector.extract_strided_slice %dot_general3A_689 {offsets = [0, 1216], sizes = [512, 64], strides = [1, 1]} : vector<1024x1536xf32> to vector<512x64xf32>
    %convert_element_type3A_789 = arith.truncf %slice3A_786 : vector<512x64xf32> to vector<512x64xbf16>
    %convert_element_type3A_790 = arith.truncf %slice3A_787 : vector<512x64xf32> to vector<512x64xbf16>
    %dot_general3A_791 = arith.constant dense<0.000000e+00> : vector<512x512xf32>
    %dot_general3A_792 = tpu.matmul %convert_element_type3A_789, %convert_element_type3A_790, %dot_general3A_791 {dimension_numbers = #tpu.dot_dimension_numbers<[1], [1], [0], [0], [0, 0, 1, 0], [], []>, transpose_lhs_hint = false} : vector<512x64xbf16>, vector<512x64xbf16>, vector<512x512xf32> -> vector<512x512xf32>
    %sqrt3A_793 = arith.constant 6.400000e+01 : f32
    %sqrt3A_794 = math.sqrt %sqrt3A_793 : f32
    %div3A_795 = vector.broadcast %sqrt3A_794 : f32 to vector<512x512xf32>
    %div3A_796 = arith.divf %dot_general3A_792, %div3A_795 : vector<512x512xf32>
    %jit3A_797 = arith.constant -1.000000e+09 : f32
    %broadcast_in_dim3A_798 = vector.broadcast %jit3A_797 : f32 to vector<512x512xf32>
    %select_n3A_799 = arith.select %ge3A, %div3A_796, %broadcast_in_dim3A_798 : vector<512x512xi1>, vector<512x512xf32>
    %reduce_max3A_800 = arith.constant dense<0xFF800000> : vector<512xf32>
    %reduce_max3A_801 = vector.multi_reduction <maximumf>, %select_n3A_799, %reduce_max3A_800 [1] : vector<512x512xf32> to vector<512xf32>
    %max3A_802 = arith.constant 0xFF800000 : f32
    %max3A_803 = vector.broadcast %max3A_802 : f32 to vector<512xf32>
    %max3A_804 = arith.maximumf %max3A_803, %reduce_max3A_801 : vector<512xf32>
    %broadcast_in_dim3A_805 = vector.shape_cast %max3A_804 : vector<512xf32> to vector<512x1xf32>
    %sub3A_806 = vector.broadcast %broadcast_in_dim3A_805 : vector<512x1xf32> to vector<512x512xf32>
    %sub3A_807 = arith.subf %select_n3A_799, %sub3A_806 : vector<512x512xf32>
    %exp3A_808 = math.exp %sub3A_807 : vector<512x512xf32>
    %reduce_sum3A_809 = arith.constant dense<0.000000e+00> : vector<512xf32>
    %reduce_sum3A_810 = vector.multi_reduction <add>, %exp3A_808, %reduce_sum3A_809 [1] : vector<512x512xf32> to vector<512xf32>
    %broadcast_in_dim3A_811 = vector.shape_cast %reduce_sum3A_810 : vector<512xf32> to vector<512x1xf32>
    %div3A_812 = vector.broadcast %broadcast_in_dim3A_811 : vector<512x1xf32> to vector<512x512xf32>
    %div3A_813 = arith.divf %exp3A_808, %div3A_812 : vector<512x512xf32>
    %convert_element_type3A_814 = arith.truncf %div3A_813 : vector<512x512xf32> to vector<512x512xbf16>
    %convert_element_type3A_815 = arith.truncf %slice3A_788 : vector<512x64xf32> to vector<512x64xbf16>
    %dot_general3A_816 = arith.constant dense<0.000000e+00> : vector<512x64xf32>
    %dot_general3A_817 = tpu.matmul %convert_element_type3A_814, %convert_element_type3A_815, %dot_general3A_816 {dimension_numbers = #tpu.dot_dimension_numbers<[1], [0], [0], [1], [0, 0, 1, 1], [], []>, transpose_lhs_hint = false} : vector<512x512xbf16>, vector<512x64xbf16>, vector<512x64xf32> -> vector<512x64xf32>
    %slice3A_818 = vector.extract_strided_slice %dot_general3A_689 {offsets = [0, 256], sizes = [512, 64], strides = [1, 1]} : vector<1024x1536xf32> to vector<512x64xf32>
    %slice3A_819 = vector.extract_strided_slice %dot_general3A_689 {offsets = [0, 768], sizes = [512, 64], strides = [1, 1]} : vector<1024x1536xf32> to vector<512x64xf32>
    %slice3A_820 = vector.extract_strided_slice %dot_general3A_689 {offsets = [0, 1280], sizes = [512, 64], strides = [1, 1]} : vector<1024x1536xf32> to vector<512x64xf32>
    %convert_element_type3A_821 = arith.truncf %slice3A_818 : vector<512x64xf32> to vector<512x64xbf16>
    %convert_element_type3A_822 = arith.truncf %slice3A_819 : vector<512x64xf32> to vector<512x64xbf16>
    %dot_general3A_823 = arith.constant dense<0.000000e+00> : vector<512x512xf32>
    %dot_general3A_824 = tpu.matmul %convert_element_type3A_821, %convert_element_type3A_822, %dot_general3A_823 {dimension_numbers = #tpu.dot_dimension_numbers<[1], [1], [0], [0], [0, 0, 1, 0], [], []>, transpose_lhs_hint = false} : vector<512x64xbf16>, vector<512x64xbf16>, vector<512x512xf32> -> vector<512x512xf32>
    %sqrt3A_825 = arith.constant 6.400000e+01 : f32
    %sqrt3A_826 = math.sqrt %sqrt3A_825 : f32
    %div3A_827 = vector.broadcast %sqrt3A_826 : f32 to vector<512x512xf32>
    %div3A_828 = arith.divf %dot_general3A_824, %div3A_827 : vector<512x512xf32>
    %jit3A_829 = arith.constant -1.000000e+09 : f32
    %broadcast_in_dim3A_830 = vector.broadcast %jit3A_829 : f32 to vector<512x512xf32>
    %select_n3A_831 = arith.select %ge3A, %div3A_828, %broadcast_in_dim3A_830 : vector<512x512xi1>, vector<512x512xf32>
    %reduce_max3A_832 = arith.constant dense<0xFF800000> : vector<512xf32>
    %reduce_max3A_833 = vector.multi_reduction <maximumf>, %select_n3A_831, %reduce_max3A_832 [1] : vector<512x512xf32> to vector<512xf32>
    %max3A_834 = arith.constant 0xFF800000 : f32
    %max3A_835 = vector.broadcast %max3A_834 : f32 to vector<512xf32>
    %max3A_836 = arith.maximumf %max3A_835, %reduce_max3A_833 : vector<512xf32>
    %broadcast_in_dim3A_837 = vector.shape_cast %max3A_836 : vector<512xf32> to vector<512x1xf32>
    %sub3A_838 = vector.broadcast %broadcast_in_dim3A_837 : vector<512x1xf32> to vector<512x512xf32>
    %sub3A_839 = arith.subf %select_n3A_831, %sub3A_838 : vector<512x512xf32>
    %exp3A_840 = math.exp %sub3A_839 : vector<512x512xf32>
    %reduce_sum3A_841 = arith.constant dense<0.000000e+00> : vector<512xf32>
    %reduce_sum3A_842 = vector.multi_reduction <add>, %exp3A_840, %reduce_sum3A_841 [1] : vector<512x512xf32> to vector<512xf32>
    %broadcast_in_dim3A_843 = vector.shape_cast %reduce_sum3A_842 : vector<512xf32> to vector<512x1xf32>
    %div3A_844 = vector.broadcast %broadcast_in_dim3A_843 : vector<512x1xf32> to vector<512x512xf32>
    %div3A_845 = arith.divf %exp3A_840, %div3A_844 : vector<512x512xf32>
    %convert_element_type3A_846 = arith.truncf %div3A_845 : vector<512x512xf32> to vector<512x512xbf16>
    %convert_element_type3A_847 = arith.truncf %slice3A_820 : vector<512x64xf32> to vector<512x64xbf16>
    %dot_general3A_848 = arith.constant dense<0.000000e+00> : vector<512x64xf32>
    %dot_general3A_849 = tpu.matmul %convert_element_type3A_846, %convert_element_type3A_847, %dot_general3A_848 {dimension_numbers = #tpu.dot_dimension_numbers<[1], [0], [0], [1], [0, 0, 1, 1], [], []>, transpose_lhs_hint = false} : vector<512x512xbf16>, vector<512x64xbf16>, vector<512x64xf32> -> vector<512x64xf32>
    %slice3A_850 = vector.extract_strided_slice %dot_general3A_689 {offsets = [0, 320], sizes = [512, 64], strides = [1, 1]} : vector<1024x1536xf32> to vector<512x64xf32>
    %slice3A_851 = vector.extract_strided_slice %dot_general3A_689 {offsets = [0, 832], sizes = [512, 64], strides = [1, 1]} : vector<1024x1536xf32> to vector<512x64xf32>
    %slice3A_852 = vector.extract_strided_slice %dot_general3A_689 {offsets = [0, 1344], sizes = [512, 64], strides = [1, 1]} : vector<1024x1536xf32> to vector<512x64xf32>
    %convert_element_type3A_853 = arith.truncf %slice3A_850 : vector<512x64xf32> to vector<512x64xbf16>
    %convert_element_type3A_854 = arith.truncf %slice3A_851 : vector<512x64xf32> to vector<512x64xbf16>
    %dot_general3A_855 = arith.constant dense<0.000000e+00> : vector<512x512xf32>
    %dot_general3A_856 = tpu.matmul %convert_element_type3A_853, %convert_element_type3A_854, %dot_general3A_855 {dimension_numbers = #tpu.dot_dimension_numbers<[1], [1], [0], [0], [0, 0, 1, 0], [], []>, transpose_lhs_hint = false} : vector<512x64xbf16>, vector<512x64xbf16>, vector<512x512xf32> -> vector<512x512xf32>
    %sqrt3A_857 = arith.constant 6.400000e+01 : f32
    %sqrt3A_858 = math.sqrt %sqrt3A_857 : f32
    %div3A_859 = vector.broadcast %sqrt3A_858 : f32 to vector<512x512xf32>
    %div3A_860 = arith.divf %dot_general3A_856, %div3A_859 : vector<512x512xf32>
    %jit3A_861 = arith.constant -1.000000e+09 : f32
    %broadcast_in_dim3A_862 = vector.broadcast %jit3A_861 : f32 to vector<512x512xf32>
    %select_n3A_863 = arith.select %ge3A, %div3A_860, %broadcast_in_dim3A_862 : vector<512x512xi1>, vector<512x512xf32>
    %reduce_max3A_864 = arith.constant dense<0xFF800000> : vector<512xf32>
    %reduce_max3A_865 = vector.multi_reduction <maximumf>, %select_n3A_863, %reduce_max3A_864 [1] : vector<512x512xf32> to vector<512xf32>
    %max3A_866 = arith.constant 0xFF800000 : f32
    %max3A_867 = vector.broadcast %max3A_866 : f32 to vector<512xf32>
    %max3A_868 = arith.maximumf %max3A_867, %reduce_max3A_865 : vector<512xf32>
    %broadcast_in_dim3A_869 = vector.shape_cast %max3A_868 : vector<512xf32> to vector<512x1xf32>
    %sub3A_870 = vector.broadcast %broadcast_in_dim3A_869 : vector<512x1xf32> to vector<512x512xf32>
    %sub3A_871 = arith.subf %select_n3A_863, %sub3A_870 : vector<512x512xf32>
    %exp3A_872 = math.exp %sub3A_871 : vector<512x512xf32>
    %reduce_sum3A_873 = arith.constant dense<0.000000e+00> : vector<512xf32>
    %reduce_sum3A_874 = vector.multi_reduction <add>, %exp3A_872, %reduce_sum3A_873 [1] : vector<512x512xf32> to vector<512xf32>
    %broadcast_in_dim3A_875 = vector.shape_cast %reduce_sum3A_874 : vector<512xf32> to vector<512x1xf32>
    %div3A_876 = vector.broadcast %broadcast_in_dim3A_875 : vector<512x1xf32> to vector<512x512xf32>
    %div3A_877 = arith.divf %exp3A_872, %div3A_876 : vector<512x512xf32>
    %convert_element_type3A_878 = arith.truncf %div3A_877 : vector<512x512xf32> to vector<512x512xbf16>
    %convert_element_type3A_879 = arith.truncf %slice3A_852 : vector<512x64xf32> to vector<512x64xbf16>
    %dot_general3A_880 = arith.constant dense<0.000000e+00> : vector<512x64xf32>
    %dot_general3A_881 = tpu.matmul %convert_element_type3A_878, %convert_element_type3A_879, %dot_general3A_880 {dimension_numbers = #tpu.dot_dimension_numbers<[1], [0], [0], [1], [0, 0, 1, 1], [], []>, transpose_lhs_hint = false} : vector<512x512xbf16>, vector<512x64xbf16>, vector<512x64xf32> -> vector<512x64xf32>
    %slice3A_882 = vector.extract_strided_slice %dot_general3A_689 {offsets = [0, 384], sizes = [512, 64], strides = [1, 1]} : vector<1024x1536xf32> to vector<512x64xf32>
    %slice3A_883 = vector.extract_strided_slice %dot_general3A_689 {offsets = [0, 896], sizes = [512, 64], strides = [1, 1]} : vector<1024x1536xf32> to vector<512x64xf32>
    %slice3A_884 = vector.extract_strided_slice %dot_general3A_689 {offsets = [0, 1408], sizes = [512, 64], strides = [1, 1]} : vector<1024x1536xf32> to vector<512x64xf32>
    %convert_element_type3A_885 = arith.truncf %slice3A_882 : vector<512x64xf32> to vector<512x64xbf16>
    %convert_element_type3A_886 = arith.truncf %slice3A_883 : vector<512x64xf32> to vector<512x64xbf16>
    %dot_general3A_887 = arith.constant dense<0.000000e+00> : vector<512x512xf32>
    %dot_general3A_888 = tpu.matmul %convert_element_type3A_885, %convert_element_type3A_886, %dot_general3A_887 {dimension_numbers = #tpu.dot_dimension_numbers<[1], [1], [0], [0], [0, 0, 1, 0], [], []>, transpose_lhs_hint = false} : vector<512x64xbf16>, vector<512x64xbf16>, vector<512x512xf32> -> vector<512x512xf32>
    %sqrt3A_889 = arith.constant 6.400000e+01 : f32
    %sqrt3A_890 = math.sqrt %sqrt3A_889 : f32
    %div3A_891 = vector.broadcast %sqrt3A_890 : f32 to vector<512x512xf32>
    %div3A_892 = arith.divf %dot_general3A_888, %div3A_891 : vector<512x512xf32>
    %jit3A_893 = arith.constant -1.000000e+09 : f32
    %broadcast_in_dim3A_894 = vector.broadcast %jit3A_893 : f32 to vector<512x512xf32>
    %select_n3A_895 = arith.select %ge3A, %div3A_892, %broadcast_in_dim3A_894 : vector<512x512xi1>, vector<512x512xf32>
    %reduce_max3A_896 = arith.constant dense<0xFF800000> : vector<512xf32>
    %reduce_max3A_897 = vector.multi_reduction <maximumf>, %select_n3A_895, %reduce_max3A_896 [1] : vector<512x512xf32> to vector<512xf32>
    %max3A_898 = arith.constant 0xFF800000 : f32
    %max3A_899 = vector.broadcast %max3A_898 : f32 to vector<512xf32>
    %max3A_900 = arith.maximumf %max3A_899, %reduce_max3A_897 : vector<512xf32>
    %broadcast_in_dim3A_901 = vector.shape_cast %max3A_900 : vector<512xf32> to vector<512x1xf32>
    %sub3A_902 = vector.broadcast %broadcast_in_dim3A_901 : vector<512x1xf32> to vector<512x512xf32>
    %sub3A_903 = arith.subf %select_n3A_895, %sub3A_902 : vector<512x512xf32>
    %exp3A_904 = math.exp %sub3A_903 : vector<512x512xf32>
    %reduce_sum3A_905 = arith.constant dense<0.000000e+00> : vector<512xf32>
    %reduce_sum3A_906 = vector.multi_reduction <add>, %exp3A_904, %reduce_sum3A_905 [1] : vector<512x512xf32> to vector<512xf32>
    %broadcast_in_dim3A_907 = vector.shape_cast %reduce_sum3A_906 : vector<512xf32> to vector<512x1xf32>
    %div3A_908 = vector.broadcast %broadcast_in_dim3A_907 : vector<512x1xf32> to vector<512x512xf32>
    %div3A_909 = arith.divf %exp3A_904, %div3A_908 : vector<512x512xf32>
    %convert_element_type3A_910 = arith.truncf %div3A_909 : vector<512x512xf32> to vector<512x512xbf16>
    %convert_element_type3A_911 = arith.truncf %slice3A_884 : vector<512x64xf32> to vector<512x64xbf16>
    %dot_general3A_912 = arith.constant dense<0.000000e+00> : vector<512x64xf32>
    %dot_general3A_913 = tpu.matmul %convert_element_type3A_910, %convert_element_type3A_911, %dot_general3A_912 {dimension_numbers = #tpu.dot_dimension_numbers<[1], [0], [0], [1], [0, 0, 1, 1], [], []>, transpose_lhs_hint = false} : vector<512x512xbf16>, vector<512x64xbf16>, vector<512x64xf32> -> vector<512x64xf32>
    %slice3A_914 = vector.extract_strided_slice %dot_general3A_689 {offsets = [0, 448], sizes = [512, 64], strides = [1, 1]} : vector<1024x1536xf32> to vector<512x64xf32>
    %slice3A_915 = vector.extract_strided_slice %dot_general3A_689 {offsets = [0, 960], sizes = [512, 64], strides = [1, 1]} : vector<1024x1536xf32> to vector<512x64xf32>
    %slice3A_916 = vector.extract_strided_slice %dot_general3A_689 {offsets = [0, 1472], sizes = [512, 64], strides = [1, 1]} : vector<1024x1536xf32> to vector<512x64xf32>
    %convert_element_type3A_917 = arith.truncf %slice3A_914 : vector<512x64xf32> to vector<512x64xbf16>
    %convert_element_type3A_918 = arith.truncf %slice3A_915 : vector<512x64xf32> to vector<512x64xbf16>
    %dot_general3A_919 = arith.constant dense<0.000000e+00> : vector<512x512xf32>
    %dot_general3A_920 = tpu.matmul %convert_element_type3A_917, %convert_element_type3A_918, %dot_general3A_919 {dimension_numbers = #tpu.dot_dimension_numbers<[1], [1], [0], [0], [0, 0, 1, 0], [], []>, transpose_lhs_hint = false} : vector<512x64xbf16>, vector<512x64xbf16>, vector<512x512xf32> -> vector<512x512xf32>
    %sqrt3A_921 = arith.constant 6.400000e+01 : f32
    %sqrt3A_922 = math.sqrt %sqrt3A_921 : f32
    %div3A_923 = vector.broadcast %sqrt3A_922 : f32 to vector<512x512xf32>
    %div3A_924 = arith.divf %dot_general3A_920, %div3A_923 : vector<512x512xf32>
    %jit3A_925 = arith.constant -1.000000e+09 : f32
    %broadcast_in_dim3A_926 = vector.broadcast %jit3A_925 : f32 to vector<512x512xf32>
    %select_n3A_927 = arith.select %ge3A, %div3A_924, %broadcast_in_dim3A_926 : vector<512x512xi1>, vector<512x512xf32>
    %reduce_max3A_928 = arith.constant dense<0xFF800000> : vector<512xf32>
    %reduce_max3A_929 = vector.multi_reduction <maximumf>, %select_n3A_927, %reduce_max3A_928 [1] : vector<512x512xf32> to vector<512xf32>
    %max3A_930 = arith.constant 0xFF800000 : f32
    %max3A_931 = vector.broadcast %max3A_930 : f32 to vector<512xf32>
    %max3A_932 = arith.maximumf %max3A_931, %reduce_max3A_929 : vector<512xf32>
    %broadcast_in_dim3A_933 = vector.shape_cast %max3A_932 : vector<512xf32> to vector<512x1xf32>
    %sub3A_934 = vector.broadcast %broadcast_in_dim3A_933 : vector<512x1xf32> to vector<512x512xf32>
    %sub3A_935 = arith.subf %select_n3A_927, %sub3A_934 : vector<512x512xf32>
    %exp3A_936 = math.exp %sub3A_935 : vector<512x512xf32>
    %reduce_sum3A_937 = arith.constant dense<0.000000e+00> : vector<512xf32>
    %reduce_sum3A_938 = vector.multi_reduction <add>, %exp3A_936, %reduce_sum3A_937 [1] : vector<512x512xf32> to vector<512xf32>
    %broadcast_in_dim3A_939 = vector.shape_cast %reduce_sum3A_938 : vector<512xf32> to vector<512x1xf32>
    %div3A_940 = vector.broadcast %broadcast_in_dim3A_939 : vector<512x1xf32> to vector<512x512xf32>
    %div3A_941 = arith.divf %exp3A_936, %div3A_940 : vector<512x512xf32>
    %convert_element_type3A_942 = arith.truncf %div3A_941 : vector<512x512xf32> to vector<512x512xbf16>
    %convert_element_type3A_943 = arith.truncf %slice3A_916 : vector<512x64xf32> to vector<512x64xbf16>
    %dot_general3A_944 = arith.constant dense<0.000000e+00> : vector<512x64xf32>
    %dot_general3A_945 = tpu.matmul %convert_element_type3A_942, %convert_element_type3A_943, %dot_general3A_944 {dimension_numbers = #tpu.dot_dimension_numbers<[1], [0], [0], [1], [0, 0, 1, 1], [], []>, transpose_lhs_hint = false} : vector<512x512xbf16>, vector<512x64xbf16>, vector<512x64xf32> -> vector<512x64xf32>
    %concatenate3A_946 = tpu.concatenate %dot_general3A_721, %dot_general3A_753, %dot_general3A_785, %dot_general3A_817, %dot_general3A_849, %dot_general3A_881, %dot_general3A_913, %dot_general3A_945 in 1 : vector<512x64xf32>, vector<512x64xf32>, vector<512x64xf32>, vector<512x64xf32>, vector<512x64xf32>, vector<512x64xf32>, vector<512x64xf32>, vector<512x64xf32> -> vector<512x512xf32>
    %slice3A_947 = vector.extract_strided_slice %add3A_652 {offsets = [0, 0], sizes = [512, 512], strides = [1, 1]} : vector<1024x512xf32> to vector<512x512xf32>
    %get3A_948 = arith.constant 1 : index
    %get3A_949 = arith.constant 0 : index
    %get3A_950 = arith.constant 0 : index
    %get3A_951 = vector.load %arg4[%get3A_948, %get3A_949, %get3A_950] : memref<2x512x512xf32, #tpu.memory_space<vmem>>, vector<1x512x512xf32>
    %get3A_952 = vector.shape_cast %get3A_951 : vector<1x512x512xf32> to vector<512x512xf32>
    %convert_element_type3A_953 = arith.truncf %concatenate3A_946 : vector<512x512xf32> to vector<512x512xbf16>
    %convert_element_type3A_954 = arith.truncf %get3A_952 : vector<512x512xf32> to vector<512x512xbf16>
    %dot_general3A_955 = arith.constant dense<0.000000e+00> : vector<512x512xf32>
    %dot_general3A_956 = tpu.matmul %convert_element_type3A_953, %convert_element_type3A_954, %dot_general3A_955 {dimension_numbers = #tpu.dot_dimension_numbers<[1], [0], [0], [1], [0, 0, 1, 1], [], []>, transpose_lhs_hint = false} : vector<512x512xbf16>, vector<512x512xbf16>, vector<512x512xf32> -> vector<512x512xf32>
    %add3A_957 = arith.addf %slice3A_947, %dot_general3A_956 : vector<512x512xf32>
    %slice3A_958 = vector.extract_strided_slice %dot_general3A_689 {offsets = [512, 0], sizes = [512, 64], strides = [1, 1]} : vector<1024x1536xf32> to vector<512x64xf32>
    %slice3A_959 = vector.extract_strided_slice %dot_general3A_689 {offsets = [0, 512], sizes = [1024, 64], strides = [1, 1]} : vector<1024x1536xf32> to vector<1024x64xf32>
    %slice3A_960 = vector.extract_strided_slice %dot_general3A_689 {offsets = [0, 1024], sizes = [1024, 64], strides = [1, 1]} : vector<1024x1536xf32> to vector<1024x64xf32>
    %convert_element_type3A_961 = arith.truncf %slice3A_958 : vector<512x64xf32> to vector<512x64xbf16>
    %convert_element_type3A_962 = arith.truncf %slice3A_959 : vector<1024x64xf32> to vector<1024x64xbf16>
    %dot_general3A_963 = arith.constant dense<0.000000e+00> : vector<512x1024xf32>
    %dot_general3A_964 = tpu.matmul %convert_element_type3A_961, %convert_element_type3A_962, %dot_general3A_963 {dimension_numbers = #tpu.dot_dimension_numbers<[1], [1], [0], [0], [0, 0, 1, 0], [], []>, transpose_lhs_hint = false} : vector<512x64xbf16>, vector<1024x64xbf16>, vector<512x1024xf32> -> vector<512x1024xf32>
    %sqrt3A_965 = arith.constant 6.400000e+01 : f32
    %sqrt3A_966 = math.sqrt %sqrt3A_965 : f32
    %div3A_967 = vector.broadcast %sqrt3A_966 : f32 to vector<512x1024xf32>
    %div3A_968 = arith.divf %dot_general3A_964, %div3A_967 : vector<512x1024xf32>
    %slice3A_969 = vector.extract_strided_slice %div3A_968 {offsets = [0, 0], sizes = [512, 512], strides = [1, 1]} : vector<512x1024xf32> to vector<512x512xf32>
    %slice3A_970 = vector.extract_strided_slice %div3A_968 {offsets = [0, 512], sizes = [512, 512], strides = [1, 1]} : vector<512x1024xf32> to vector<512x512xf32>
    %jit3A_971 = arith.constant -1.000000e+09 : f32
    %broadcast_in_dim3A_972 = vector.broadcast %jit3A_971 : f32 to vector<512x512xf32>
    %select_n3A_973 = arith.select %ge3A, %slice3A_970, %broadcast_in_dim3A_972 : vector<512x512xi1>, vector<512x512xf32>
    %concatenate3A_974 = tpu.concatenate %slice3A_969, %select_n3A_973 in 1 : vector<512x512xf32>, vector<512x512xf32> -> vector<512x1024xf32>
    %reduce_max3A_975 = arith.constant dense<0xFF800000> : vector<512xf32>
    %reduce_max3A_976 = vector.multi_reduction <maximumf>, %concatenate3A_974, %reduce_max3A_975 [1] : vector<512x1024xf32> to vector<512xf32>
    %max3A_977 = arith.constant 0xFF800000 : f32
    %max3A_978 = vector.broadcast %max3A_977 : f32 to vector<512xf32>
    %max3A_979 = arith.maximumf %max3A_978, %reduce_max3A_976 : vector<512xf32>
    %broadcast_in_dim3A_980 = vector.shape_cast %max3A_979 : vector<512xf32> to vector<512x1xf32>
    %sub3A_981 = vector.broadcast %broadcast_in_dim3A_980 : vector<512x1xf32> to vector<512x1024xf32>
    %sub3A_982 = arith.subf %concatenate3A_974, %sub3A_981 : vector<512x1024xf32>
    %exp3A_983 = math.exp %sub3A_982 : vector<512x1024xf32>
    %reduce_sum3A_984 = arith.constant dense<0.000000e+00> : vector<512xf32>
    %reduce_sum3A_985 = vector.multi_reduction <add>, %exp3A_983, %reduce_sum3A_984 [1] : vector<512x1024xf32> to vector<512xf32>
    %broadcast_in_dim3A_986 = vector.shape_cast %reduce_sum3A_985 : vector<512xf32> to vector<512x1xf32>
    %div3A_987 = vector.broadcast %broadcast_in_dim3A_986 : vector<512x1xf32> to vector<512x1024xf32>
    %div3A_988 = arith.divf %exp3A_983, %div3A_987 : vector<512x1024xf32>
    %convert_element_type3A_989 = arith.truncf %div3A_988 : vector<512x1024xf32> to vector<512x1024xbf16>
    %convert_element_type3A_990 = arith.truncf %slice3A_960 : vector<1024x64xf32> to vector<1024x64xbf16>
    %dot_general3A_991 = arith.constant dense<0.000000e+00> : vector<512x64xf32>
    %dot_general3A_992 = tpu.matmul %convert_element_type3A_989, %convert_element_type3A_990, %dot_general3A_991 {dimension_numbers = #tpu.dot_dimension_numbers<[1], [0], [0], [1], [0, 0, 1, 1], [], []>, transpose_lhs_hint = false} : vector<512x1024xbf16>, vector<1024x64xbf16>, vector<512x64xf32> -> vector<512x64xf32>
    %slice3A_993 = vector.extract_strided_slice %dot_general3A_689 {offsets = [512, 64], sizes = [512, 64], strides = [1, 1]} : vector<1024x1536xf32> to vector<512x64xf32>
    %slice3A_994 = vector.extract_strided_slice %dot_general3A_689 {offsets = [0, 576], sizes = [1024, 64], strides = [1, 1]} : vector<1024x1536xf32> to vector<1024x64xf32>
    %slice3A_995 = vector.extract_strided_slice %dot_general3A_689 {offsets = [0, 1088], sizes = [1024, 64], strides = [1, 1]} : vector<1024x1536xf32> to vector<1024x64xf32>
    %convert_element_type3A_996 = arith.truncf %slice3A_993 : vector<512x64xf32> to vector<512x64xbf16>
    %convert_element_type3A_997 = arith.truncf %slice3A_994 : vector<1024x64xf32> to vector<1024x64xbf16>
    %dot_general3A_998 = arith.constant dense<0.000000e+00> : vector<512x1024xf32>
    %dot_general3A_999 = tpu.matmul %convert_element_type3A_996, %convert_element_type3A_997, %dot_general3A_998 {dimension_numbers = #tpu.dot_dimension_numbers<[1], [1], [0], [0], [0, 0, 1, 0], [], []>, transpose_lhs_hint = false} : vector<512x64xbf16>, vector<1024x64xbf16>, vector<512x1024xf32> -> vector<512x1024xf32>
    %sqrt3A_1000 = arith.constant 6.400000e+01 : f32
    %sqrt3A_1001 = math.sqrt %sqrt3A_1000 : f32
    %div3A_1002 = vector.broadcast %sqrt3A_1001 : f32 to vector<512x1024xf32>
    %div3A_1003 = arith.divf %dot_general3A_999, %div3A_1002 : vector<512x1024xf32>
    %slice3A_1004 = vector.extract_strided_slice %div3A_1003 {offsets = [0, 0], sizes = [512, 512], strides = [1, 1]} : vector<512x1024xf32> to vector<512x512xf32>
    %slice3A_1005 = vector.extract_strided_slice %div3A_1003 {offsets = [0, 512], sizes = [512, 512], strides = [1, 1]} : vector<512x1024xf32> to vector<512x512xf32>
    %jit3A_1006 = arith.constant -1.000000e+09 : f32
    %broadcast_in_dim3A_1007 = vector.broadcast %jit3A_1006 : f32 to vector<512x512xf32>
    %select_n3A_1008 = arith.select %ge3A, %slice3A_1005, %broadcast_in_dim3A_1007 : vector<512x512xi1>, vector<512x512xf32>
    %concatenate3A_1009 = tpu.concatenate %slice3A_1004, %select_n3A_1008 in 1 : vector<512x512xf32>, vector<512x512xf32> -> vector<512x1024xf32>
    %reduce_max3A_1010 = arith.constant dense<0xFF800000> : vector<512xf32>
    %reduce_max3A_1011 = vector.multi_reduction <maximumf>, %concatenate3A_1009, %reduce_max3A_1010 [1] : vector<512x1024xf32> to vector<512xf32>
    %max3A_1012 = arith.constant 0xFF800000 : f32
    %max3A_1013 = vector.broadcast %max3A_1012 : f32 to vector<512xf32>
    %max3A_1014 = arith.maximumf %max3A_1013, %reduce_max3A_1011 : vector<512xf32>
    %broadcast_in_dim3A_1015 = vector.shape_cast %max3A_1014 : vector<512xf32> to vector<512x1xf32>
    %sub3A_1016 = vector.broadcast %broadcast_in_dim3A_1015 : vector<512x1xf32> to vector<512x1024xf32>
    %sub3A_1017 = arith.subf %concatenate3A_1009, %sub3A_1016 : vector<512x1024xf32>
    %exp3A_1018 = math.exp %sub3A_1017 : vector<512x1024xf32>
    %reduce_sum3A_1019 = arith.constant dense<0.000000e+00> : vector<512xf32>
    %reduce_sum3A_1020 = vector.multi_reduction <add>, %exp3A_1018, %reduce_sum3A_1019 [1] : vector<512x1024xf32> to vector<512xf32>
    %broadcast_in_dim3A_1021 = vector.shape_cast %reduce_sum3A_1020 : vector<512xf32> to vector<512x1xf32>
    %div3A_1022 = vector.broadcast %broadcast_in_dim3A_1021 : vector<512x1xf32> to vector<512x1024xf32>
    %div3A_1023 = arith.divf %exp3A_1018, %div3A_1022 : vector<512x1024xf32>
    %convert_element_type3A_1024 = arith.truncf %div3A_1023 : vector<512x1024xf32> to vector<512x1024xbf16>
    %convert_element_type3A_1025 = arith.truncf %slice3A_995 : vector<1024x64xf32> to vector<1024x64xbf16>
    %dot_general3A_1026 = arith.constant dense<0.000000e+00> : vector<512x64xf32>
    %dot_general3A_1027 = tpu.matmul %convert_element_type3A_1024, %convert_element_type3A_1025, %dot_general3A_1026 {dimension_numbers = #tpu.dot_dimension_numbers<[1], [0], [0], [1], [0, 0, 1, 1], [], []>, transpose_lhs_hint = false} : vector<512x1024xbf16>, vector<1024x64xbf16>, vector<512x64xf32> -> vector<512x64xf32>
    %slice3A_1028 = vector.extract_strided_slice %dot_general3A_689 {offsets = [512, 128], sizes = [512, 64], strides = [1, 1]} : vector<1024x1536xf32> to vector<512x64xf32>
    %slice3A_1029 = vector.extract_strided_slice %dot_general3A_689 {offsets = [0, 640], sizes = [1024, 64], strides = [1, 1]} : vector<1024x1536xf32> to vector<1024x64xf32>
    %slice3A_1030 = vector.extract_strided_slice %dot_general3A_689 {offsets = [0, 1152], sizes = [1024, 64], strides = [1, 1]} : vector<1024x1536xf32> to vector<1024x64xf32>
    %convert_element_type3A_1031 = arith.truncf %slice3A_1028 : vector<512x64xf32> to vector<512x64xbf16>
    %convert_element_type3A_1032 = arith.truncf %slice3A_1029 : vector<1024x64xf32> to vector<1024x64xbf16>
    %dot_general3A_1033 = arith.constant dense<0.000000e+00> : vector<512x1024xf32>
    %dot_general3A_1034 = tpu.matmul %convert_element_type3A_1031, %convert_element_type3A_1032, %dot_general3A_1033 {dimension_numbers = #tpu.dot_dimension_numbers<[1], [1], [0], [0], [0, 0, 1, 0], [], []>, transpose_lhs_hint = false} : vector<512x64xbf16>, vector<1024x64xbf16>, vector<512x1024xf32> -> vector<512x1024xf32>
    %sqrt3A_1035 = arith.constant 6.400000e+01 : f32
    %sqrt3A_1036 = math.sqrt %sqrt3A_1035 : f32
    %div3A_1037 = vector.broadcast %sqrt3A_1036 : f32 to vector<512x1024xf32>
    %div3A_1038 = arith.divf %dot_general3A_1034, %div3A_1037 : vector<512x1024xf32>
    %slice3A_1039 = vector.extract_strided_slice %div3A_1038 {offsets = [0, 0], sizes = [512, 512], strides = [1, 1]} : vector<512x1024xf32> to vector<512x512xf32>
    %slice3A_1040 = vector.extract_strided_slice %div3A_1038 {offsets = [0, 512], sizes = [512, 512], strides = [1, 1]} : vector<512x1024xf32> to vector<512x512xf32>
    %jit3A_1041 = arith.constant -1.000000e+09 : f32
    %broadcast_in_dim3A_1042 = vector.broadcast %jit3A_1041 : f32 to vector<512x512xf32>
    %select_n3A_1043 = arith.select %ge3A, %slice3A_1040, %broadcast_in_dim3A_1042 : vector<512x512xi1>, vector<512x512xf32>
    %concatenate3A_1044 = tpu.concatenate %slice3A_1039, %select_n3A_1043 in 1 : vector<512x512xf32>, vector<512x512xf32> -> vector<512x1024xf32>
    %reduce_max3A_1045 = arith.constant dense<0xFF800000> : vector<512xf32>
    %reduce_max3A_1046 = vector.multi_reduction <maximumf>, %concatenate3A_1044, %reduce_max3A_1045 [1] : vector<512x1024xf32> to vector<512xf32>
    %max3A_1047 = arith.constant 0xFF800000 : f32
    %max3A_1048 = vector.broadcast %max3A_1047 : f32 to vector<512xf32>
    %max3A_1049 = arith.maximumf %max3A_1048, %reduce_max3A_1046 : vector<512xf32>
    %broadcast_in_dim3A_1050 = vector.shape_cast %max3A_1049 : vector<512xf32> to vector<512x1xf32>
    %sub3A_1051 = vector.broadcast %broadcast_in_dim3A_1050 : vector<512x1xf32> to vector<512x1024xf32>
    %sub3A_1052 = arith.subf %concatenate3A_1044, %sub3A_1051 : vector<512x1024xf32>
    %exp3A_1053 = math.exp %sub3A_1052 : vector<512x1024xf32>
    %reduce_sum3A_1054 = arith.constant dense<0.000000e+00> : vector<512xf32>
    %reduce_sum3A_1055 = vector.multi_reduction <add>, %exp3A_1053, %reduce_sum3A_1054 [1] : vector<512x1024xf32> to vector<512xf32>
    %broadcast_in_dim3A_1056 = vector.shape_cast %reduce_sum3A_1055 : vector<512xf32> to vector<512x1xf32>
    %div3A_1057 = vector.broadcast %broadcast_in_dim3A_1056 : vector<512x1xf32> to vector<512x1024xf32>
    %div3A_1058 = arith.divf %exp3A_1053, %div3A_1057 : vector<512x1024xf32>
    %convert_element_type3A_1059 = arith.truncf %div3A_1058 : vector<512x1024xf32> to vector<512x1024xbf16>
    %convert_element_type3A_1060 = arith.truncf %slice3A_1030 : vector<1024x64xf32> to vector<1024x64xbf16>
    %dot_general3A_1061 = arith.constant dense<0.000000e+00> : vector<512x64xf32>
    %dot_general3A_1062 = tpu.matmul %convert_element_type3A_1059, %convert_element_type3A_1060, %dot_general3A_1061 {dimension_numbers = #tpu.dot_dimension_numbers<[1], [0], [0], [1], [0, 0, 1, 1], [], []>, transpose_lhs_hint = false} : vector<512x1024xbf16>, vector<1024x64xbf16>, vector<512x64xf32> -> vector<512x64xf32>
    %slice3A_1063 = vector.extract_strided_slice %dot_general3A_689 {offsets = [512, 192], sizes = [512, 64], strides = [1, 1]} : vector<1024x1536xf32> to vector<512x64xf32>
    %slice3A_1064 = vector.extract_strided_slice %dot_general3A_689 {offsets = [0, 704], sizes = [1024, 64], strides = [1, 1]} : vector<1024x1536xf32> to vector<1024x64xf32>
    %slice3A_1065 = vector.extract_strided_slice %dot_general3A_689 {offsets = [0, 1216], sizes = [1024, 64], strides = [1, 1]} : vector<1024x1536xf32> to vector<1024x64xf32>
    %convert_element_type3A_1066 = arith.truncf %slice3A_1063 : vector<512x64xf32> to vector<512x64xbf16>
    %convert_element_type3A_1067 = arith.truncf %slice3A_1064 : vector<1024x64xf32> to vector<1024x64xbf16>
    %dot_general3A_1068 = arith.constant dense<0.000000e+00> : vector<512x1024xf32>
    %dot_general3A_1069 = tpu.matmul %convert_element_type3A_1066, %convert_element_type3A_1067, %dot_general3A_1068 {dimension_numbers = #tpu.dot_dimension_numbers<[1], [1], [0], [0], [0, 0, 1, 0], [], []>, transpose_lhs_hint = false} : vector<512x64xbf16>, vector<1024x64xbf16>, vector<512x1024xf32> -> vector<512x1024xf32>
    %sqrt3A_1070 = arith.constant 6.400000e+01 : f32
    %sqrt3A_1071 = math.sqrt %sqrt3A_1070 : f32
    %div3A_1072 = vector.broadcast %sqrt3A_1071 : f32 to vector<512x1024xf32>
    %div3A_1073 = arith.divf %dot_general3A_1069, %div3A_1072 : vector<512x1024xf32>
    %slice3A_1074 = vector.extract_strided_slice %div3A_1073 {offsets = [0, 0], sizes = [512, 512], strides = [1, 1]} : vector<512x1024xf32> to vector<512x512xf32>
    %slice3A_1075 = vector.extract_strided_slice %div3A_1073 {offsets = [0, 512], sizes = [512, 512], strides = [1, 1]} : vector<512x1024xf32> to vector<512x512xf32>
    %jit3A_1076 = arith.constant -1.000000e+09 : f32
    %broadcast_in_dim3A_1077 = vector.broadcast %jit3A_1076 : f32 to vector<512x512xf32>
    %select_n3A_1078 = arith.select %ge3A, %slice3A_1075, %broadcast_in_dim3A_1077 : vector<512x512xi1>, vector<512x512xf32>
    %concatenate3A_1079 = tpu.concatenate %slice3A_1074, %select_n3A_1078 in 1 : vector<512x512xf32>, vector<512x512xf32> -> vector<512x1024xf32>
    %reduce_max3A_1080 = arith.constant dense<0xFF800000> : vector<512xf32>
    %reduce_max3A_1081 = vector.multi_reduction <maximumf>, %concatenate3A_1079, %reduce_max3A_1080 [1] : vector<512x1024xf32> to vector<512xf32>
    %max3A_1082 = arith.constant 0xFF800000 : f32
    %max3A_1083 = vector.broadcast %max3A_1082 : f32 to vector<512xf32>
    %max3A_1084 = arith.maximumf %max3A_1083, %reduce_max3A_1081 : vector<512xf32>
    %broadcast_in_dim3A_1085 = vector.shape_cast %max3A_1084 : vector<512xf32> to vector<512x1xf32>
    %sub3A_1086 = vector.broadcast %broadcast_in_dim3A_1085 : vector<512x1xf32> to vector<512x1024xf32>
    %sub3A_1087 = arith.subf %concatenate3A_1079, %sub3A_1086 : vector<512x1024xf32>
    %exp3A_1088 = math.exp %sub3A_1087 : vector<512x1024xf32>
    %reduce_sum3A_1089 = arith.constant dense<0.000000e+00> : vector<512xf32>
    %reduce_sum3A_1090 = vector.multi_reduction <add>, %exp3A_1088, %reduce_sum3A_1089 [1] : vector<512x1024xf32> to vector<512xf32>
    %broadcast_in_dim3A_1091 = vector.shape_cast %reduce_sum3A_1090 : vector<512xf32> to vector<512x1xf32>
    %div3A_1092 = vector.broadcast %broadcast_in_dim3A_1091 : vector<512x1xf32> to vector<512x1024xf32>
    %div3A_1093 = arith.divf %exp3A_1088, %div3A_1092 : vector<512x1024xf32>
    %convert_element_type3A_1094 = arith.truncf %div3A_1093 : vector<512x1024xf32> to vector<512x1024xbf16>
    %convert_element_type3A_1095 = arith.truncf %slice3A_1065 : vector<1024x64xf32> to vector<1024x64xbf16>
    %dot_general3A_1096 = arith.constant dense<0.000000e+00> : vector<512x64xf32>
    %dot_general3A_1097 = tpu.matmul %convert_element_type3A_1094, %convert_element_type3A_1095, %dot_general3A_1096 {dimension_numbers = #tpu.dot_dimension_numbers<[1], [0], [0], [1], [0, 0, 1, 1], [], []>, transpose_lhs_hint = false} : vector<512x1024xbf16>, vector<1024x64xbf16>, vector<512x64xf32> -> vector<512x64xf32>
    %slice3A_1098 = vector.extract_strided_slice %dot_general3A_689 {offsets = [512, 256], sizes = [512, 64], strides = [1, 1]} : vector<1024x1536xf32> to vector<512x64xf32>
    %slice3A_1099 = vector.extract_strided_slice %dot_general3A_689 {offsets = [0, 768], sizes = [1024, 64], strides = [1, 1]} : vector<1024x1536xf32> to vector<1024x64xf32>
    %slice3A_1100 = vector.extract_strided_slice %dot_general3A_689 {offsets = [0, 1280], sizes = [1024, 64], strides = [1, 1]} : vector<1024x1536xf32> to vector<1024x64xf32>
    %convert_element_type3A_1101 = arith.truncf %slice3A_1098 : vector<512x64xf32> to vector<512x64xbf16>
    %convert_element_type3A_1102 = arith.truncf %slice3A_1099 : vector<1024x64xf32> to vector<1024x64xbf16>
    %dot_general3A_1103 = arith.constant dense<0.000000e+00> : vector<512x1024xf32>
    %dot_general3A_1104 = tpu.matmul %convert_element_type3A_1101, %convert_element_type3A_1102, %dot_general3A_1103 {dimension_numbers = #tpu.dot_dimension_numbers<[1], [1], [0], [0], [0, 0, 1, 0], [], []>, transpose_lhs_hint = false} : vector<512x64xbf16>, vector<1024x64xbf16>, vector<512x1024xf32> -> vector<512x1024xf32>
    %sqrt3A_1105 = arith.constant 6.400000e+01 : f32
    %sqrt3A_1106 = math.sqrt %sqrt3A_1105 : f32
    %div3A_1107 = vector.broadcast %sqrt3A_1106 : f32 to vector<512x1024xf32>
    %div3A_1108 = arith.divf %dot_general3A_1104, %div3A_1107 : vector<512x1024xf32>
    %slice3A_1109 = vector.extract_strided_slice %div3A_1108 {offsets = [0, 0], sizes = [512, 512], strides = [1, 1]} : vector<512x1024xf32> to vector<512x512xf32>
    %slice3A_1110 = vector.extract_strided_slice %div3A_1108 {offsets = [0, 512], sizes = [512, 512], strides = [1, 1]} : vector<512x1024xf32> to vector<512x512xf32>
    %jit3A_1111 = arith.constant -1.000000e+09 : f32
    %broadcast_in_dim3A_1112 = vector.broadcast %jit3A_1111 : f32 to vector<512x512xf32>
    %select_n3A_1113 = arith.select %ge3A, %slice3A_1110, %broadcast_in_dim3A_1112 : vector<512x512xi1>, vector<512x512xf32>
    %concatenate3A_1114 = tpu.concatenate %slice3A_1109, %select_n3A_1113 in 1 : vector<512x512xf32>, vector<512x512xf32> -> vector<512x1024xf32>
    %reduce_max3A_1115 = arith.constant dense<0xFF800000> : vector<512xf32>
    %reduce_max3A_1116 = vector.multi_reduction <maximumf>, %concatenate3A_1114, %reduce_max3A_1115 [1] : vector<512x1024xf32> to vector<512xf32>
    %max3A_1117 = arith.constant 0xFF800000 : f32
    %max3A_1118 = vector.broadcast %max3A_1117 : f32 to vector<512xf32>
    %max3A_1119 = arith.maximumf %max3A_1118, %reduce_max3A_1116 : vector<512xf32>
    %broadcast_in_dim3A_1120 = vector.shape_cast %max3A_1119 : vector<512xf32> to vector<512x1xf32>
    %sub3A_1121 = vector.broadcast %broadcast_in_dim3A_1120 : vector<512x1xf32> to vector<512x1024xf32>
    %sub3A_1122 = arith.subf %concatenate3A_1114, %sub3A_1121 : vector<512x1024xf32>
    %exp3A_1123 = math.exp %sub3A_1122 : vector<512x1024xf32>
    %reduce_sum3A_1124 = arith.constant dense<0.000000e+00> : vector<512xf32>
    %reduce_sum3A_1125 = vector.multi_reduction <add>, %exp3A_1123, %reduce_sum3A_1124 [1] : vector<512x1024xf32> to vector<512xf32>
    %broadcast_in_dim3A_1126 = vector.shape_cast %reduce_sum3A_1125 : vector<512xf32> to vector<512x1xf32>
    %div3A_1127 = vector.broadcast %broadcast_in_dim3A_1126 : vector<512x1xf32> to vector<512x1024xf32>
    %div3A_1128 = arith.divf %exp3A_1123, %div3A_1127 : vector<512x1024xf32>
    %convert_element_type3A_1129 = arith.truncf %div3A_1128 : vector<512x1024xf32> to vector<512x1024xbf16>
    %convert_element_type3A_1130 = arith.truncf %slice3A_1100 : vector<1024x64xf32> to vector<1024x64xbf16>
    %dot_general3A_1131 = arith.constant dense<0.000000e+00> : vector<512x64xf32>
    %dot_general3A_1132 = tpu.matmul %convert_element_type3A_1129, %convert_element_type3A_1130, %dot_general3A_1131 {dimension_numbers = #tpu.dot_dimension_numbers<[1], [0], [0], [1], [0, 0, 1, 1], [], []>, transpose_lhs_hint = false} : vector<512x1024xbf16>, vector<1024x64xbf16>, vector<512x64xf32> -> vector<512x64xf32>
    %slice3A_1133 = vector.extract_strided_slice %dot_general3A_689 {offsets = [512, 320], sizes = [512, 64], strides = [1, 1]} : vector<1024x1536xf32> to vector<512x64xf32>
    %slice3A_1134 = vector.extract_strided_slice %dot_general3A_689 {offsets = [0, 832], sizes = [1024, 64], strides = [1, 1]} : vector<1024x1536xf32> to vector<1024x64xf32>
    %slice3A_1135 = vector.extract_strided_slice %dot_general3A_689 {offsets = [0, 1344], sizes = [1024, 64], strides = [1, 1]} : vector<1024x1536xf32> to vector<1024x64xf32>
    %convert_element_type3A_1136 = arith.truncf %slice3A_1133 : vector<512x64xf32> to vector<512x64xbf16>
    %convert_element_type3A_1137 = arith.truncf %slice3A_1134 : vector<1024x64xf32> to vector<1024x64xbf16>
    %dot_general3A_1138 = arith.constant dense<0.000000e+00> : vector<512x1024xf32>
    %dot_general3A_1139 = tpu.matmul %convert_element_type3A_1136, %convert_element_type3A_1137, %dot_general3A_1138 {dimension_numbers = #tpu.dot_dimension_numbers<[1], [1], [0], [0], [0, 0, 1, 0], [], []>, transpose_lhs_hint = false} : vector<512x64xbf16>, vector<1024x64xbf16>, vector<512x1024xf32> -> vector<512x1024xf32>
    %sqrt3A_1140 = arith.constant 6.400000e+01 : f32
    %sqrt3A_1141 = math.sqrt %sqrt3A_1140 : f32
    %div3A_1142 = vector.broadcast %sqrt3A_1141 : f32 to vector<512x1024xf32>
    %div3A_1143 = arith.divf %dot_general3A_1139, %div3A_1142 : vector<512x1024xf32>
    %slice3A_1144 = vector.extract_strided_slice %div3A_1143 {offsets = [0, 0], sizes = [512, 512], strides = [1, 1]} : vector<512x1024xf32> to vector<512x512xf32>
    %slice3A_1145 = vector.extract_strided_slice %div3A_1143 {offsets = [0, 512], sizes = [512, 512], strides = [1, 1]} : vector<512x1024xf32> to vector<512x512xf32>
    %jit3A_1146 = arith.constant -1.000000e+09 : f32
    %broadcast_in_dim3A_1147 = vector.broadcast %jit3A_1146 : f32 to vector<512x512xf32>
    %select_n3A_1148 = arith.select %ge3A, %slice3A_1145, %broadcast_in_dim3A_1147 : vector<512x512xi1>, vector<512x512xf32>
    %concatenate3A_1149 = tpu.concatenate %slice3A_1144, %select_n3A_1148 in 1 : vector<512x512xf32>, vector<512x512xf32> -> vector<512x1024xf32>
    %reduce_max3A_1150 = arith.constant dense<0xFF800000> : vector<512xf32>
    %reduce_max3A_1151 = vector.multi_reduction <maximumf>, %concatenate3A_1149, %reduce_max3A_1150 [1] : vector<512x1024xf32> to vector<512xf32>
    %max3A_1152 = arith.constant 0xFF800000 : f32
    %max3A_1153 = vector.broadcast %max3A_1152 : f32 to vector<512xf32>
    %max3A_1154 = arith.maximumf %max3A_1153, %reduce_max3A_1151 : vector<512xf32>
    %broadcast_in_dim3A_1155 = vector.shape_cast %max3A_1154 : vector<512xf32> to vector<512x1xf32>
    %sub3A_1156 = vector.broadcast %broadcast_in_dim3A_1155 : vector<512x1xf32> to vector<512x1024xf32>
    %sub3A_1157 = arith.subf %concatenate3A_1149, %sub3A_1156 : vector<512x1024xf32>
    %exp3A_1158 = math.exp %sub3A_1157 : vector<512x1024xf32>
    %reduce_sum3A_1159 = arith.constant dense<0.000000e+00> : vector<512xf32>
    %reduce_sum3A_1160 = vector.multi_reduction <add>, %exp3A_1158, %reduce_sum3A_1159 [1] : vector<512x1024xf32> to vector<512xf32>
    %broadcast_in_dim3A_1161 = vector.shape_cast %reduce_sum3A_1160 : vector<512xf32> to vector<512x1xf32>
    %div3A_1162 = vector.broadcast %broadcast_in_dim3A_1161 : vector<512x1xf32> to vector<512x1024xf32>
    %div3A_1163 = arith.divf %exp3A_1158, %div3A_1162 : vector<512x1024xf32>
    %convert_element_type3A_1164 = arith.truncf %div3A_1163 : vector<512x1024xf32> to vector<512x1024xbf16>
    %convert_element_type3A_1165 = arith.truncf %slice3A_1135 : vector<1024x64xf32> to vector<1024x64xbf16>
    %dot_general3A_1166 = arith.constant dense<0.000000e+00> : vector<512x64xf32>
    %dot_general3A_1167 = tpu.matmul %convert_element_type3A_1164, %convert_element_type3A_1165, %dot_general3A_1166 {dimension_numbers = #tpu.dot_dimension_numbers<[1], [0], [0], [1], [0, 0, 1, 1], [], []>, transpose_lhs_hint = false} : vector<512x1024xbf16>, vector<1024x64xbf16>, vector<512x64xf32> -> vector<512x64xf32>
    %slice3A_1168 = vector.extract_strided_slice %dot_general3A_689 {offsets = [512, 384], sizes = [512, 64], strides = [1, 1]} : vector<1024x1536xf32> to vector<512x64xf32>
    %slice3A_1169 = vector.extract_strided_slice %dot_general3A_689 {offsets = [0, 896], sizes = [1024, 64], strides = [1, 1]} : vector<1024x1536xf32> to vector<1024x64xf32>
    %slice3A_1170 = vector.extract_strided_slice %dot_general3A_689 {offsets = [0, 1408], sizes = [1024, 64], strides = [1, 1]} : vector<1024x1536xf32> to vector<1024x64xf32>
    %convert_element_type3A_1171 = arith.truncf %slice3A_1168 : vector<512x64xf32> to vector<512x64xbf16>
    %convert_element_type3A_1172 = arith.truncf %slice3A_1169 : vector<1024x64xf32> to vector<1024x64xbf16>
    %dot_general3A_1173 = arith.constant dense<0.000000e+00> : vector<512x1024xf32>
    %dot_general3A_1174 = tpu.matmul %convert_element_type3A_1171, %convert_element_type3A_1172, %dot_general3A_1173 {dimension_numbers = #tpu.dot_dimension_numbers<[1], [1], [0], [0], [0, 0, 1, 0], [], []>, transpose_lhs_hint = false} : vector<512x64xbf16>, vector<1024x64xbf16>, vector<512x1024xf32> -> vector<512x1024xf32>
    %sqrt3A_1175 = arith.constant 6.400000e+01 : f32
    %sqrt3A_1176 = math.sqrt %sqrt3A_1175 : f32
    %div3A_1177 = vector.broadcast %sqrt3A_1176 : f32 to vector<512x1024xf32>
    %div3A_1178 = arith.divf %dot_general3A_1174, %div3A_1177 : vector<512x1024xf32>
    %slice3A_1179 = vector.extract_strided_slice %div3A_1178 {offsets = [0, 0], sizes = [512, 512], strides = [1, 1]} : vector<512x1024xf32> to vector<512x512xf32>
    %slice3A_1180 = vector.extract_strided_slice %div3A_1178 {offsets = [0, 512], sizes = [512, 512], strides = [1, 1]} : vector<512x1024xf32> to vector<512x512xf32>
    %jit3A_1181 = arith.constant -1.000000e+09 : f32
    %broadcast_in_dim3A_1182 = vector.broadcast %jit3A_1181 : f32 to vector<512x512xf32>
    %select_n3A_1183 = arith.select %ge3A, %slice3A_1180, %broadcast_in_dim3A_1182 : vector<512x512xi1>, vector<512x512xf32>
    %concatenate3A_1184 = tpu.concatenate %slice3A_1179, %select_n3A_1183 in 1 : vector<512x512xf32>, vector<512x512xf32> -> vector<512x1024xf32>
    %reduce_max3A_1185 = arith.constant dense<0xFF800000> : vector<512xf32>
    %reduce_max3A_1186 = vector.multi_reduction <maximumf>, %concatenate3A_1184, %reduce_max3A_1185 [1] : vector<512x1024xf32> to vector<512xf32>
    %max3A_1187 = arith.constant 0xFF800000 : f32
    %max3A_1188 = vector.broadcast %max3A_1187 : f32 to vector<512xf32>
    %max3A_1189 = arith.maximumf %max3A_1188, %reduce_max3A_1186 : vector<512xf32>
    %broadcast_in_dim3A_1190 = vector.shape_cast %max3A_1189 : vector<512xf32> to vector<512x1xf32>
    %sub3A_1191 = vector.broadcast %broadcast_in_dim3A_1190 : vector<512x1xf32> to vector<512x1024xf32>
    %sub3A_1192 = arith.subf %concatenate3A_1184, %sub3A_1191 : vector<512x1024xf32>
    %exp3A_1193 = math.exp %sub3A_1192 : vector<512x1024xf32>
    %reduce_sum3A_1194 = arith.constant dense<0.000000e+00> : vector<512xf32>
    %reduce_sum3A_1195 = vector.multi_reduction <add>, %exp3A_1193, %reduce_sum3A_1194 [1] : vector<512x1024xf32> to vector<512xf32>
    %broadcast_in_dim3A_1196 = vector.shape_cast %reduce_sum3A_1195 : vector<512xf32> to vector<512x1xf32>
    %div3A_1197 = vector.broadcast %broadcast_in_dim3A_1196 : vector<512x1xf32> to vector<512x1024xf32>
    %div3A_1198 = arith.divf %exp3A_1193, %div3A_1197 : vector<512x1024xf32>
    %convert_element_type3A_1199 = arith.truncf %div3A_1198 : vector<512x1024xf32> to vector<512x1024xbf16>
    %convert_element_type3A_1200 = arith.truncf %slice3A_1170 : vector<1024x64xf32> to vector<1024x64xbf16>
    %dot_general3A_1201 = arith.constant dense<0.000000e+00> : vector<512x64xf32>
    %dot_general3A_1202 = tpu.matmul %convert_element_type3A_1199, %convert_element_type3A_1200, %dot_general3A_1201 {dimension_numbers = #tpu.dot_dimension_numbers<[1], [0], [0], [1], [0, 0, 1, 1], [], []>, transpose_lhs_hint = false} : vector<512x1024xbf16>, vector<1024x64xbf16>, vector<512x64xf32> -> vector<512x64xf32>
    %slice3A_1203 = vector.extract_strided_slice %dot_general3A_689 {offsets = [512, 448], sizes = [512, 64], strides = [1, 1]} : vector<1024x1536xf32> to vector<512x64xf32>
    %slice3A_1204 = vector.extract_strided_slice %dot_general3A_689 {offsets = [0, 960], sizes = [1024, 64], strides = [1, 1]} : vector<1024x1536xf32> to vector<1024x64xf32>
    %slice3A_1205 = vector.extract_strided_slice %dot_general3A_689 {offsets = [0, 1472], sizes = [1024, 64], strides = [1, 1]} : vector<1024x1536xf32> to vector<1024x64xf32>
    %convert_element_type3A_1206 = arith.truncf %slice3A_1203 : vector<512x64xf32> to vector<512x64xbf16>
    %convert_element_type3A_1207 = arith.truncf %slice3A_1204 : vector<1024x64xf32> to vector<1024x64xbf16>
    %dot_general3A_1208 = arith.constant dense<0.000000e+00> : vector<512x1024xf32>
    %dot_general3A_1209 = tpu.matmul %convert_element_type3A_1206, %convert_element_type3A_1207, %dot_general3A_1208 {dimension_numbers = #tpu.dot_dimension_numbers<[1], [1], [0], [0], [0, 0, 1, 0], [], []>, transpose_lhs_hint = false} : vector<512x64xbf16>, vector<1024x64xbf16>, vector<512x1024xf32> -> vector<512x1024xf32>
    %sqrt3A_1210 = arith.constant 6.400000e+01 : f32
    %sqrt3A_1211 = math.sqrt %sqrt3A_1210 : f32
    %div3A_1212 = vector.broadcast %sqrt3A_1211 : f32 to vector<512x1024xf32>
    %div3A_1213 = arith.divf %dot_general3A_1209, %div3A_1212 : vector<512x1024xf32>
    %slice3A_1214 = vector.extract_strided_slice %div3A_1213 {offsets = [0, 0], sizes = [512, 512], strides = [1, 1]} : vector<512x1024xf32> to vector<512x512xf32>
    %slice3A_1215 = vector.extract_strided_slice %div3A_1213 {offsets = [0, 512], sizes = [512, 512], strides = [1, 1]} : vector<512x1024xf32> to vector<512x512xf32>
    %jit3A_1216 = arith.constant -1.000000e+09 : f32
    %broadcast_in_dim3A_1217 = vector.broadcast %jit3A_1216 : f32 to vector<512x512xf32>
    %select_n3A_1218 = arith.select %ge3A, %slice3A_1215, %broadcast_in_dim3A_1217 : vector<512x512xi1>, vector<512x512xf32>
    %concatenate3A_1219 = tpu.concatenate %slice3A_1214, %select_n3A_1218 in 1 : vector<512x512xf32>, vector<512x512xf32> -> vector<512x1024xf32>
    %reduce_max3A_1220 = arith.constant dense<0xFF800000> : vector<512xf32>
    %reduce_max3A_1221 = vector.multi_reduction <maximumf>, %concatenate3A_1219, %reduce_max3A_1220 [1] : vector<512x1024xf32> to vector<512xf32>
    %max3A_1222 = arith.constant 0xFF800000 : f32
    %max3A_1223 = vector.broadcast %max3A_1222 : f32 to vector<512xf32>
    %max3A_1224 = arith.maximumf %max3A_1223, %reduce_max3A_1221 : vector<512xf32>
    %broadcast_in_dim3A_1225 = vector.shape_cast %max3A_1224 : vector<512xf32> to vector<512x1xf32>
    %sub3A_1226 = vector.broadcast %broadcast_in_dim3A_1225 : vector<512x1xf32> to vector<512x1024xf32>
    %sub3A_1227 = arith.subf %concatenate3A_1219, %sub3A_1226 : vector<512x1024xf32>
    %exp3A_1228 = math.exp %sub3A_1227 : vector<512x1024xf32>
    %reduce_sum3A_1229 = arith.constant dense<0.000000e+00> : vector<512xf32>
    %reduce_sum3A_1230 = vector.multi_reduction <add>, %exp3A_1228, %reduce_sum3A_1229 [1] : vector<512x1024xf32> to vector<512xf32>
    %broadcast_in_dim3A_1231 = vector.shape_cast %reduce_sum3A_1230 : vector<512xf32> to vector<512x1xf32>
    %div3A_1232 = vector.broadcast %broadcast_in_dim3A_1231 : vector<512x1xf32> to vector<512x1024xf32>
    %div3A_1233 = arith.divf %exp3A_1228, %div3A_1232 : vector<512x1024xf32>
    %convert_element_type3A_1234 = arith.truncf %div3A_1233 : vector<512x1024xf32> to vector<512x1024xbf16>
    %convert_element_type3A_1235 = arith.truncf %slice3A_1205 : vector<1024x64xf32> to vector<1024x64xbf16>
    %dot_general3A_1236 = arith.constant dense<0.000000e+00> : vector<512x64xf32>
    %dot_general3A_1237 = tpu.matmul %convert_element_type3A_1234, %convert_element_type3A_1235, %dot_general3A_1236 {dimension_numbers = #tpu.dot_dimension_numbers<[1], [0], [0], [1], [0, 0, 1, 1], [], []>, transpose_lhs_hint = false} : vector<512x1024xbf16>, vector<1024x64xbf16>, vector<512x64xf32> -> vector<512x64xf32>
    %concatenate3A_1238 = tpu.concatenate %dot_general3A_992, %dot_general3A_1027, %dot_general3A_1062, %dot_general3A_1097, %dot_general3A_1132, %dot_general3A_1167, %dot_general3A_1202, %dot_general3A_1237 in 1 : vector<512x64xf32>, vector<512x64xf32>, vector<512x64xf32>, vector<512x64xf32>, vector<512x64xf32>, vector<512x64xf32>, vector<512x64xf32>, vector<512x64xf32> -> vector<512x512xf32>
    %slice3A_1239 = vector.extract_strided_slice %add3A_652 {offsets = [512, 0], sizes = [512, 512], strides = [1, 1]} : vector<1024x512xf32> to vector<512x512xf32>
    %get3A_1240 = arith.constant 1 : index
    %get3A_1241 = arith.constant 0 : index
    %get3A_1242 = arith.constant 0 : index
    %get3A_1243 = vector.load %arg4[%get3A_1240, %get3A_1241, %get3A_1242] : memref<2x512x512xf32, #tpu.memory_space<vmem>>, vector<1x512x512xf32>
    %get3A_1244 = vector.shape_cast %get3A_1243 : vector<1x512x512xf32> to vector<512x512xf32>
    %convert_element_type3A_1245 = arith.truncf %concatenate3A_1238 : vector<512x512xf32> to vector<512x512xbf16>
    %convert_element_type3A_1246 = arith.truncf %get3A_1244 : vector<512x512xf32> to vector<512x512xbf16>
    %dot_general3A_1247 = arith.constant dense<0.000000e+00> : vector<512x512xf32>
    %dot_general3A_1248 = tpu.matmul %convert_element_type3A_1245, %convert_element_type3A_1246, %dot_general3A_1247 {dimension_numbers = #tpu.dot_dimension_numbers<[1], [0], [0], [1], [0, 0, 1, 1], [], []>, transpose_lhs_hint = false} : vector<512x512xbf16>, vector<512x512xbf16>, vector<512x512xf32> -> vector<512x512xf32>
    %add3A_1249 = arith.addf %slice3A_1239, %dot_general3A_1248 : vector<512x512xf32>
    %concatenate3A_1250 = tpu.concatenate %add3A_957, %add3A_1249 in 0 : vector<512x512xf32>, vector<512x512xf32> -> vector<1024x512xf32>
    %get3A_1251 = arith.constant 1 : index
    %get3A_1252 = arith.constant 0 : index
    %get3A_1253 = vector.load %arg6[%get3A_1251, %get3A_1252] : memref<2x512xf32, #tpu.memory_space<vmem>>, vector<1x512xf32>
    %reduce_sum3A_1254 = arith.constant dense<0.000000e+00> : vector<1024xf32>
    %reduce_sum3A_1255 = vector.multi_reduction <add>, %concatenate3A_1250, %reduce_sum3A_1254 [1] : vector<1024x512xf32> to vector<1024xf32>
    %broadcast_in_dim3A_1256 = vector.shape_cast %reduce_sum3A_1255 : vector<1024xf32> to vector<1024x1xf32>
    %div3A_1257 = arith.constant 5.120000e+02 : f32
    %div3A_1258 = vector.broadcast %div3A_1257 : f32 to vector<1024x1xf32>
    %div3A_1259 = arith.divf %broadcast_in_dim3A_1256, %div3A_1258 : vector<1024x1xf32>
    %sub3A_1260 = vector.broadcast %div3A_1259 : vector<1024x1xf32> to vector<1024x512xf32>
    %sub3A_1261 = arith.subf %concatenate3A_1250, %sub3A_1260 : vector<1024x512xf32>
    %integer_pow3A_1262 = arith.mulf %sub3A_1261, %sub3A_1261 : vector<1024x512xf32>
    %reduce_sum3A_1263 = arith.constant dense<0.000000e+00> : vector<1024xf32>
    %reduce_sum3A_1264 = vector.multi_reduction <add>, %integer_pow3A_1262, %reduce_sum3A_1263 [1] : vector<1024x512xf32> to vector<1024xf32>
    %broadcast_in_dim3A_1265 = vector.shape_cast %reduce_sum3A_1264 : vector<1024xf32> to vector<1024x1xf32>
    %div3A_1266 = arith.constant 5.120000e+02 : f32
    %div3A_1267 = vector.broadcast %div3A_1266 : f32 to vector<1024x1xf32>
    %div3A_1268 = arith.divf %broadcast_in_dim3A_1265, %div3A_1267 : vector<1024x1xf32>
    %sub3A_1269 = vector.broadcast %div3A_1259 : vector<1024x1xf32> to vector<1024x512xf32>
    %sub3A_1270 = arith.subf %concatenate3A_1250, %sub3A_1269 : vector<1024x512xf32>
    %add3A_1271 = arith.constant 9.99999974E-6 : f32
    %add3A_1272 = vector.broadcast %add3A_1271 : f32 to vector<1024x1xf32>
    %add3A_1273 = arith.addf %div3A_1268, %add3A_1272 : vector<1024x1xf32>
    %sqrt3A_1274 = math.sqrt %add3A_1273 : vector<1024x1xf32>
    %div3A_1275 = vector.broadcast %sqrt3A_1274 : vector<1024x1xf32> to vector<1024x512xf32>
    %div3A_1276 = arith.divf %sub3A_1270, %div3A_1275 : vector<1024x512xf32>
    %mul3A_1277 = vector.broadcast %get3A_1253 : vector<1x512xf32> to vector<1024x512xf32>
    %mul3A_1278 = arith.mulf %div3A_1276, %mul3A_1277 : vector<1024x512xf32>
    %get3A_1279 = arith.constant 1 : index
    %get3A_1280 = arith.constant 0 : index
    %get3A_1281 = arith.constant 0 : index
    %get3A_1282 = vector.load %arg7[%get3A_1279, %get3A_1280, %get3A_1281] : memref<2x512x2048xf32, #tpu.memory_space<vmem>>, vector<1x512x2048xf32>
    %get3A_1283 = vector.shape_cast %get3A_1282 : vector<1x512x2048xf32> to vector<512x2048xf32>
    %convert_element_type3A_1284 = arith.truncf %mul3A_1278 : vector<1024x512xf32> to vector<1024x512xbf16>
    %convert_element_type3A_1285 = arith.truncf %get3A_1283 : vector<512x2048xf32> to vector<512x2048xbf16>
    %dot_general3A_1286 = arith.constant dense<0.000000e+00> : vector<1024x2048xf32>
    %dot_general3A_1287 = tpu.matmul %convert_element_type3A_1284, %convert_element_type3A_1285, %dot_general3A_1286 {dimension_numbers = #tpu.dot_dimension_numbers<[1], [0], [0], [1], [0, 0, 1, 1], [], []>, transpose_lhs_hint = false} : vector<1024x512xbf16>, vector<512x2048xbf16>, vector<1024x2048xf32> -> vector<1024x2048xf32>
    %integer_pow3A_1288 = arith.mulf %dot_general3A_1287, %dot_general3A_1287 : vector<1024x2048xf32>
    %integer_pow3A_1289 = arith.mulf %dot_general3A_1287, %integer_pow3A_1288 : vector<1024x2048xf32>
    %mul3A_1290 = arith.constant 4.471500e-02 : f32
    %mul3A_1291 = vector.broadcast %mul3A_1290 : f32 to vector<1024x2048xf32>
    %mul3A_1292 = arith.mulf %mul3A_1291, %integer_pow3A_1289 : vector<1024x2048xf32>
    %add3A_1293 = arith.addf %dot_general3A_1287, %mul3A_1292 : vector<1024x2048xf32>
    %mul3A_1294 = arith.constant 0.797884583 : f32
    %mul3A_1295 = vector.broadcast %mul3A_1294 : f32 to vector<1024x2048xf32>
    %mul3A_1296 = arith.mulf %mul3A_1295, %add3A_1293 : vector<1024x2048xf32>
    %tanh3A_1297 = math.tanh %mul3A_1296 : vector<1024x2048xf32>
    %add3A_1298 = arith.constant 1.000000e+00 : f32
    %add3A_1299 = vector.broadcast %add3A_1298 : f32 to vector<1024x2048xf32>
    %add3A_1300 = arith.addf %add3A_1299, %tanh3A_1297 : vector<1024x2048xf32>
    %mul3A_1301 = arith.constant 5.000000e-01 : f32
    %mul3A_1302 = vector.broadcast %mul3A_1301 : f32 to vector<1024x2048xf32>
    %mul3A_1303 = arith.mulf %mul3A_1302, %add3A_1300 : vector<1024x2048xf32>
    %mul3A_1304 = arith.mulf %dot_general3A_1287, %mul3A_1303 : vector<1024x2048xf32>
    %get3A_1305 = arith.constant 1 : index
    %get3A_1306 = arith.constant 0 : index
    %get3A_1307 = arith.constant 0 : index
    %get3A_1308 = vector.load %arg8[%get3A_1305, %get3A_1306, %get3A_1307] : memref<2x2048x512xf32, #tpu.memory_space<vmem>>, vector<1x2048x512xf32>
    %get3A_1309 = vector.shape_cast %get3A_1308 : vector<1x2048x512xf32> to vector<2048x512xf32>
    %convert_element_type3A_1310 = arith.truncf %mul3A_1304 : vector<1024x2048xf32> to vector<1024x2048xbf16>
    %convert_element_type3A_1311 = arith.truncf %get3A_1309 : vector<2048x512xf32> to vector<2048x512xbf16>
    %dot_general3A_1312 = arith.constant dense<0.000000e+00> : vector<1024x512xf32>
    %dot_general3A_1313 = tpu.matmul %convert_element_type3A_1310, %convert_element_type3A_1311, %dot_general3A_1312 {dimension_numbers = #tpu.dot_dimension_numbers<[1], [0], [0], [1], [0, 0, 1, 1], [], []>, transpose_lhs_hint = false} : vector<1024x2048xbf16>, vector<2048x512xbf16>, vector<1024x512xf32> -> vector<1024x512xf32>
    %add3A_1314 = arith.addf %concatenate3A_1250, %dot_general3A_1313 : vector<1024x512xf32>
    %get3A_1315 = arith.constant 0 : index
    %get3A_1316 = arith.constant 0 : index
    %get3A_1317 = vector.load %arg9[%get3A_1315, %get3A_1316] : memref<1x512xf32, #tpu.memory_space<vmem>>, vector<1x512xf32>
    %reduce_sum3A_1318 = arith.constant dense<0.000000e+00> : vector<1024xf32>
    %reduce_sum3A_1319 = vector.multi_reduction <add>, %add3A_1314, %reduce_sum3A_1318 [1] : vector<1024x512xf32> to vector<1024xf32>
    %broadcast_in_dim3A_1320 = vector.shape_cast %reduce_sum3A_1319 : vector<1024xf32> to vector<1024x1xf32>
    %div3A_1321 = arith.constant 5.120000e+02 : f32
    %div3A_1322 = vector.broadcast %div3A_1321 : f32 to vector<1024x1xf32>
    %div3A_1323 = arith.divf %broadcast_in_dim3A_1320, %div3A_1322 : vector<1024x1xf32>
    %sub3A_1324 = vector.broadcast %div3A_1323 : vector<1024x1xf32> to vector<1024x512xf32>
    %sub3A_1325 = arith.subf %add3A_1314, %sub3A_1324 : vector<1024x512xf32>
    %integer_pow3A_1326 = arith.mulf %sub3A_1325, %sub3A_1325 : vector<1024x512xf32>
    %reduce_sum3A_1327 = arith.constant dense<0.000000e+00> : vector<1024xf32>
    %reduce_sum3A_1328 = vector.multi_reduction <add>, %integer_pow3A_1326, %reduce_sum3A_1327 [1] : vector<1024x512xf32> to vector<1024xf32>
    %broadcast_in_dim3A_1329 = vector.shape_cast %reduce_sum3A_1328 : vector<1024xf32> to vector<1024x1xf32>
    %div3A_1330 = arith.constant 5.120000e+02 : f32
    %div3A_1331 = vector.broadcast %div3A_1330 : f32 to vector<1024x1xf32>
    %div3A_1332 = arith.divf %broadcast_in_dim3A_1329, %div3A_1331 : vector<1024x1xf32>
    %sub3A_1333 = vector.broadcast %div3A_1323 : vector<1024x1xf32> to vector<1024x512xf32>
    %sub3A_1334 = arith.subf %add3A_1314, %sub3A_1333 : vector<1024x512xf32>
    %add3A_1335 = arith.constant 9.99999974E-6 : f32
    %add3A_1336 = vector.broadcast %add3A_1335 : f32 to vector<1024x1xf32>
    %add3A_1337 = arith.addf %div3A_1332, %add3A_1336 : vector<1024x1xf32>
    %sqrt3A_1338 = math.sqrt %add3A_1337 : vector<1024x1xf32>
    %div3A_1339 = vector.broadcast %sqrt3A_1338 : vector<1024x1xf32> to vector<1024x512xf32>
    %div3A_1340 = arith.divf %sub3A_1334, %div3A_1339 : vector<1024x512xf32>
    %mul3A_1341 = vector.broadcast %get3A_1317 : vector<1x512xf32> to vector<1024x512xf32>
    %mul3A_1342 = arith.mulf %div3A_1340, %mul3A_1341 : vector<1024x512xf32>
    %get3A_1343 = arith.constant 0 : index
    %get3A_1344 = arith.constant 0 : index
    %get3A_1345 = vector.load %arg10[%get3A_1343, %get3A_1344] : memref<512x13xf32, #tpu.memory_space<vmem>>, vector<512x13xf32>
    %convert_element_type3A_1346 = arith.truncf %mul3A_1342 : vector<1024x512xf32> to vector<1024x512xbf16>
    %convert_element_type3A_1347 = arith.truncf %get3A_1345 : vector<512x13xf32> to vector<512x13xbf16>
    %dot_general3A_1348 = arith.constant dense<0.000000e+00> : vector<1024x13xf32>
    %dot_general3A_1349 = tpu.matmul %convert_element_type3A_1346, %convert_element_type3A_1347, %dot_general3A_1348 {dimension_numbers = #tpu.dot_dimension_numbers<[1], [0], [0], [1], [0, 0, 1, 1], [], []>, transpose_lhs_hint = false} : vector<1024x512xbf16>, vector<512x13xbf16>, vector<1024x13xf32> -> vector<1024x13xf32>
    %mul3A_1350 = arith.mulf %dot_general3A_1349, %dot_general3A_1349 : vector<1024x13xf32>
    %reduce_sum3A_1351 = arith.constant dense<0.000000e+00> : vector<1024xf32>
    %reduce_sum3A_1352 = vector.multi_reduction <add>, %mul3A_1350, %reduce_sum3A_1351 [1] : vector<1024x13xf32> to vector<1024xf32>
    %broadcast_in_dim3A_1353 = vector.shape_cast %reduce_sum3A_1352 : vector<1024xf32> to vector<1024x1xf32>
    %sqrt3A_1354 = math.sqrt %broadcast_in_dim3A_1353 : vector<1024x1xf32>
    %max3A_1355 = arith.constant 9.99999996E-13 : f32
    %max3A_1356 = vector.broadcast %max3A_1355 : f32 to vector<1024x1xf32>
    %max3A_1357 = arith.maximumf %sqrt3A_1354, %max3A_1356 : vector<1024x1xf32>
    %div3A_1358 = vector.broadcast %max3A_1357 : vector<1024x1xf32> to vector<1024x13xf32>
    %div3A_1359 = arith.divf %dot_general3A_1349, %div3A_1358 : vector<1024x13xf32>
    %swap3A = arith.constant 0 : index
    %swap3A_1360 = arith.constant 0 : index
    %swap3A_1361 = arith.constant 0 : index
    %swap3A_1362 = vector.load %arg11[%swap3A, %swap3A_1360, %swap3A_1361] : memref<1x1024x13xf32, #tpu.memory_space<vmem>>, vector<1x1024x13xf32>
    %swap3A_1363 = vector.shape_cast %swap3A_1362 : vector<1x1024x13xf32> to vector<1024x13xf32>
    %swap3A_1364 = vector.shape_cast %div3A_1359 : vector<1024x13xf32> to vector<1x1024x13xf32>
    tpu.vector_store %arg11[%swap3A, %swap3A_1360, %swap3A_1361], %swap3A_1364 {strides = array<i32>} : memref<1x1024x13xf32, #tpu.memory_space<vmem>>, vector<1x1024x13xf32>,
    return
  }
  func.func @transform_0(%arg0: i32) -> (i32, i32, i32) {
    %c0_i32 = arith.constant 0 : i32
    %c0_i32_0 = arith.constant 0 : i32
    %c0_i32_1 = arith.constant 0 : i32
    return %arg0, %c0_i32, %c0_i32_0 : i32, i32, i32
  }
  func.func @transform_1(%arg0: i32) -> (i32, i32) {
    %c0_i32 = arith.constant 0 : i32
    %c0_i32_0 = arith.constant 0 : i32
    %c0_i32_1 = arith.constant 0 : i32
    return %c0_i32, %c0_i32_0 : i32, i32
  }
  func.func @transform_2(%arg0: i32) -> (i32, i32, i32) {
    %c0_i32 = arith.constant 0 : i32
    %c0_i32_0 = arith.constant 0 : i32
    %c0_i32_1 = arith.constant 0 : i32
    %c0_i32_2 = arith.constant 0 : i32
    return %c0_i32, %c0_i32_0, %c0_i32_1 : i32, i32, i32
  }
  func.func @transform_3(%arg0: i32) -> (i32, i32, i32) {
    %c0_i32 = arith.constant 0 : i32
    %c0_i32_0 = arith.constant 0 : i32
    %c0_i32_1 = arith.constant 0 : i32
    %c0_i32_2 = arith.constant 0 : i32
    return %c0_i32, %c0_i32_0, %c0_i32_1 : i32, i32, i32
  }
  func.func @transform_4(%arg0: i32) -> (i32, i32) {
    %c0_i32 = arith.constant 0 : i32
    %c0_i32_0 = arith.constant 0 : i32
    %c0_i32_1 = arith.constant 0 : i32
    return %c0_i32, %c0_i32_0 : i32, i32
  }
  func.func @transform_5(%arg0: i32) -> (i32, i32) {
    %c0_i32 = arith.constant 0 : i32
    %c0_i32_0 = arith.constant 0 : i32
    %c0_i32_1 = arith.constant 0 : i32
    return %c0_i32, %c0_i32_0 : i32, i32
  }
  func.func @transform_6(%arg0: i32) -> (i32, i32, i32) {
    %c0_i32 = arith.constant 0 : i32
    %c0_i32_0 = arith.constant 0 : i32
    %c0_i32_1 = arith.constant 0 : i32
    %c0_i32_2 = arith.constant 0 : i32
    return %c0_i32, %c0_i32_0, %c0_i32_1 : i32, i32, i32
  }
  func.func @transform_7(%arg0: i32) -> (i32, i32, i32) {
    %c0_i32 = arith.constant 0 : i32
    %c0_i32_0 = arith.constant 0 : i32
    %c0_i32_1 = arith.constant 0 : i32
    %c0_i32_2 = arith.constant 0 : i32
    return %c0_i32, %c0_i32_0, %c0_i32_1 : i32, i32, i32
  }
  func.func @transform_8(%arg0: i32) -> (i32, i32) {
    %c0_i32 = arith.constant 0 : i32
    %c0_i32_0 = arith.constant 0 : i32
    %c0_i32_1 = arith.constant 0 : i32
    return %c0_i32, %c0_i32_0 : i32, i32
  }
  func.func @transform_9(%arg0: i32) -> (i32, i32) {
    %c0_i32 = arith.constant 0 : i32
    %c0_i32_0 = arith.constant 0 : i32
    %c0_i32_1 = arith.constant 0 : i32
    return %c0_i32, %c0_i32_0 : i32, i32
  }
  func.func @transform_10(%arg0: i32) -> (i32, i32, i32) {
    %c0_i32 = arith.constant 0 : i32
    %c0_i32_0 = arith.constant 0 : i32
    %c0_i32_1 = arith.constant 0 : i32
    return %arg0, %c0_i32, %c0_i32_0 : i32, i32, i32
  }
}

module attributes {stable_mosaic.version = 14 : i64} {
  func.func @_nll_kernel(%arg0: i32, %arg1: memref<512x13xf32, #tpu.memory_space<vmem>>, %arg2: memref<512x13xf32, #tpu.memory_space<vmem>>, %arg3: memref<8192x13xf32, #tpu.memory_space<vmem>>, %arg4: memref<1x1x1xf32, #tpu.memory_space<vmem>>) attributes {dimension_semantics = [#tpu.dimension_semantics<parallel>], iteration_bounds = array<i64: 8>, scalar_prefetch = 0 : i64, scratch_operands = 0 : i64, tpu.core_type = #tpu.core_type<tc>, window_params = [{transform_indices = @transform_0, window_bounds = array<i64: 512, 13>}, {transform_indices = @transform_1, window_bounds = array<i64: 512, 13>}, {pipeline_mode = #tpu.pipeline_mode<synchronous>, transform_indices = @transform_2, window_bounds = array<i64: 8192, 13>}, {transform_indices = @transform_3, window_bounds = array<i64: 1, 1, 1>}]} {
    %get3A = arith.constant 0 : index
    %get3A_0 = arith.constant 0 : index
    %get3A_1 = vector.load %arg1[%get3A, %get3A_0] : memref<512x13xf32, #tpu.memory_space<vmem>>, vector<512x13xf32>
    %get3A_2 = arith.constant 0 : index
    %get3A_3 = arith.constant 0 : index
    %get3A_4 = vector.load %arg3[%get3A_2, %get3A_3] : memref<8192x13xf32, #tpu.memory_space<vmem>>, vector<8192x13xf32>
    %convert_element_type3A = arith.truncf %get3A_1 : vector<512x13xf32> to vector<512x13xbf16>
    %convert_element_type3A_5 = arith.truncf %get3A_4 : vector<8192x13xf32> to vector<8192x13xbf16>
    %dot_general3A = arith.constant dense<0.000000e+00> : vector<512x8192xf32>
    %dot_general3A_6 = tpu.matmul %convert_element_type3A, %convert_element_type3A_5, %dot_general3A {dimension_numbers = #tpu.dot_dimension_numbers<[1], [1], [0], [0], [0, 0, 1, 0], [], []>, transpose_lhs_hint = false} : vector<512x13xbf16>, vector<8192x13xbf16>, vector<512x8192xf32> -> vector<512x8192xf32>
    %reduce_max3A = arith.constant dense<0xFF800000> : vector<512xf32>
    %reduce_max3A_7 = vector.multi_reduction <maximumf>, %dot_general3A_6, %reduce_max3A [1] : vector<512x8192xf32> to vector<512xf32>
    %broadcast_in_dim3A = vector.shape_cast %reduce_max3A_7 : vector<512xf32> to vector<512x1xf32>
    %sub3A = vector.broadcast %broadcast_in_dim3A : vector<512x1xf32> to vector<512x8192xf32>
    %sub3A_8 = arith.subf %dot_general3A_6, %sub3A : vector<512x8192xf32>
    %exp3A = math.exp %sub3A_8 : vector<512x8192xf32>
    %reduce_sum3A = arith.constant dense<0.000000e+00> : vector<512xf32>
    %reduce_sum3A_9 = vector.multi_reduction <add>, %exp3A, %reduce_sum3A [1] : vector<512x8192xf32> to vector<512xf32>
    %broadcast_in_dim3A_10 = vector.shape_cast %reduce_sum3A_9 : vector<512xf32> to vector<512x1xf32>
    %log3A = math.log %broadcast_in_dim3A_10 : vector<512x1xf32>
    %add3A = arith.addf %broadcast_in_dim3A, %log3A : vector<512x1xf32>
    %get3A_11 = arith.constant 0 : index
    %get3A_12 = arith.constant 0 : index
    %get3A_13 = vector.load %arg2[%get3A_11, %get3A_12] : memref<512x13xf32, #tpu.memory_space<vmem>>, vector<512x13xf32>
    %mul3A = arith.mulf %get3A_1, %get3A_13 : vector<512x13xf32>
    %reduce_sum3A_14 = arith.constant dense<0.000000e+00> : vector<512xf32>
    %reduce_sum3A_15 = vector.multi_reduction <add>, %mul3A, %reduce_sum3A_14 [1] : vector<512x13xf32> to vector<512xf32>
    %broadcast_in_dim3A_16 = vector.shape_cast %reduce_sum3A_15 : vector<512xf32> to vector<512x1xf32>
    %mul3A_17 = arith.constant 512 : i32
    %mul3A_18 = arith.muli %arg0, %mul3A_17 : i32
    %iota3A = tpu.iota {dimensions = array<i32: 0>} : vector<512x1xi32>
    %add3A_19 = vector.broadcast %mul3A_18 : i32 to vector<512x1xi32>
    %add3A_20 = arith.addi %add3A_19, %iota3A : vector<512x1xi32>
    %jit3A = arith.constant 1024 : i32
    %eq3A = arith.constant 0 : i32
    %eq3A_21 = arith.cmpi eq, %jit3A, %eq3A : i32
    %jit3A_22 = arith.constant 1 : i32
    %select_n3A = arith.select %eq3A_21, %jit3A_22, %jit3A : i32
    %rem3A = vector.broadcast %select_n3A : i32 to vector<512x1xi32>
    %rem3A_23 = arith.remsi %add3A_20, %rem3A : vector<512x1xi32>
    %ne3A = arith.constant 0 : i32
    %ne3A_24 = vector.broadcast %ne3A : i32 to vector<512x1xi32>
    %ne3A_25 = arith.cmpi ne, %rem3A_23, %ne3A_24 : vector<512x1xi32>
    %lt3A = arith.constant 0 : i32
    %lt3A_26 = vector.broadcast %lt3A : i32 to vector<512x1xi32>
    %lt3A_27 = arith.cmpi slt, %rem3A_23, %lt3A_26 : vector<512x1xi32>
    %lt3A_28 = arith.constant 0 : i32
    %lt3A_29 = arith.cmpi slt, %select_n3A, %lt3A_28 : i32
    %ne3A_30 = vector.broadcast %lt3A_29 : i1 to vector<512x1xi1>
    %ne3A_31 = vector.broadcast %ne3A_30 : vector<512x1xi1> to vector<512x1xi1>
    %ne3A_32 = arith.xori %lt3A_27, %ne3A_31 : vector<512x1xi1>
    %and3A = arith.andi %ne3A_32, %ne3A_25 : vector<512x1xi1>
    %add3A_33 = vector.broadcast %select_n3A : i32 to vector<512x1xi32>
    %add3A_34 = arith.addi %rem3A_23, %add3A_33 : vector<512x1xi32>
    %select_n3A_35 = arith.select %and3A, %add3A_34, %rem3A_23 : vector<512x1xi1>, vector<512x1xi32>
    %ne3A_36 = arith.constant 1023 : i32
    %ne3A_37 = vector.broadcast %ne3A_36 : i32 to vector<512x1xi32>
    %ne3A_38 = arith.cmpi ne, %select_n3A_35, %ne3A_37 : vector<512x1xi32>
    %convert_element_type3A_39 = arith.extui %ne3A_38 : vector<512x1xi1> to vector<512x1xi32>
    %convert_element_type3A_40 = arith.sitofp %convert_element_type3A_39 : vector<512x1xi32> to vector<512x1xf32>
    %broadcast_in_dim3A_41 = arith.constant 0.000000e+00 : f32
    %broadcast_in_dim3A_42 = vector.broadcast %broadcast_in_dim3A_41 : f32 to vector<1x1x1xf32>
    %sub3A_43 = arith.subf %add3A, %broadcast_in_dim3A_16 : vector<512x1xf32>
    %mul3A_44 = arith.mulf %convert_element_type3A_40, %sub3A_43 : vector<512x1xf32>
    %reduce_sum3A_45 = vector.shape_cast %mul3A_44 : vector<512x1xf32> to vector<1x512x1xf32>
    %reduce_sum3A_46 = arith.constant dense<0.000000e+00> : vector<1xf32>
    %reduce_sum3A_47 = vector.multi_reduction <add>, %reduce_sum3A_45, %reduce_sum3A_46 [1, 2] : vector<1x512x1xf32> to vector<1xf32>
    %reduce_sum3A_48 = vector.shape_cast %reduce_sum3A_47 : vector<1xf32> to vector<1x1x1xf32>
    %reduce_sum3A_49 = vector.extract %reduce_sum3A_48[0, 0, 0] : f32 from vector<1x1x1xf32>
    %add3A_50 = vector.broadcast %reduce_sum3A_49 : f32 to vector<1x1x1xf32>
    %add3A_51 = arith.addf %broadcast_in_dim3A_42, %add3A_50 : vector<1x1x1xf32>
    %swap3A = arith.constant 0 : index
    %swap3A_52 = arith.constant 0 : index
    %swap3A_53 = arith.constant 0 : index
    %swap3A_54 = vector.load %arg4[%swap3A, %swap3A_52, %swap3A_53] : memref<1x1x1xf32, #tpu.memory_space<vmem>>, vector<1x1x1xf32>
    tpu.vector_store %arg4[%swap3A, %swap3A_52, %swap3A_53], %add3A_51 {strides = array<i32>} : memref<1x1x1xf32, #tpu.memory_space<vmem>>, vector<1x1x1xf32>,
    return
  }
  func.func @transform_0(%arg0: i32) -> (i32, i32) {
    %c0_i32 = arith.constant 0 : i32
    %c0_i32_0 = arith.constant 0 : i32
    return %arg0, %c0_i32 : i32, i32
  }
  func.func @transform_1(%arg0: i32) -> (i32, i32) {
    %c0_i32 = arith.constant 0 : i32
    %c0_i32_0 = arith.constant 0 : i32
    return %arg0, %c0_i32 : i32, i32
  }
  func.func @transform_2(%arg0: i32) -> (i32, i32) {
    %c0_i32 = arith.constant 0 : i32
    %c0_i32_0 = arith.constant 0 : i32
    %c0_i32_1 = arith.constant 0 : i32
    return %c0_i32, %c0_i32_0 : i32, i32
  }
  func.func @transform_3(%arg0: i32) -> (i32, i32, i32) {
    %c0_i32 = arith.constant 0 : i32
    %c0_i32_0 = arith.constant 0 : i32
    %c0_i32_1 = arith.constant 0 : i32
    return %arg0, %c0_i32, %c0_i32_0 : i32, i32, i32
  }
}

</mosaic_0001>

<sc_bundles>
// kernel: gather_offload_async_start.1
scs
__scs_entry_jumppad:
0x0: {  	(pc) =	sbr.rel $0x88, $3  }
0x1: {  	(tag) =	ssettag $0x0;
	lr =	simm.s32 $0x1  }
0x2: {  	[smem:$0x3F95] =	sst lr;
	_ =	strace $0xD0000000  }
0x3: {  	_ = 	snop  }
0x4: {  	_ = 	snop  }
0x5: {  	_ = 	snop  }
0x6: {  	_ = 	snop  }
0x7: {  	_ = 	snop  }
__scs_overlays_trampoline_lowered:
0x8: {  	[smem:$0x3FA4] =	sst s0  }
0x9: {  	[smem:$0x3FA5] =	sst s1  }
0xa: {  	[smem:$0x3FA6] =	sst s2  }
0xb: {  	[smem:$0x3FA7] =	sst s3  }
0xc: {  	[smem:$0x3FA8] =	sst s4  }
0xd: {  	[smem:$0x3FA9] =	sst s5  }
0xe: {  	[smem:$0x3FAA] =	sst s6  }
0xf: {  	[smem:$0x3FAB] =	sst s7  }
0x10: {  	[smem:$0x3FAC] =	sst s8  }
0x11: {  	[smem:$0x3FAD] =	sst s9;
	s0 =	simm.s32 @!p0 $0x0  }
0x12: {  	s1 =	sld [smem:$0x3F93];
	s0 =	simm.s32 @p0 $0x1  }
0x13: {  	[smem:$0x3FAE] =	sst s0;
	s0 =	simm.s32 @!p1 $0x0  }
0x14: {  	s2 =	sld [smem:$0x3F92];
	s0 =	simm.s32 @p1 $0x1  }
0x15: {  	[smem:$0x3FAF] =	sst s0;
	s0 =	simm.s32 @!p2 $0x0  }
0x16: {  	s3 =	sld [smem:$0x3FDB];
	s0 =	simm.s32 @p2 $0x1  }
0x17: {  	s4 =	simm.s32 $0x1BF5;
	[smem:$0x3FB1] =	sst s0  }
0x18: {  	s0 =	sld [smem:$0x3F94];
	_ =	swait.ge [sflag:s4], $0x0  }
0x19: {  	s7 =	sld [smem:$0x3F95]  }
0x1a: {  	s8 =	sadd.s32 $0xFFFFE003, lr  }
0x1b: {  	s9 =	sadd.s32 $0xFFFFFEF7, lr;
	s5 =	simm.s32 $0xFFFFFFFF;
	p2 =	slt.u32 s8, $0xFFFFF086  }
0x1c: {  	p1 =	slt.u32 s9, $0xF7A;
	s5 =	simm.s32 @!p2 $0x0  }
0x1d: {  	s5 =	simm.s32 @p1 $0x1;
	p0 =	seq.s32 s7, s2  }
0x1e: {  	s7 =	smul.u32 @!p0 $0xF7A, s2;
	p2 =	seq.s32 @!p0 s5, $0x0  }
0x1f: {  	s9 =	smul.u32 $0xF7A, s1;
	s8 =	simm.s32 @!p0 $0x1BF5;
	p2 =	por !p2, p0  }
0x20: {  	[sflag:s8] =	ssyncset.s32 @!p0 $0xFFFFF086;
	s6 =	sadd.s32 @!p0 s3, s7;
	s7 =	simm.s32 @!p0 $0x108  }
0x21: {  	s3 =	sadd.s32 s3, s9;
	s6 =	sadd.s32 @!p0 $0x88, s6;
	s7 =	simm.s32 @p2 $0x1082  }
0x22: {  	[simem:s7], [sflag:s8] =	dma.local @!p0 [hbm:s6], $0xF7A  }
0x23: {  	s9 =	sor.u32 $0xD0000000, s2;
	s6 =	simm.s32 $0x108;
	_ =	swait.ge @!p0 [sflag:s8], $0x0  }
0x24: {  	s3 =	sadd.s32 $0x88, s3;
	s6 =	simm.s32 @!p1 $0x1082;
	[sflag:s4] =	ssyncset.s32 $0xFFFFF086  }
0x25: {  	[simem:s6], [sflag:s4] =	dma.local [hbm:s3], $0xF7A  }
0x26: {  	[smem:$0x3F95] =	sst s1;
	(tag) =	ssettag s2;
	_ =	strace s9  }
0x27: {  	s1 =	sld [smem:$0x3FA5]  }
0x28: {  	s2 =	sld [smem:$0x3FA6]  }
0x29: {  	s4 =	sld [smem:$0x3FA8]  }
0x2a: {  	p0 =	seq.s32 s5, $0x0;
	s5 =	sld [smem:$0x3FA9]  }
0x2b: {  	s6 =	sld [smem:$0x3FAA]  }
0x2c: {  	s7 =	sld [smem:$0x3FAB]  }
0x2d: {  	s3 =	simm.s32 $0x108;
	s8 =	sld [smem:$0x3FAC]  }
0x2e: {  	s3 =	simm.s32 @!p0 $0x1082;
	s9 =	sld [smem:$0x3FAD]  }
0x2f: {  	lr =	sadd.s32 s0, s3;
	s0 =	sld [smem:$0x3FA4]  }
0x30: {  	s3 =	sld [smem:$0x3FA7]  }
0x31: {  	[smem:$0x3FB0] =	sst s10  }
0x32: {  	s10 =	sld [smem:$0x3FAE];
	_ =	sdelay $0x3  }
0x33: {  	p0 =	seq.s32 s10, $0x1;
	s10 =	sld [smem:$0x3FB0];
	_ =	sdelay $0x3  }
0x34: {  	[smem:$0x3FB0] =	sst s10  }
0x35: {  	s10 =	sld [smem:$0x3FAF];
	_ =	sdelay $0x3  }
0x36: {  	p1 =	seq.s32 s10, $0x1;
	s10 =	sld [smem:$0x3FB0];
	_ =	sdelay $0x3  }
0x37: {  	[smem:$0x3FB0] =	sst s10  }
0x38: {  	s10 =	sld [smem:$0x3FB1]  }
0x39: {  	_ = 	snop;
	(pc) =	sbr.ind lr, $3  }
0x3a: {  	_ = 	snop  }
0x3b: {  	_ = 	snop  }
0x3c: {  	p2 =	seq.s32 s10, $0x1;
	s10 =	sld [smem:$0x3FB0]  }
0x3d: {  	_ =	shalt  }
0x3e: {  	_ =	shalt  }
0x3f: {  	_ =	shalt  }
0x40: {  	_ =	shalt  }
0x41: {  	_ =	shalt  }
0x42: {  	_ =	shalt  }
0x43: {  	_ =	shalt  }
0x44: {  	_ =	shalt  }
0x45: {  	_ =	shalt  }
0x46: {  	_ =	shalt  }
0x47: {  	_ =	shalt  }
0x48: {  	_ =	shalt  }
0x49: {  	_ =	shalt  }
0x4a: {  	_ =	shalt  }
0x4b: {  	_ =	shalt  }
0x4c: {  	_ =	shalt  }
0x4d: {  	_ =	shalt  }
0x4e: {  	_ =	shalt  }
0x4f: {  	_ =	shalt  }
0x50: {  	_ =	shalt  }
0x51: {  	_ =	shalt  }
0x52: {  	_ =	shalt  }
0x53: {  	_ =	shalt  }
0x54: {  	_ =	shalt  }
0x55: {  	_ =	shalt  }
0x56: {  	_ =	shalt  }
0x57: {  	_ =	shalt  }
0x58: {  	_ =	shalt  }
0x59: {  	_ =	shalt  }
0x5a: {  	_ =	shalt  }
0x5b: {  	_ =	shalt  }
0x5c: {  	_ =	shalt  }
0x5d: {  	_ =	shalt  }
0x5e: {  	_ =	shalt  }
0x5f: {  	_ =	shalt  }
0x60: {  	_ =	shalt  }
0x61: {  	_ =	shalt  }
0x62: {  	_ =	shalt  }
0x63: {  	_ =	shalt  }
0x64: {  	_ =	shalt  }
0x65: {  	_ =	shalt  }
0x66: {  	_ =	shalt  }
0x67: {  	_ =	shalt  }
0x68: {  	_ =	shalt  }
0x69: {  	_ =	shalt  }
0x6a: {  	_ =	shalt  }
0x6b: {  	_ =	shalt  }
0x6c: {  	_ =	shalt  }
0x6d: {  	_ =	shalt  }
0x6e: {  	_ =	shalt  }
0x6f: {  	_ =	shalt  }
0x70: {  	_ =	shalt  }
0x71: {  	_ =	shalt  }
0x72: {  	_ =	shalt  }
0x73: {  	_ =	shalt  }
0x74: {  	_ =	shalt  }
0x75: {  	_ =	shalt  }
0x76: {  	_ =	shalt  }
0x77: {  	_ =	shalt  }
0x78: {  	_ =	shalt  }
0x79: {  	_ =	shalt  }
0x7a: {  	_ =	shalt  }
0x7b: {  	_ =	shalt  }
0x7c: {  	_ =	shalt  }
0x7d: {  	_ =	shalt  }
0x7e: {  	_ =	shalt  }
0x7f: {  	_ =	shalt  }
0x80: {  	_ =	shalt  }
0x81: {  	_ =	shalt  }
0x82: {  	_ =	shalt  }
0x83: {  	_ =	shalt  }
0x84: {  	_ =	shalt  }
0x85: {  	_ =	shalt  }
0x86: {  	_ =	shalt  }
0x87: {  	_ =	shalt  }
.Lfunc_end0:
.L_simem_size_0:
called_computation.2_lowered:
.L_overlay_start_0:
0x88: {  	s2 =	sld [smem:$0x3FD9]  }
0x89: {  	s3 =	sld [smem:$0x3FFE];
	_ =	sdelay $0x1  }
0x8a: {  	s1 =	srdreg.scid  }
0x8b: {  	s0 =	sand.u32 $0x1, s1  }
0x8c: {  	s16 =	sshll.u32 s0, $0xA;
	s2 =	sadd.s32 s3, s2  }
0x8d: {  	s2 =	sadd.s32 s2, s16  }
0x8e: {  	[smem:$0x3FBC] =	sst s2  }
0x8f: {  	_ = 	snop  }
0x90: {  	(tm) =	ssettm $0x1  }
0x91: {  	s17 =	sld [smem:$0x3FFB];
	_ =	sdelay $0x3  }
0x92: {  	_ =	strace s17  }
0x93: {  	s2 =	sld [smem:$0x3FFC];
	_ =	sdelay $0x3  }
0x94: {  	_ =	strace s2  }
0x95: {  	s2 =	sld [smem:$0x3FFD];
	_ =	sdelay $0x3  }
0x96: {  	_ =	strace s2  }
0x97: {  	_ =	strace $0x8FFFFFFF  }
0x98: {  	s18 =	sld [smem:$0x3FDB];
	_ =	sdelay $0x1  }
0x99: {  	s19 =	simm.s32 $_scs_section_size  }
0x9a: {  	s4 =	simm.s32 $_size__tile_overlayer_lowered;
	s5 =	simm.s32 $_tile_overlayer_lowered  }
0x9b: {  	s22 =	simm.s32 $0x1BFF;
	s21 =	sshll.u32 s5, $0x1;
	s2 =	sadd.s32 s19, s18  }
0x9c: {  	s6 =	simm.s32 $0x0;
	s20 =	sshll.u32 s4, $0x1;
	s4 =	sadd.s32 s21, s2  }
0x9d: {  	[timem:s6], [sflag:s22] =	dma.local [hbm:s4], s20  }
0x9e: {  	_ =	swait.ge [sflag:s22], s20  }
0x9f: {  	s3 =	ssub.s32 $0x0, s20;
	[sflag:s22] =	ssyncset.done $0x0  }
0xa0: {  	[sflag:s22] =	ssyncadd.s32 s3;
	_ =	sdelay $0x1  }
0xa1: {  	s23 =	simm.s32 $0x1B8B  }
0xa2: {  	_ =	swait.ge [sflag:s23], $0x1  }
0xa3: {  	[sflag:s23] =	ssyncset.done $0x0  }
0xa4: {  	s25 =	simm.s32 $0x1B8E;
	s24 =	sld [smem:$0x3FFE];
	[sflag:s23] =	ssyncadd.s32 $0xFFFFFFFF  }
0xa5: {  	s26 =	simm.s32 $execute0_lowered;
	[smem:$0x3FD2] =	sst s25  }
0xa6: {  	s4 =	sshll.u32 s26, $0x1;
	_ =	strace $0x8000004C;
	[dreg:$0x1] =	wrdreg $0xFFFFFFFF  }
0xa7: {  	s28 =	simm.s32 $_size_execute0_lowered;
	s2 =	sadd.s32 s2, s4;
	[dreg:$0x0] =	wrdreg $0x0  }
0xa8: {  	s4 =	sshll.u32 s28, $0x1;
	[dreg:$0x2] =	wrdreg s2  }
0xa9: {  	[dreg:$0x3] =	wrdreg s4  }
0xaa: {  	[dreg:$0x4] =	wrdreg $0xC0  }
0xab: {  	_ =	task [dreg:s6], $0x5FFFF  }
0xac: {  	[dreg:$0x1] =	wrdreg $0xFFFFFFFF  }
0xad: {  	[dreg:$0x0] =	wrdreg $0x60  }
0xae: {  	[dreg:$0x2] =	wrdreg s24  }
0xaf: {  	[dreg:$0x3] =	wrdreg $0x9  }
0xb0: {  	_ =	task.clear_ibuf [dreg:s6], $0x4FFFF;
	_ =	strace $0x9000004C  }
0xb1: {  	s29 =	simm.s32 $0x9;
	_ =	strace $0x8000004E  }
0xb2: {  	_ =	swait.ge [sflag:s29], $0x1  }
0xb3: {  	[sflag:s29] =	ssyncadd.s32 $0xFFFFFFFF  }
0xb4: {  	_ =	strace $0x9000004E  }
0xb5: {  	_ =	sfence  }
0xb6: {  	s30 =	sld [smem:$0x0];
	_ =	sdelay $0x2  }
0xb7: {  	s31 =	sshll.u32 s1, $0xD;
	s1 =	sshrl.u32 s1, $0x2  }
0xb8: {  	s3 =	sand.u32 $0x4000, s31;
	s1 =	sadd.s32 s1, s30  }
0xb9: {  	s0 =	sor.u32 s3, s0;
	s1 =	sshll.u32 s1, $0x11  }
0xba: {  	s0 =	sor.u32 s1, s0  }
0xbb: {  	s0 =	sadd.s32 $0x8F2B, s0  }
0xbc: {  	[sflag:s0] =	ssyncadd.remote.s32 $0x1  }
0xbd: {  	_ =	sfence.sel $0xFFFF  }
0xbe: {  	[dreg:$0x0] =	wrdreg $0xFFFFFFFF;
	(pc) =	sbr.abs _section_cstart, $3  }
0xbf: {  	[dreg:$0x1] =	wrdreg $0xFFFFFFFF  }
0xc0: {  	_ =	task.clear_ibuf [dreg:s6], $0x2FFFF;
	_ =	strace $0x9FFFFFFF  }
0xc1: {  	(tm) =	ssettm $0x7FFFFFFF  }
tec
execute0_lowered:
.L_overlay_start_1:
0x0: {  	(tag) =	ssettag $0x1  }
0x1: {  	s2 =	rddreg [dreg:$0x0]  }
0x2: {  	s0 =	rddreg [dreg:$0x1]  }
0x3: {  	s1 =	srdreg.scid;
	_ =	strace $0x8000004D;
	s4 =	simm.s32 $0x1  }
0x4: {  	s9 =	simm.s32 $0x3;
	s12 =	simm.s32 $0x0;
	s5 =	sshll.u32 s1, $0x4  }
.Ltmp0:
0x5: {  	s1 =	stileid.u32;
	s5 =	sand.u32 $0x10, s5;
	(pc) =	sbr.rel .LBB2_1-.Ltmp0, $4  }
0x6: {  	s10 =	simm.s32 $0x0;
	s3 =	sadd.s32 $0x20000, s2;
	s6 =	sor.u32 s1, s5  }
0x7: {  	[sflag:s4] =	ssyncpa.u1 $0x0;
	s5 =	simm.s32 $0x2;
	s6 =	sshll.u32 s6, $0x7  }
0x8: {  	s7 =	sadd.s32 $0x20200, s2;
	[sflag:s5] =	ssyncpa.u1 $0x0;
	s8 =	sadd.s32 $0x80, s6  }
0x9: {  	vm0 =	vmmov $0xff;
	vm1 =	vcmask $0x3F20;
	[sflag:s9] =	ssyncpa.u1 $0x0;
	s9 =	simm.s32 $0x80;
	s11 =	smov.u32 s6  }
.LBB2_9:
0xa: {  	p0 =	seq.s32 s10, $0x2  }
.Ltmp1:
0xb: {  	_ = 	snop;
	(pc) =	sbr.rel @p0 .LBB2_11-.Ltmp1, $1  }
0xc: {  	_ =	sdelay $0x3  }
.LBB2_10:
0xd: {  	s12 =	sadd.s32 $0x80, s11  }
0xe: {  	s13 =	smov.u32 s6;
	p0 =	slt.s32 s12, s8  }
0xf: {  	s13 =	smov.u32 @p0 s12  }
0x10: {  	s10 =	sadd.s32 $0x1, s10;
	s12 =	smov.u32 s11;
	s11 =	smov.u32 s13  }
.LBB2_1:
0x11: {  	p0 =	sne.s32 s10, $0x0  }
.Ltmp2:
0x12: {  	_ = 	snop;
	(pc) =	sbr.rel @!p0 .LBB2_2-.Ltmp2, $1  }
0x13: {  	_ =	sdelay $0x3  }
0x14: {  	s13 =	sand.u32 $0x1, s10  }
0x15: {  	p0 =	seq.s32 s13, $0x0  }
.Ltmp3:
0x16: {  	_ = 	snop;
	(pc) =	sbr.rel @p0 .LBB2_9-.Ltmp3, $1  }
0x17: {  	_ =	sdelay $0x3  }
0x18: {  	_ =	swait.ge [sflag:s5], $0x80  }
0x19: {  	[sflag:s5] =	ssyncset.done $0x0  }
0x1a: {  	s13 =	simm.s32 $0x0;
	[sflag:s5] =	ssyncadd.s32 $0xFFFFFF80  }
0x1b: {  	v0 =	vld.msk [tilespmem:s13+$0x80 ss:$0x1], $0xffff;
	_ =	sdelay $0x4  }
0x1c: {  	vm2 =	vgt.s32 v0, $0x0  }
0x1d: {  	v0 =	vnsel vm2, $0x0, v0  }
0x1e: {  	v0 =	vmin.u32 v0, $0x1FFF  }
0x1f: {  	v0 =	vshll.u32 v0, $0x4;
	_ =	sdelay $0x3  }
0x20: {  	s13 =	simm.s32 $0x4100  }
0x21: {  	[tilespmem:s13], [sflag:$0x1] =	stream.indirect_vreg.gather [hbm:s2], $0x80, v0, vm0, $0x38;
	[tilespmem:$0x8100] =	vst v63  }
0x22: {  	s14 =	simm.s32 $0x4500;
	s31 =	simm.s32 $0x10  }
0x23: {  	[tilespmem:s14], [sflag:$0x1] =	stream.indirect_vreg.gather [hbm:s2], $0x80, v0, vm1, $0x38;
	[tilespmem:$0x8100] =	vst v63  }
0x24: {  	s14 =	simm.s32 $0x80;
	v0 =	vld.msk [tilespmem:s31+$0x80 ss:$0x1], $0xffff  }
.LBB2_5:
0x25: {  	p0 =	sne.s32 s14, $0x1C0;
	_ =	sdelay $0x4  }
0x26: {  	vm2 =	vgt.s32 v0, $0x0  }
0x27: {  	v0 =	vnsel vm2, $0x0, v0  }
0x28: {  	v0 =	vmin.u32 v0, $0x1FFF  }
0x29: {  	v0 =	vshll.u32 v0, $0x4;
	_ =	sdelay $0x3  }
.Ltmp4:
0x2a: {  	s13 =	sadd.s32 $0x800, s13;
	(pc) =	sbr.rel @p0 .LBB2_5-.Ltmp4, $4  }
0x2b: {  	[tilespmem:s13], [sflag:$0x1] =	stream.indirect_vreg.gather [hbm:s2], $0x80, v0, vm0, $0x38;
	[tilespmem:$0x8100] =	vst v63  }
0x2c: {  	s15 =	sshra.s32 s14, $0x2;
	s16 =	sadd.s32 $0x400, s13  }
0x2d: {  	[tilespmem:s16], [sflag:$0x1] =	stream.indirect_vreg.gather [hbm:s2], $0x80, v0, vm1, $0x38;
	[tilespmem:$0x8100] =	vst v63  }
0x2e: {  	s14 =	sadd.s32 $0x40, s14;
	v0 =	vld.msk [tilespmem:s15+$0x80 ss:$0x1], $0xffff  }
0x2f: {  	_ =	sdelay $0x3  }
0x30: {  	vm2 =	vgt.s32 v0, $0x0  }
0x31: {  	v0 =	vnsel vm2, $0x0, v0  }
0x32: {  	v0 =	vmin.u32 v0, $0x1FFF  }
0x33: {  	v0 =	vshll.u32 v0, $0x4;
	_ =	sdelay $0x3  }
0x34: {  	s13 =	sadd.s32 $0x800, s13  }
0x35: {  	[tilespmem:s13], [sflag:$0x1] =	stream.indirect_vreg.gather [hbm:s2], $0x80, v0, vm0, $0x38;
	[tilespmem:$0x8100] =	vst v63  }
0x36: {  	s13 =	sadd.s32 $0x400, s13  }
0x37: {  	[tilespmem:s13], [sflag:$0x1] =	stream.indirect_vreg.gather [hbm:s2], $0x80, v0, vm1, $0x38;
	[tilespmem:$0x8100] =	vst v63  }
0x38: {  	s12 =	sshll.u32 s12, $0x4;
	s14 =	simm.s32 $0x80;
	_ =	swait.ge [sflag:s4], $0x4000  }
0x39: {  	s15 =	simm.s32 $0x4500;
	s12 =	sadd.s32 s12, s7;
	[sflag:s4] =	ssyncset.done $0x0  }
0x3a: {  	s16 =	sadd.s32 $0x0, s12;
	s13 =	simm.s32 $0x4100;
	[sflag:s4] =	ssyncadd.s32 $0xFFFFC000  }
.LBB2_7:
0x3b: {  	[hbm:s16] =	stream.linear.scatter [tilespmem:s13], [sflag:$0x3], $0x400, $0x38;
	[tilespmem:$0x8100] =	vst v63  }
0x3c: {  	s16 =	smov.u32 s14;
	s13 =	smov.u32 s15;
	p0 =	sne.s32 s14, $0x780  }
.Ltmp5:
0x3d: {  	s14 =	sadd.s32 $0x80, s14;
	(pc) =	sbr.rel @p0 .LBB2_7-.Ltmp5, $2  }
0x3e: {  	_ =	sdelay $0x2  }
0x3f: {  	s15 =	sadd.s32 $0x400, s15;
	s16 =	sadd.s32 s16, s12  }
.Ltmp6:
0x40: {  	(pc) =	sbr.rel .LBB2_9-.Ltmp6, $2  }
0x41: {  	_ =	sdelay $0x2  }
0x42: {  	[hbm:s16] =	stream.linear.scatter [tilespmem:s13], [sflag:$0x3], $0x400, $0x38;
	[tilespmem:$0x8100] =	vst v63  }
.LBB2_2:
.Ltmp7:
0x43: {  	(pc) =	sbr.rel .LBB2_10-.Ltmp7, $4  }
0x44: {  	_ = 	snop  }
0x45: {  	s12 =	sshrl.u32 s11, $0x3  }
0x46: {  	s13 =	sand.u32 $0x7, s11;
	s12 =	sadd.s32 s3, s12  }
0x47: {  	[tilespmem:s9], [sflag:$0x2] =	stream.linear.gather [hbm4b:s12+s13], $0x80, $0x38;
	[tilespmem:$0x8100] =	vst v63  }
.LBB2_11:
0x48: {  	s2 =	simm.s32 $0x3  }
0x49: {  	_ =	swait.ge [sflag:s2], $0x4000  }
0x4a: {  	[sflag:s2] =	ssyncset.done $0x0  }
0x4b: {  	[sflag:s2] =	ssyncadd.s32 $0xFFFFC000  }
0x4c: {  	_ =	sfence.sel $0x180000  }
0x4d: {  	s3 =	simm.s32 $0x2;
	[bflag:$0x0] =	sbarrier.arrive $0xFFFF  }
0x4e: {  	[sflag:s3] =	ssyncpa.u1 $0x1  }
0x4f: {  	s31 =	simm.s32 $0x1;
	[sflag:s2] =	ssyncpa.u1 $0x1  }
0x50: {  	[sflag:s31] =	ssyncpa.u1 $0x1  }
0x51: {  	p0 =	sne.s32 s1, $0x0;
	_ =	strace $0x9000004D  }
0x52: {  	s0 =	sadd.s32 @!p0 $0x100000, s0;
	[bflag:$0x2] =	sbarrier.arrive $0xFFFF  }
0x53: {  	[sflag:s0] =	ssyncadd.tile.s32 @!p0 $0x1;
	_ =	shalt  }
.Lfunc_end2:
_tile_overlayer_lowered:
.L_overlay_start_2:
0x54: {  	(tag) =	ssettag $0x2  }
0x55: {  	s0 =	rddreg [dreg:$0x0];
	s2 =	stileid.u32  }
0x56: {  	s1 =	rddreg [dreg:$0x1];
	p0 =	sne.s32 s2, $0x0  }
0x57: {  	s3 =	rddreg [dreg:$0x2];
	[bflag:$0x3] =	sbarrier.arrive $0xFFFF;
	s2 =	simm.s32 @!p0 $0x1C01  }
0x58: {  	[timem:s3], [sflag:s2] =	dma.local @!p0 [hbm:s0], s1  }
0x59: {  	s0 =	simm.s32 @!p0 $0x1  }
0x5a: {  	_ =	swait.ge @!p0 [sflag:s0], s1  }
0x5b: {  	s1 =	ssub.s32 @!p0 $0x0, s1;
	[sflag:s0] =	ssyncset.done @!p0 $0x0  }
0x5c: {  	[sflag:s0] =	ssyncadd.s32 @!p0 s1  }
0x5d: {  	[bflag:$0x3] =	sbarrier.arrive $0xFFFF  }
0x5e: {  	_ =	shalt  }

// kernel: gather_offload_async_start
scs
__scs_entry_jumppad:
0x0: {  	(pc) =	sbr.rel $0x88, $3  }
0x1: {  	(tag) =	ssettag $0x0;
	lr =	simm.s32 $0x1  }
0x2: {  	[smem:$0x3F95] =	sst lr;
	_ =	strace $0xD0000000  }
0x3: {  	_ = 	snop  }
0x4: {  	_ = 	snop  }
0x5: {  	_ = 	snop  }
0x6: {  	_ = 	snop  }
0x7: {  	_ = 	snop  }
__scs_overlays_trampoline_lowered:
0x8: {  	[smem:$0x3FA4] =	sst s0  }
0x9: {  	[smem:$0x3FA5] =	sst s1  }
0xa: {  	[smem:$0x3FA6] =	sst s2  }
0xb: {  	[smem:$0x3FA7] =	sst s3  }
0xc: {  	[smem:$0x3FA8] =	sst s4  }
0xd: {  	[smem:$0x3FA9] =	sst s5  }
0xe: {  	[smem:$0x3FAA] =	sst s6  }
0xf: {  	[smem:$0x3FAB] =	sst s7  }
0x10: {  	[smem:$0x3FAC] =	sst s8  }
0x11: {  	[smem:$0x3FAD] =	sst s9;
	s0 =	simm.s32 @!p0 $0x0  }
0x12: {  	s1 =	sld [smem:$0x3F93];
	s0 =	simm.s32 @p0 $0x1  }
0x13: {  	[smem:$0x3FAE] =	sst s0;
	s0 =	simm.s32 @!p1 $0x0  }
0x14: {  	s2 =	sld [smem:$0x3F92];
	s0 =	simm.s32 @p1 $0x1  }
0x15: {  	[smem:$0x3FAF] =	sst s0;
	s0 =	simm.s32 @!p2 $0x0  }
0x16: {  	s3 =	sld [smem:$0x3FDB];
	s0 =	simm.s32 @p2 $0x1  }
0x17: {  	s4 =	simm.s32 $0x1BF5;
	[smem:$0x3FB1] =	sst s0  }
0x18: {  	s0 =	sld [smem:$0x3F94];
	_ =	swait.ge [sflag:s4], $0x0  }
0x19: {  	s7 =	sld [smem:$0x3F95]  }
0x1a: {  	s8 =	sadd.s32 $0xFFFFE003, lr  }
0x1b: {  	s9 =	sadd.s32 $0xFFFFFEF7, lr;
	s5 =	simm.s32 $0xFFFFFFFF;
	p2 =	slt.u32 s8, $0xFFFFF086  }
0x1c: {  	p1 =	slt.u32 s9, $0xF7A;
	s5 =	simm.s32 @!p2 $0x0  }
0x1d: {  	s5 =	simm.s32 @p1 $0x1;
	p0 =	seq.s32 s7, s2  }
0x1e: {  	s7 =	smul.u32 @!p0 $0xF7A, s2;
	p2 =	seq.s32 @!p0 s5, $0x0  }
0x1f: {  	s9 =	smul.u32 $0xF7A, s1;
	s8 =	simm.s32 @!p0 $0x1BF5;
	p2 =	por !p2, p0  }
0x20: {  	[sflag:s8] =	ssyncset.s32 @!p0 $0xFFFFF086;
	s6 =	sadd.s32 @!p0 s3, s7;
	s7 =	simm.s32 @!p0 $0x108  }
0x21: {  	s3 =	sadd.s32 s3, s9;
	s6 =	sadd.s32 @!p0 $0x88, s6;
	s7 =	simm.s32 @p2 $0x1082  }
0x22: {  	[simem:s7], [sflag:s8] =	dma.local @!p0 [hbm:s6], $0xF7A  }
0x23: {  	s9 =	sor.u32 $0xD0000000, s2;
	s6 =	simm.s32 $0x108;
	_ =	swait.ge @!p0 [sflag:s8], $0x0  }
0x24: {  	s3 =	sadd.s32 $0x88, s3;
	s6 =	simm.s32 @!p1 $0x1082;
	[sflag:s4] =	ssyncset.s32 $0xFFFFF086  }
0x25: {  	[simem:s6], [sflag:s4] =	dma.local [hbm:s3], $0xF7A  }
0x26: {  	[smem:$0x3F95] =	sst s1;
	(tag) =	ssettag s2;
	_ =	strace s9  }
0x27: {  	s1 =	sld [smem:$0x3FA5]  }
0x28: {  	s2 =	sld [smem:$0x3FA6]  }
0x29: {  	s4 =	sld [smem:$0x3FA8]  }
0x2a: {  	p0 =	seq.s32 s5, $0x0;
	s5 =	sld [smem:$0x3FA9]  }
0x2b: {  	s6 =	sld [smem:$0x3FAA]  }
0x2c: {  	s7 =	sld [smem:$0x3FAB]  }
0x2d: {  	s3 =	simm.s32 $0x108;
	s8 =	sld [smem:$0x3FAC]  }
0x2e: {  	s3 =	simm.s32 @!p0 $0x1082;
	s9 =	sld [smem:$0x3FAD]  }
0x2f: {  	lr =	sadd.s32 s0, s3;
	s0 =	sld [smem:$0x3FA4]  }
0x30: {  	s3 =	sld [smem:$0x3FA7]  }
0x31: {  	[smem:$0x3FB0] =	sst s10  }
0x32: {  	s10 =	sld [smem:$0x3FAE];
	_ =	sdelay $0x3  }
0x33: {  	p0 =	seq.s32 s10, $0x1;
	s10 =	sld [smem:$0x3FB0];
	_ =	sdelay $0x3  }
0x34: {  	[smem:$0x3FB0] =	sst s10  }
0x35: {  	s10 =	sld [smem:$0x3FAF];
	_ =	sdelay $0x3  }
0x36: {  	p1 =	seq.s32 s10, $0x1;
	s10 =	sld [smem:$0x3FB0];
	_ =	sdelay $0x3  }
0x37: {  	[smem:$0x3FB0] =	sst s10  }
0x38: {  	s10 =	sld [smem:$0x3FB1]  }
0x39: {  	_ = 	snop;
	(pc) =	sbr.ind lr, $3  }
0x3a: {  	_ = 	snop  }
0x3b: {  	_ = 	snop  }
0x3c: {  	p2 =	seq.s32 s10, $0x1;
	s10 =	sld [smem:$0x3FB0]  }
0x3d: {  	_ =	shalt  }
0x3e: {  	_ =	shalt  }
0x3f: {  	_ =	shalt  }
0x40: {  	_ =	shalt  }
0x41: {  	_ =	shalt  }
0x42: {  	_ =	shalt  }
0x43: {  	_ =	shalt  }
0x44: {  	_ =	shalt  }
0x45: {  	_ =	shalt  }
0x46: {  	_ =	shalt  }
0x47: {  	_ =	shalt  }
0x48: {  	_ =	shalt  }
0x49: {  	_ =	shalt  }
0x4a: {  	_ =	shalt  }
0x4b: {  	_ =	shalt  }
0x4c: {  	_ =	shalt  }
0x4d: {  	_ =	shalt  }
0x4e: {  	_ =	shalt  }
0x4f: {  	_ =	shalt  }
0x50: {  	_ =	shalt  }
0x51: {  	_ =	shalt  }
0x52: {  	_ =	shalt  }
0x53: {  	_ =	shalt  }
0x54: {  	_ =	shalt  }
0x55: {  	_ =	shalt  }
0x56: {  	_ =	shalt  }
0x57: {  	_ =	shalt  }
0x58: {  	_ =	shalt  }
0x59: {  	_ =	shalt  }
0x5a: {  	_ =	shalt  }
0x5b: {  	_ =	shalt  }
0x5c: {  	_ =	shalt  }
0x5d: {  	_ =	shalt  }
0x5e: {  	_ =	shalt  }
0x5f: {  	_ =	shalt  }
0x60: {  	_ =	shalt  }
0x61: {  	_ =	shalt  }
0x62: {  	_ =	shalt  }
0x63: {  	_ =	shalt  }
0x64: {  	_ =	shalt  }
0x65: {  	_ =	shalt  }
0x66: {  	_ =	shalt  }
0x67: {  	_ =	shalt  }
0x68: {  	_ =	shalt  }
0x69: {  	_ =	shalt  }
0x6a: {  	_ =	shalt  }
0x6b: {  	_ =	shalt  }
0x6c: {  	_ =	shalt  }
0x6d: {  	_ =	shalt  }
0x6e: {  	_ =	shalt  }
0x6f: {  	_ =	shalt  }
0x70: {  	_ =	shalt  }
0x71: {  	_ =	shalt  }
0x72: {  	_ =	shalt  }
0x73: {  	_ =	shalt  }
0x74: {  	_ =	shalt  }
0x75: {  	_ =	shalt  }
0x76: {  	_ =	shalt  }
0x77: {  	_ =	shalt  }
0x78: {  	_ =	shalt  }
0x79: {  	_ =	shalt  }
0x7a: {  	_ =	shalt  }
0x7b: {  	_ =	shalt  }
0x7c: {  	_ =	shalt  }
0x7d: {  	_ =	shalt  }
0x7e: {  	_ =	shalt  }
0x7f: {  	_ =	shalt  }
0x80: {  	_ =	shalt  }
0x81: {  	_ =	shalt  }
0x82: {  	_ =	shalt  }
0x83: {  	_ =	shalt  }
0x84: {  	_ =	shalt  }
0x85: {  	_ =	shalt  }
0x86: {  	_ =	shalt  }
0x87: {  	_ =	shalt  }
.Lfunc_end0:
.L_simem_size_0:
called_computation.1_lowered:
.L_overlay_start_0:
0x88: {  	s2 =	sld [smem:$0x3FD9]  }
0x89: {  	s3 =	sld [smem:$0x3FFE];
	_ =	sdelay $0x1  }
0x8a: {  	s1 =	srdreg.scid  }
0x8b: {  	s0 =	sand.u32 $0x1, s1  }
0x8c: {  	s14 =	sshll.u32 s0, $0xA;
	s2 =	sadd.s32 s3, s2  }
0x8d: {  	s2 =	sadd.s32 s2, s14  }
0x8e: {  	[smem:$0x3FBC] =	sst s2  }
0x8f: {  	_ = 	snop  }
0x90: {  	s2 =	sld [smem:$0x3FD0];
	_ =	sdelay $0x2  }
0x91: {  	s15 =	simm.s32 $0xA;
	s4 =	simm.s32 $0x10  }
0x92: {  	[smem:s4], [sflag:s15] =	dma.local [hbm:s2], $0x1  }
0x93: {  	_ =	swait.eq [sflag:s15], $0x1  }
0x94: {  	[sflag:s15] =	ssyncset.done $0x0  }
0x95: {  	[sflag:s15] =	ssyncadd.s32 $0xFFFFFFFF  }
0x96: {  	s16 =	sld [smem:$0x10];
	(tm) =	ssettm $0x1  }
0x97: {  	s17 =	sld [smem:$0x3FFB];
	_ =	sdelay $0x3  }
0x98: {  	_ =	strace s17  }
0x99: {  	s3 =	sld [smem:$0x3FFC];
	_ =	sdelay $0x3  }
0x9a: {  	_ =	strace s3  }
0x9b: {  	s3 =	sld [smem:$0x3FFD];
	_ =	sdelay $0x3  }
0x9c: {  	_ =	strace s3  }
0x9d: {  	_ =	strace $0x8FFFFFFF  }
0x9e: {  	s18 =	sld [smem:$0x3FDB];
	_ =	sdelay $0x1  }
0x9f: {  	s19 =	simm.s32 $_scs_section_size  }
0xa0: {  	s5 =	simm.s32 $_size__tile_overlayer_lowered;
	s6 =	simm.s32 $_tile_overlayer_lowered  }
0xa1: {  	s22 =	simm.s32 $0x1BFF;
	s21 =	sshll.u32 s6, $0x1;
	s3 =	sadd.s32 s19, s18  }
0xa2: {  	s7 =	simm.s32 $0x0;
	s20 =	sshll.u32 s5, $0x1;
	s5 =	sadd.s32 s21, s3  }
0xa3: {  	[timem:s7], [sflag:s22] =	dma.local [hbm:s5], s20  }
0xa4: {  	_ =	swait.ge [sflag:s22], s20  }
0xa5: {  	s4 =	ssub.s32 $0x0, s20;
	[sflag:s22] =	ssyncset.done $0x0  }
0xa6: {  	[sflag:s22] =	ssyncadd.s32 s4;
	_ =	sdelay $0x1  }
0xa7: {  	s23 =	simm.s32 $0x1B8B  }
0xa8: {  	_ =	swait.ge [sflag:s23], $0x1  }
0xa9: {  	[sflag:s23] =	ssyncset.done $0x0  }
0xaa: {  	s25 =	simm.s32 $0x1B8E;
	s24 =	sld [smem:$0x3FFE];
	[sflag:s23] =	ssyncadd.s32 $0xFFFFFFFF  }
0xab: {  	s26 =	simm.s32 $execute0_lowered;
	[smem:$0x3FD2] =	sst s25  }
0xac: {  	s5 =	sshll.u32 s26, $0x1;
	_ =	strace $0x80000046;
	[dreg:$0x1] =	wrdreg $0xFFFFFFFF  }
0xad: {  	s28 =	simm.s32 $_size_execute0_lowered;
	s3 =	sadd.s32 s3, s5;
	[dreg:$0x0] =	wrdreg $0x0  }
0xae: {  	s5 =	sshll.u32 s28, $0x1;
	[dreg:$0x2] =	wrdreg s3  }
0xaf: {  	[dreg:$0x3] =	wrdreg s5  }
0xb0: {  	[dreg:$0x4] =	wrdreg $0xC0  }
0xb1: {  	_ =	task [dreg:s7], $0x5FFFF  }
0xb2: {  	[dreg:$0x1] =	wrdreg $0xFFFFFFFF  }
0xb3: {  	[dreg:$0x0] =	wrdreg $0x60  }
0xb4: {  	[dreg:$0x2] =	wrdreg s16  }
0xb5: {  	[dreg:$0x3] =	wrdreg s24  }
0xb6: {  	[dreg:$0x4] =	wrdreg $0x9  }
0xb7: {  	_ =	task.clear_ibuf [dreg:s7], $0x5FFFF;
	_ =	strace $0x90000046  }
0xb8: {  	s29 =	simm.s32 $0x9;
	_ =	strace $0x80000048  }
0xb9: {  	_ =	swait.ge [sflag:s29], $0x1  }
0xba: {  	[sflag:s29] =	ssyncadd.s32 $0xFFFFFFFF  }
0xbb: {  	_ =	strace $0x90000048  }
0xbc: {  	_ =	sfence  }
0xbd: {  	s30 =	sld [smem:$0x0];
	_ =	sdelay $0x2  }
0xbe: {  	s31 =	sshll.u32 s1, $0xD;
	s1 =	sshrl.u32 s1, $0x2  }
0xbf: {  	s3 =	sand.u32 $0x4000, s31;
	s1 =	sadd.s32 s1, s30  }
0xc0: {  	s0 =	sor.u32 s3, s0;
	s1 =	sshll.u32 s1, $0x11  }
0xc1: {  	s0 =	sor.u32 s1, s0  }
0xc2: {  	s0 =	sadd.s32 $0x8F2B, s0  }
0xc3: {  	[sflag:s0] =	ssyncadd.remote.s32 $0x1  }
0xc4: {  	_ =	sfence.sel $0xFFFF  }
0xc5: {  	[dreg:$0x0] =	wrdreg $0xFFFFFFFF;
	(pc) =	sbr.abs _section_cstart, $3  }
0xc6: {  	[dreg:$0x1] =	wrdreg $0xFFFFFFFF  }
0xc7: {  	_ =	task.clear_ibuf [dreg:s7], $0x2FFFF;
	_ =	strace $0x9FFFFFFF  }
0xc8: {  	(tm) =	ssettm $0x7FFFFFFF  }
0xc9: {  	_ =	shalt  }
tec
execute0_lowered:
.L_overlay_start_1:
0x0: {  	(tag) =	ssettag $0x1  }
0x1: {  	s1 =	srdreg.scid;
	s2 =	rddreg [dreg:$0x0]  }
0x2: {  	s0 =	stileid.u32;
	s5 =	rddreg [dreg:$0x1];
	s6 =	simm.s32 $0x1  }
0x3: {  	s9 =	simm.s32 $0x1;
	s10 =	simm.s32 $0x3;
	s1 =	sshll.u32 s1, $0x6  }
0x4: {  	s13 =	simm.s32 $0x0;
	s3 =	sshll.u32 s0, $0x7;
	s4 =	sand.u32 $0x40, s1  }
0x5: {  	s12 =	simm.s32 $0x0;
	s1 =	rddreg [dreg:$0x2];
	s3 =	sor.u32 s3, s4  }
0x6: {  	_ =	strace $0x80000047;
	s4 =	sadd.s32 $0x20200, s5;
	s8 =	ssub.s32 $0x1000, s3  }
.Ltmp0:
0x7: {  	s5 =	sadd.s32 $0x20400, s5;
	s7 =	sand.u32 $0x7C0, s8;
	(pc) =	sbr.rel .LBB2_1-.Ltmp0, $4  }
0x8: {  	[sflag:s6] =	ssyncpa.u1 $0x0;
	s11 =	smov.u32 s3;
	p0 =	sne.s32 s7, $0x0  }
0x9: {  	s8 =	sshrl.u32 s8, $0xB;
	s7 =	simm.s32 $0x2;
	s9 =	simm.s32 @!p0 $0x0  }
0xa: {  	[sflag:s7] =	ssyncpa.u1 $0x0;
	p0 =	por $0x0, $0x0;
	s8 =	sadd.s32 s9, s8  }
0xb: {  	vm0 =	vmmov $0xffff;
	[sflag:s10] =	ssyncpa.u1 $0x0;
	s10 =	simm.s32 $0x0;
	s9 =	sadd.s32 $0x1, s8  }
.LBB2_4:
0xc: {  	v2 =	vnsel vm1, $0x0, v2  }
0xd: {  	vm1 =	vgt.s32 v0, $0x0;
	v2 =	vmin.u32 v2, $0xFFF  }
0xe: {  	v0 =	vnsel vm1, $0x0, v0  }
0xf: {  	v0 =	vmin.u32 v0, $0xFFF  }
0x10: {  	[tilespmem:s15], [sflag:$0x1] =	stream.indirect_vreg.gather [hbm4b:s2+s10], $0x1, v1, vm0, $0x4038;
	[tilespmem:$0x100] =	vst v63  }
0x11: {  	(ifvalue) =	ssetifvalue $0x7FFFFFFF  }
0x12: {  	[tilespmem:s16], [sflag:$0x1] =	stream.indirect_vreg.gather [hbm4b:s2+s10], $0x1, v2, vm0, $0x4038;
	[tilespmem:$0x100] =	vst v63  }
0x13: {  	s29 =	sadd.s32 $0x10, s16;
	(ifvalue) =	ssetifvalue $0x7FFFFFFF  }
0x14: {  	[tilespmem:s29], [sflag:$0x1] =	stream.indirect_vreg.gather [hbm4b:s2+s10], $0x1, v0, vm0, $0x4038;
	[tilespmem:$0x100] =	vst v63  }
0x15: {  	_ =	swait.ge [sflag:s6], $0x40  }
0x16: {  	s30 =	sshrl.u32 s13, $0x3;
	[sflag:s6] =	ssyncset.done $0x0  }
0x17: {  	s31 =	sand.u32 $0x7, s13;
	s15 =	sadd.s32 s5, s30;
	[sflag:s6] =	ssyncadd.s32 $0xFFFFFFC0  }
0x18: {  	[hbm4b:s15+s31] =	stream.linear.scatter [tilespmem:s14], [sflag:$0x3], $0x40, $0x38;
	[tilespmem:$0x100] =	vst v63  }
.LBB2_5:
0x19: {  	s15 =	sadd.s32 $0x800, s11  }
0x1a: {  	p2 =	sgt.s32 s15, $0xFFF  }
0x1b: {  	s15 =	smov.u32 @p2 s3;
	p2 =	sne.s32 s12, s9  }
.Ltmp1:
0x1c: {  	p1 =	slt.u32 s12, $0x2;
	(pc) =	sbr.rel @!p2 .LBB2_6-.Ltmp1, $4  }
0x1d: {  	s14 =	simm.s32 @!p1 $0x3  }
0x1e: {  	s16 =	sadd.s32 $0x1, s12;
	_ =	swait.ge @!p1 [sflag:s14], $0x40  }
0x1f: {  	s13 =	smov.u32 s11;
	p0 =	por !p0, !p0;
	[sflag:s14] =	ssyncset.done @!p1 $0x0  }
0x20: {  	s12 =	smov.u32 s16;
	s11 =	smov.u32 s15;
	[sflag:s14] =	ssyncadd.s32 @!p1 $0xFFFFFFC0  }
.LBB2_1:
0x21: {  	p1 =	sge.u32 s12, s8  }
0x22: {  	s14 =	sxor.u32 @!p1 $0xFFFFFFFF, s12  }
0x23: {  	s31 =	sadd.s32 $0xFFFFFFFF, s12;
	s15 =	sshrl.u32 @!p1 s11, $0x3;
	s14 =	sshll.u32 @!p1 s14, $0x6  }
0x24: {  	s16 =	sand.u32 @!p1 $0x7, s11;
	s15 =	sadd.s32 @!p1 s4, s15;
	s14 =	sand.u32 @!p1 $0x40, s14  }
0x25: {  	[tilespmem:s14], [sflag:$0x2] =	stream.linear.gather @!p1 [hbm4b:s15+s16], $0x40, $0x38;
	[tilespmem:$0x100] =	vst v63  }
0x26: {  	p1 =	sge.u32 s31, s8  }
.Ltmp2:
0x27: {  	_ = 	snop;
	(pc) =	sbr.rel @p1 .LBB2_5-.Ltmp2, $1  }
0x28: {  	_ =	sdelay $0x3  }
0x29: {  	s14 =	simm.s32 $0x1  }
0x2a: {  	_ =	swait.ge [sflag:s7], $0x40;
	s14 =	simm.s32 @!p0 $0x0  }
0x2b: {  	[sflag:s7] =	ssyncset.done $0x0;
	s14 =	sshll.u32 s14, $0x6  }
0x2c: {  	[sflag:s7] =	ssyncadd.s32 $0xFFFFFFC0;
	(ifvalue) =	ssetifvalue $0x7FFFFFFF;
	v0 =	vld.msk [tilespmem:s14+$0x0 ss:$0x1], $0xffff;
	_ =	sdelay $0x4  }
0x2d: {  	s15 =	sadd.s32 $0x10, s14;
	vm1 =	vgt.s32 v0, $0x0  }
0x2e: {  	v2 =	vld.msk [tilespmem:s15+$0x0 ss:$0x1], $0xffff;
	v1 =	vnsel vm1, $0x0, v0  }
0x2f: {  	v1 =	vmin.u32 v1, $0xFFF;
	_ =	sdelay $0x1  }
0x30: {  	s16 =	sshll.u32 s12, $0x6;
	s18 =	simm.s32 $0x20  }
0x31: {  	s16 =	sand.u32 $0x40, s16;
	s17 =	sadd.s32 $0x10, s15;
	s15 =	sor.u32 $0x80, s14  }
0x32: {  	s14 =	sor.u32 $0x80, s16;
	s16 =	sadd.s32 $0x10, s15;
	v0 =	vld.msk [tilespmem:s17+$0x0 ss:$0x1], $0xffff;
	vm1 =	vgt.s32 v2, $0x0;
	(ifvalue) =	ssetifvalue $0x7FFFFFFF  }
.LBB2_3:
0x33: {  	[tilespmem:s15], [sflag:$0x1] =	stream.indirect_vreg.gather [hbm4b:s2+s10], $0x1, v1, vm0, $0x4038;
	[tilespmem:$0x100] =	vst v63  }
0x34: {  	s18 =	sadd.s32 $0x10, s18  }
0x35: {  	v2 =	vnsel vm1, $0x0, v2;
	p1 =	slt.u32 s18, $0x30  }
.Ltmp3:
0x36: {  	s15 =	smov.u32 s16;
	v1 =	vmin.u32 v2, $0xFFF;
	(pc) =	sbr.rel @p1 .LBB2_3-.Ltmp3, $3  }
0x37: {  	_ =	sdelay $0x1  }
0x38: {  	s17 =	sadd.s32 $0x10, s17  }
0x39: {  	vm1 =	vgt.s32 v0, $0x0;
	s16 =	sadd.s32 $0x10, s16;
	v2 =	vmov v0;
	(ifvalue) =	ssetifvalue $0x7FFFFFFF;
	v0 =	vld.msk [tilespmem:s17+$0x0 ss:$0x1], $0xffff  }
.Ltmp4:
0x3a: {  	_ = 	snop;
	(pc) =	sbr.rel .LBB2_4-.Ltmp4, $1  }
0x3b: {  	_ =	sdelay $0x3  }
.LBB2_6:
0x3c: {  	_ =	sfence.sel $0x180000  }
0x3d: {  	s2 =	simm.s32 $0x2;
	[bflag:$0x0] =	sbarrier.arrive $0xFFFF  }
0x3e: {  	s30 =	simm.s32 $0x3;
	[sflag:s2] =	ssyncpa.u1 $0x1  }
0x3f: {  	s31 =	simm.s32 $0x1;
	[sflag:s30] =	ssyncpa.u1 $0x1  }
0x40: {  	[sflag:s31] =	ssyncpa.u1 $0x1  }
0x41: {  	p0 =	sne.s32 s0, $0x0;
	_ =	strace $0x90000047  }
0x42: {  	s0 =	sadd.s32 @!p0 $0x100000, s1;
	[bflag:$0x2] =	sbarrier.arrive $0xFFFF  }
0x43: {  	[sflag:s0] =	ssyncadd.tile.s32 @!p0 $0x1;
	_ =	shalt  }
.Lfunc_end2:
_tile_overlayer_lowered:
.L_overlay_start_2:
0x44: {  	(tag) =	ssettag $0x2  }
0x45: {  	s0 =	rddreg [dreg:$0x0];
	s2 =	stileid.u32  }
0x46: {  	s1 =	rddreg [dreg:$0x1];
	p0 =	sne.s32 s2, $0x0  }
0x47: {  	s3 =	rddreg [dreg:$0x2];
	[bflag:$0x3] =	sbarrier.arrive $0xFFFF;
	s2 =	simm.s32 @!p0 $0x1C01  }
0x48: {  	[timem:s3], [sflag:s2] =	dma.local @!p0 [hbm:s0], s1  }
0x49: {  	s0 =	simm.s32 @!p0 $0x1  }
0x4a: {  	_ =	swait.ge @!p0 [sflag:s0], s1  }
0x4b: {  	s1 =	ssub.s32 @!p0 $0x0, s1;
	[sflag:s0] =	ssyncset.done @!p0 $0x0  }
0x4c: {  	[sflag:s0] =	ssyncadd.s32 @!p0 s1  }
0x4d: {  	[bflag:$0x3] =	sbarrier.arrive $0xFFFF  }
0x4e: {  	_ =	shalt  }

// kernel: scatter_offload_async_start
scs
__scs_entry_jumppad:
0x0: {  	(pc) =	sbr.rel $0x88, $3  }
0x1: {  	(tag) =	ssettag $0x0;
	lr =	simm.s32 $0x1  }
0x2: {  	[smem:$0x3F95] =	sst lr;
	_ =	strace $0xD0000000  }
0x3: {  	_ = 	snop  }
0x4: {  	_ = 	snop  }
0x5: {  	_ = 	snop  }
0x6: {  	_ = 	snop  }
0x7: {  	_ = 	snop  }
__scs_overlays_trampoline_lowered:
0x8: {  	[smem:$0x3FA4] =	sst s0  }
0x9: {  	[smem:$0x3FA5] =	sst s1  }
0xa: {  	[smem:$0x3FA6] =	sst s2  }
0xb: {  	[smem:$0x3FA7] =	sst s3  }
0xc: {  	[smem:$0x3FA8] =	sst s4  }
0xd: {  	[smem:$0x3FA9] =	sst s5  }
0xe: {  	[smem:$0x3FAA] =	sst s6  }
0xf: {  	[smem:$0x3FAB] =	sst s7  }
0x10: {  	[smem:$0x3FAC] =	sst s8  }
0x11: {  	[smem:$0x3FAD] =	sst s9;
	s0 =	simm.s32 @!p0 $0x0  }
0x12: {  	s1 =	sld [smem:$0x3F93];
	s0 =	simm.s32 @p0 $0x1  }
0x13: {  	[smem:$0x3FAE] =	sst s0;
	s0 =	simm.s32 @!p1 $0x0  }
0x14: {  	s2 =	sld [smem:$0x3F92];
	s0 =	simm.s32 @p1 $0x1  }
0x15: {  	[smem:$0x3FAF] =	sst s0;
	s0 =	simm.s32 @!p2 $0x0  }
0x16: {  	s3 =	sld [smem:$0x3FDB];
	s0 =	simm.s32 @p2 $0x1  }
0x17: {  	s4 =	simm.s32 $0x1BF5;
	[smem:$0x3FB1] =	sst s0  }
0x18: {  	s0 =	sld [smem:$0x3F94];
	_ =	swait.ge [sflag:s4], $0x0  }
0x19: {  	s7 =	sld [smem:$0x3F95]  }
0x1a: {  	s8 =	sadd.s32 $0xFFFFE003, lr  }
0x1b: {  	s9 =	sadd.s32 $0xFFFFFEF7, lr;
	s5 =	simm.s32 $0xFFFFFFFF;
	p2 =	slt.u32 s8, $0xFFFFF086  }
0x1c: {  	p1 =	slt.u32 s9, $0xF7A;
	s5 =	simm.s32 @!p2 $0x0  }
0x1d: {  	s5 =	simm.s32 @p1 $0x1;
	p0 =	seq.s32 s7, s2  }
0x1e: {  	s7 =	smul.u32 @!p0 $0xF7A, s2;
	p2 =	seq.s32 @!p0 s5, $0x0  }
0x1f: {  	s9 =	smul.u32 $0xF7A, s1;
	s8 =	simm.s32 @!p0 $0x1BF5;
	p2 =	por !p2, p0  }
0x20: {  	[sflag:s8] =	ssyncset.s32 @!p0 $0xFFFFF086;
	s6 =	sadd.s32 @!p0 s3, s7;
	s7 =	simm.s32 @!p0 $0x108  }
0x21: {  	s3 =	sadd.s32 s3, s9;
	s6 =	sadd.s32 @!p0 $0x88, s6;
	s7 =	simm.s32 @p2 $0x1082  }
0x22: {  	[simem:s7], [sflag:s8] =	dma.local @!p0 [hbm:s6], $0xF7A  }
0x23: {  	s9 =	sor.u32 $0xD0000000, s2;
	s6 =	simm.s32 $0x108;
	_ =	swait.ge @!p0 [sflag:s8], $0x0  }
0x24: {  	s3 =	sadd.s32 $0x88, s3;
	s6 =	simm.s32 @!p1 $0x1082;
	[sflag:s4] =	ssyncset.s32 $0xFFFFF086  }
0x25: {  	[simem:s6], [sflag:s4] =	dma.local [hbm:s3], $0xF7A  }
0x26: {  	[smem:$0x3F95] =	sst s1;
	(tag) =	ssettag s2;
	_ =	strace s9  }
0x27: {  	s1 =	sld [smem:$0x3FA5]  }
0x28: {  	s2 =	sld [smem:$0x3FA6]  }
0x29: {  	s4 =	sld [smem:$0x3FA8]  }
0x2a: {  	p0 =	seq.s32 s5, $0x0;
	s5 =	sld [smem:$0x3FA9]  }
0x2b: {  	s6 =	sld [smem:$0x3FAA]  }
0x2c: {  	s7 =	sld [smem:$0x3FAB]  }
0x2d: {  	s3 =	simm.s32 $0x108;
	s8 =	sld [smem:$0x3FAC]  }
0x2e: {  	s3 =	simm.s32 @!p0 $0x1082;
	s9 =	sld [smem:$0x3FAD]  }
0x2f: {  	lr =	sadd.s32 s0, s3;
	s0 =	sld [smem:$0x3FA4]  }
0x30: {  	s3 =	sld [smem:$0x3FA7]  }
0x31: {  	[smem:$0x3FB0] =	sst s10  }
0x32: {  	s10 =	sld [smem:$0x3FAE];
	_ =	sdelay $0x3  }
0x33: {  	p0 =	seq.s32 s10, $0x1;
	s10 =	sld [smem:$0x3FB0];
	_ =	sdelay $0x3  }
0x34: {  	[smem:$0x3FB0] =	sst s10  }
0x35: {  	s10 =	sld [smem:$0x3FAF];
	_ =	sdelay $0x3  }
0x36: {  	p1 =	seq.s32 s10, $0x1;
	s10 =	sld [smem:$0x3FB0];
	_ =	sdelay $0x3  }
0x37: {  	[smem:$0x3FB0] =	sst s10  }
0x38: {  	s10 =	sld [smem:$0x3FB1]  }
0x39: {  	_ = 	snop;
	(pc) =	sbr.ind lr, $3  }
0x3a: {  	_ = 	snop  }
0x3b: {  	_ = 	snop  }
0x3c: {  	p2 =	seq.s32 s10, $0x1;
	s10 =	sld [smem:$0x3FB0]  }
0x3d: {  	_ =	shalt  }
0x3e: {  	_ =	shalt  }
0x3f: {  	_ =	shalt  }
0x40: {  	_ =	shalt  }
0x41: {  	_ =	shalt  }
0x42: {  	_ =	shalt  }
0x43: {  	_ =	shalt  }
0x44: {  	_ =	shalt  }
0x45: {  	_ =	shalt  }
0x46: {  	_ =	shalt  }
0x47: {  	_ =	shalt  }
0x48: {  	_ =	shalt  }
0x49: {  	_ =	shalt  }
0x4a: {  	_ =	shalt  }
0x4b: {  	_ =	shalt  }
0x4c: {  	_ =	shalt  }
0x4d: {  	_ =	shalt  }
0x4e: {  	_ =	shalt  }
0x4f: {  	_ =	shalt  }
0x50: {  	_ =	shalt  }
0x51: {  	_ =	shalt  }
0x52: {  	_ =	shalt  }
0x53: {  	_ =	shalt  }
0x54: {  	_ =	shalt  }
0x55: {  	_ =	shalt  }
0x56: {  	_ =	shalt  }
0x57: {  	_ =	shalt  }
0x58: {  	_ =	shalt  }
0x59: {  	_ =	shalt  }
0x5a: {  	_ =	shalt  }
0x5b: {  	_ =	shalt  }
0x5c: {  	_ =	shalt  }
0x5d: {  	_ =	shalt  }
0x5e: {  	_ =	shalt  }
0x5f: {  	_ =	shalt  }
0x60: {  	_ =	shalt  }
0x61: {  	_ =	shalt  }
0x62: {  	_ =	shalt  }
0x63: {  	_ =	shalt  }
0x64: {  	_ =	shalt  }
0x65: {  	_ =	shalt  }
0x66: {  	_ =	shalt  }
0x67: {  	_ =	shalt  }
0x68: {  	_ =	shalt  }
0x69: {  	_ =	shalt  }
0x6a: {  	_ =	shalt  }
0x6b: {  	_ =	shalt  }
0x6c: {  	_ =	shalt  }
0x6d: {  	_ =	shalt  }
0x6e: {  	_ =	shalt  }
0x6f: {  	_ =	shalt  }
0x70: {  	_ =	shalt  }
0x71: {  	_ =	shalt  }
0x72: {  	_ =	shalt  }
0x73: {  	_ =	shalt  }
0x74: {  	_ =	shalt  }
0x75: {  	_ =	shalt  }
0x76: {  	_ =	shalt  }
0x77: {  	_ =	shalt  }
0x78: {  	_ =	shalt  }
0x79: {  	_ =	shalt  }
0x7a: {  	_ =	shalt  }
0x7b: {  	_ =	shalt  }
0x7c: {  	_ =	shalt  }
0x7d: {  	_ =	shalt  }
0x7e: {  	_ =	shalt  }
0x7f: {  	_ =	shalt  }
0x80: {  	_ =	shalt  }
0x81: {  	_ =	shalt  }
0x82: {  	_ =	shalt  }
0x83: {  	_ =	shalt  }
0x84: {  	_ =	shalt  }
0x85: {  	_ =	shalt  }
0x86: {  	_ =	shalt  }
0x87: {  	_ =	shalt  }
.Lfunc_end0:
.L_simem_size_0:
called_computation_lowered:
.L_overlay_start_0:
0x88: {  	s0 =	sld [smem:$0x3FD9]  }
0x89: {  	s1 =	sld [smem:$0x3FFE];
	_ =	sdelay $0x3  }
0x8a: {  	s0 =	sadd.s32 s1, s0  }
0x8b: {  	[smem:$0x3FBC] =	sst s0  }
0x8c: {  	_ = 	snop  }
0x8d: {  	s0 =	sld [smem:$0x3FD0];
	_ =	sdelay $0x2  }
0x8e: {  	s13 =	simm.s32 $0xA;
	s2 =	simm.s32 $0x10  }
0x8f: {  	[smem:s2], [sflag:s13] =	dma.local [hbm:s0], $0x1  }
0x90: {  	_ =	swait.eq [sflag:s13], $0x1  }
0x91: {  	[sflag:s13] =	ssyncset.done $0x0  }
0x92: {  	[sflag:s13] =	ssyncadd.s32 $0xFFFFFFFF  }
0x93: {  	s14 =	sld [smem:$0x10];
	(tm) =	ssettm $0x1  }
0x94: {  	s15 =	sld [smem:$0x3FFB];
	_ =	sdelay $0x3  }
0x95: {  	_ =	strace s15  }
0x96: {  	s1 =	sld [smem:$0x3FFC];
	_ =	sdelay $0x3  }
0x97: {  	_ =	strace s1  }
0x98: {  	s1 =	sld [smem:$0x3FFD];
	_ =	sdelay $0x3  }
0x99: {  	_ =	strace s1  }
0x9a: {  	_ =	strace $0x8FFFFFFF  }
0x9b: {  	s16 =	sld [smem:$0x3FDB];
	_ =	sdelay $0x1  }
0x9c: {  	s17 =	simm.s32 $_scs_section_size  }
0x9d: {  	s3 =	simm.s32 $_size__tile_overlayer_lowered;
	s4 =	simm.s32 $_tile_overlayer_lowered  }
0x9e: {  	s20 =	simm.s32 $0x1BFF;
	s19 =	sshll.u32 s4, $0x1;
	s1 =	sadd.s32 s17, s16  }
0x9f: {  	s5 =	simm.s32 $0x0;
	s18 =	sshll.u32 s3, $0x1;
	s3 =	sadd.s32 s19, s1  }
0xa0: {  	[timem:s5], [sflag:s20] =	dma.local [hbm:s3], s18  }
0xa1: {  	_ =	swait.ge [sflag:s20], s18  }
0xa2: {  	s2 =	ssub.s32 $0x0, s18;
	[sflag:s20] =	ssyncset.done $0x0  }
0xa3: {  	[sflag:s20] =	ssyncadd.s32 s2;
	_ =	sdelay $0x1  }
0xa4: {  	s21 =	simm.s32 $0x1B8B  }
0xa5: {  	_ =	swait.ge [sflag:s21], $0x1  }
0xa6: {  	[sflag:s21] =	ssyncset.done $0x0  }
0xa7: {  	s23 =	simm.s32 $0x1B8E;
	s22 =	sld [smem:$0x3FFE];
	[sflag:s21] =	ssyncadd.s32 $0xFFFFFFFF  }
0xa8: {  	s24 =	simm.s32 $execute0_lowered;
	[smem:$0x3FD2] =	sst s23  }
0xa9: {  	s3 =	sshll.u32 s24, $0x1;
	_ =	strace $0x80000049;
	[dreg:$0x1] =	wrdreg $0xFFFFFFFF  }
0xaa: {  	s25 =	simm.s32 $_size_execute0_lowered;
	s1 =	sadd.s32 s1, s3;
	[dreg:$0x0] =	wrdreg $0x0  }
0xab: {  	s3 =	sshll.u32 s25, $0x1;
	[dreg:$0x2] =	wrdreg s1  }
0xac: {  	[dreg:$0x3] =	wrdreg s3  }
0xad: {  	[dreg:$0x4] =	wrdreg $0xC0  }
0xae: {  	_ =	task [dreg:s5], $0x5FFFF  }
0xaf: {  	[dreg:$0x1] =	wrdreg $0xFFFFFFFF  }
0xb0: {  	[dreg:$0x0] =	wrdreg $0x60  }
0xb1: {  	[dreg:$0x2] =	wrdreg s14  }
0xb2: {  	[dreg:$0x3] =	wrdreg s22  }
0xb3: {  	[dreg:$0x4] =	wrdreg $0x9  }
0xb4: {  	_ =	task.clear_ibuf [dreg:s5], $0x5FFFF;
	_ =	strace $0x90000049  }
0xb5: {  	s26 =	simm.s32 $0x9;
	_ =	strace $0x8000004B  }
0xb6: {  	_ =	swait.ge [sflag:s26], $0x1  }
0xb7: {  	[sflag:s26] =	ssyncadd.s32 $0xFFFFFFFF  }
0xb8: {  	_ =	strace $0x9000004B  }
0xb9: {  	_ =	sfence  }
0xba: {  	s28 =	sld [smem:$0x0];
	_ =	sdelay $0x1  }
0xbb: {  	s29 =	srdreg.scid  }
0xbc: {  	s30 =	sshll.u32 s29, $0xD;
	s31 =	sshrl.u32 s29, $0x2  }
0xbd: {  	s2 =	sand.u32 $0x4000, s30;
	s1 =	sand.u32 $0x1, s29;
	s0 =	sadd.s32 s31, s28  }
0xbe: {  	s1 =	sor.u32 s2, s1;
	s0 =	sshll.u32 s0, $0x11  }
0xbf: {  	s0 =	sor.u32 s0, s1  }
0xc0: {  	s0 =	sadd.s32 $0x8F2B, s0  }
0xc1: {  	[sflag:s0] =	ssyncadd.remote.s32 $0x1  }
0xc2: {  	_ =	sfence.sel $0xFFFF  }
0xc3: {  	[dreg:$0x0] =	wrdreg $0xFFFFFFFF;
	(pc) =	sbr.abs _section_cstart, $3  }
0xc4: {  	[dreg:$0x1] =	wrdreg $0xFFFFFFFF  }
0xc5: {  	_ =	task.clear_ibuf [dreg:s5], $0x2FFFF;
	_ =	strace $0x9FFFFFFF  }
0xc6: {  	(tm) =	ssettm $0x7FFFFFFF  }
0xc7: {  	_ =	shalt  }
tec
execute0_lowered:
.L_overlay_start_1:
0x0: {  	(tag) =	ssettag $0x1  }
0x1: {  	s1 =	rddreg [dreg:$0x0]  }
0x2: {  	s5 =	rddreg [dreg:$0x1]  }
0x3: {  	s0 =	rddreg [dreg:$0x2];
	s6 =	stileid.u32  }
0x4: {  	_ =	strace $0x8000004A;
	s3 =	simm.s32 $0x3E;
	p0 =	sne.s32 s6, $0x0  }
0x5: {  	[sflag:s3] =	ssyncpa.u1 $0x0;
	s4 =	simm.s32 @!p0 $0x1C3E;
	s2 =	simm.s32 @!p0 $0x0  }
0x6: {  	[spmem:s2], [sflag:s4] =	dma.local @!p0 [hbm:s1], $0x400  }
0x7: {  	s4 =	simm.s32 @!p0 $0x3E  }
0x8: {  	_ =	swait.ge @!p0 [sflag:s4], $0x400  }
0x9: {  	[sflag:s4] =	ssyncset.done @!p0 $0x0  }
0xa: {  	s9 =	simm.s32 $0x300;
	[sflag:s4] =	ssyncadd.s32 @!p0 $0xFFFFFC00  }
0xb: {  	s7 =	sadd.s32 $0x20200, s5;
	s8 =	sadd.s32 $0x20600, s5;
	[bflag:$0x0] =	sbarrier.arrive $0xFFFF  }
0xc: {  	s6 =	sshll.u32 s6, $0x5;
	[sflag:s3] =	ssyncpa.u1 $0x1;
	s3 =	simm.s32 $0x1  }
0xd: {  	s5 =	simm.s32 $0x0;
	s4 =	simm.s32 $0x2;
	[sflag:s3] =	ssyncpa.u1 $0x0  }
0xe: {  	s7 =	sadd.s32 s7, s6;
	(ifvalue) =	ssetifvalue $0x2000;
	[sflag:s4] =	ssyncpa.u1 $0x0  }
0xf: {  	[tilespmem:s9], [sflag:$0x2] =	stream.linear.gather [hbm4b:s7+s5], $0x100, $0x38;
	[tilespmem:$0x600] =	vst v63  }
0x10: {  	s23 =	simm.s32 $0x500;
	s6 =	sadd.s32 s8, s6  }
0x11: {  	[tilespmem:s23], [sflag:$0x2] =	stream.linear.gather [hbm4b:s6+s5], $0x100, $0x38;
	[tilespmem:$0x600] =	vst v63  }
0x12: {  	_ =	swait.ge [sflag:s4], $0x200  }
0x13: {  	[sflag:s4] =	ssyncset.done $0x0  }
0x14: {  	[sflag:s4] =	ssyncadd.s32 $0xFFFFFE00  }
0x15: {  	v0 =	vld.msk [tilespmem:s9+$0x0 ss:$0x1], $0xffff;
	_ =	sdelay $0x4  }
0x16: {  	v0 =	vmin.u32 v0, $0x2000;
	_ =	sdelay $0x3  }
0x17: {  	vm0 =	vmmov $0xffff;
	s24 =	simm.s32 $0x310  }
0x18: {  	[spmem:s5] =	stream.indirect_vreg.scatter.add.s32 [tilespmem:s23], [sflag:$0x1], $0x1, v0, vm0, $0x4038;
	[tilespmem:$0x600] =	vst v63  }
0x19: {  	v0 =	vld.msk [tilespmem:s24+$0x0 ss:$0x1], $0xffff;
	_ =	sdelay $0x4  }
0x1a: {  	v0 =	vmin.u32 v0, $0x2000;
	_ =	sdelay $0x3  }
0x1b: {  	s25 =	simm.s32 $0x510;
	s26 =	simm.s32 $0x320  }
0x1c: {  	[spmem:s5] =	stream.indirect_vreg.scatter.add.s32 [tilespmem:s25], [sflag:$0x1], $0x1, v0, vm0, $0x4038;
	[tilespmem:$0x600] =	vst v63  }
0x1d: {  	v0 =	vld.msk [tilespmem:s26+$0x0 ss:$0x1], $0xffff;
	_ =	sdelay $0x4  }
0x1e: {  	v0 =	vmin.u32 v0, $0x2000;
	_ =	sdelay $0x3  }
0x1f: {  	s28 =	simm.s32 $0x520;
	s29 =	simm.s32 $0x330  }
0x20: {  	[spmem:s5] =	stream.indirect_vreg.scatter.add.s32 [tilespmem:s28], [sflag:$0x1], $0x1, v0, vm0, $0x4038;
	[tilespmem:$0x600] =	vst v63  }
0x21: {  	v0 =	vld.msk [tilespmem:s29+$0x0 ss:$0x1], $0xffff;
	_ =	sdelay $0x4  }
0x22: {  	v0 =	vmin.u32 v0, $0x2000;
	_ =	sdelay $0x3  }
0x23: {  	s30 =	simm.s32 $0x530;
	s31 =	simm.s32 $0x340  }
0x24: {  	[spmem:s5] =	stream.indirect_vreg.scatter.add.s32 [tilespmem:s30], [sflag:$0x1], $0x1, v0, vm0, $0x4038;
	[tilespmem:$0x600] =	vst v63  }
0x25: {  	v0 =	vld.msk [tilespmem:s31+$0x0 ss:$0x1], $0xffff;
	_ =	sdelay $0x4  }
0x26: {  	v0 =	vmin.u32 v0, $0x2000;
	_ =	sdelay $0x3  }
0x27: {  	s8 =	simm.s32 $0x350;
	s7 =	simm.s32 $0x540  }
0x28: {  	[spmem:s5] =	stream.indirect_vreg.scatter.add.s32 [tilespmem:s7], [sflag:$0x1], $0x1, v0, vm0, $0x4038;
	[tilespmem:$0x600] =	vst v63  }
0x29: {  	v0 =	vld.msk [tilespmem:s8+$0x0 ss:$0x1], $0xffff;
	_ =	sdelay $0x4  }
0x2a: {  	v0 =	vmin.u32 v0, $0x2000;
	_ =	sdelay $0x3  }
0x2b: {  	s10 =	simm.s32 $0x360;
	s9 =	simm.s32 $0x550  }
0x2c: {  	[spmem:s5] =	stream.indirect_vreg.scatter.add.s32 [tilespmem:s9], [sflag:$0x1], $0x1, v0, vm0, $0x4038;
	[tilespmem:$0x600] =	vst v63  }
0x2d: {  	v0 =	vld.msk [tilespmem:s10+$0x0 ss:$0x1], $0xffff;
	_ =	sdelay $0x4  }
0x2e: {  	v0 =	vmin.u32 v0, $0x2000;
	_ =	sdelay $0x3  }
0x2f: {  	s11 =	simm.s32 $0x560;
	s12 =	simm.s32 $0x370  }
0x30: {  	[spmem:s5] =	stream.indirect_vreg.scatter.add.s32 [tilespmem:s11], [sflag:$0x1], $0x1, v0, vm0, $0x4038;
	[tilespmem:$0x600] =	vst v63  }
0x31: {  	v0 =	vld.msk [tilespmem:s12+$0x0 ss:$0x1], $0xffff;
	_ =	sdelay $0x4  }
0x32: {  	v0 =	vmin.u32 v0, $0x2000;
	_ =	sdelay $0x3  }
0x33: {  	s13 =	simm.s32 $0x570;
	s14 =	simm.s32 $0x380  }
0x34: {  	[spmem:s5] =	stream.indirect_vreg.scatter.add.s32 [tilespmem:s13], [sflag:$0x1], $0x1, v0, vm0, $0x4038;
	[tilespmem:$0x600] =	vst v63  }
0x35: {  	v0 =	vld.msk [tilespmem:s14+$0x0 ss:$0x1], $0xffff;
	_ =	sdelay $0x4  }
0x36: {  	v0 =	vmin.u32 v0, $0x2000;
	_ =	sdelay $0x3  }
0x37: {  	s15 =	simm.s32 $0x580;
	s16 =	simm.s32 $0x390  }
0x38: {  	[spmem:s5] =	stream.indirect_vreg.scatter.add.s32 [tilespmem:s15], [sflag:$0x1], $0x1, v0, vm0, $0x4038;
	[tilespmem:$0x600] =	vst v63  }
0x39: {  	v0 =	vld.msk [tilespmem:s16+$0x0 ss:$0x1], $0xffff;
	_ =	sdelay $0x4  }
0x3a: {  	v0 =	vmin.u32 v0, $0x2000;
	_ =	sdelay $0x3  }
0x3b: {  	s17 =	simm.s32 $0x590;
	s18 =	simm.s32 $0x3A0  }
0x3c: {  	[spmem:s5] =	stream.indirect_vreg.scatter.add.s32 [tilespmem:s17], [sflag:$0x1], $0x1, v0, vm0, $0x4038;
	[tilespmem:$0x600] =	vst v63  }
0x3d: {  	v0 =	vld.msk [tilespmem:s18+$0x0 ss:$0x1], $0xffff;
	_ =	sdelay $0x4  }
0x3e: {  	v0 =	vmin.u32 v0, $0x2000;
	_ =	sdelay $0x3  }
0x3f: {  	s19 =	simm.s32 $0x5A0;
	s20 =	simm.s32 $0x3B0  }
0x40: {  	[spmem:s5] =	stream.indirect_vreg.scatter.add.s32 [tilespmem:s19], [sflag:$0x1], $0x1, v0, vm0, $0x4038;
	[tilespmem:$0x600] =	vst v63  }
0x41: {  	v0 =	vld.msk [tilespmem:s20+$0x0 ss:$0x1], $0xffff;
	_ =	sdelay $0x4  }
0x42: {  	v0 =	vmin.u32 v0, $0x2000;
	_ =	sdelay $0x3  }
0x43: {  	s21 =	simm.s32 $0x5B0;
	s22 =	simm.s32 $0x3C0  }
0x44: {  	[spmem:s5] =	stream.indirect_vreg.scatter.add.s32 [tilespmem:s21], [sflag:$0x1], $0x1, v0, vm0, $0x4038;
	[tilespmem:$0x600] =	vst v63  }
0x45: {  	v0 =	vld.msk [tilespmem:s22+$0x0 ss:$0x1], $0xffff;
	_ =	sdelay $0x4  }
0x46: {  	v0 =	vmin.u32 v0, $0x2000;
	_ =	sdelay $0x3  }
0x47: {  	s23 =	simm.s32 $0x5C0;
	s24 =	simm.s32 $0x3D0  }
0x48: {  	[spmem:s5] =	stream.indirect_vreg.scatter.add.s32 [tilespmem:s23], [sflag:$0x1], $0x1, v0, vm0, $0x4038;
	[tilespmem:$0x600] =	vst v63  }
0x49: {  	v0 =	vld.msk [tilespmem:s24+$0x0 ss:$0x1], $0xffff;
	_ =	sdelay $0x4  }
0x4a: {  	v0 =	vmin.u32 v0, $0x2000;
	_ =	sdelay $0x3  }
0x4b: {  	s25 =	simm.s32 $0x5D0;
	s26 =	simm.s32 $0x3E0  }
0x4c: {  	[spmem:s5] =	stream.indirect_vreg.scatter.add.s32 [tilespmem:s25], [sflag:$0x1], $0x1, v0, vm0, $0x4038;
	[tilespmem:$0x600] =	vst v63  }
0x4d: {  	v0 =	vld.msk [tilespmem:s26+$0x0 ss:$0x1], $0xffff;
	_ =	sdelay $0x4  }
0x4e: {  	v0 =	vmin.u32 v0, $0x2000;
	_ =	sdelay $0x3  }
0x4f: {  	s28 =	simm.s32 $0x5E0;
	s29 =	simm.s32 $0x3F0  }
0x50: {  	[spmem:s5] =	stream.indirect_vreg.scatter.add.s32 [tilespmem:s28], [sflag:$0x1], $0x1, v0, vm0, $0x4038;
	[tilespmem:$0x600] =	vst v63  }
0x51: {  	v0 =	vld.msk [tilespmem:s29+$0x0 ss:$0x1], $0xffff;
	_ =	sdelay $0x4  }
0x52: {  	v0 =	vmin.u32 v0, $0x2000;
	_ =	sdelay $0x3  }
0x53: {  	s30 =	simm.s32 $0x5F0  }
0x54: {  	[spmem:s5] =	stream.indirect_vreg.scatter.add.s32 [tilespmem:s30], [sflag:$0x1], $0x1, v0, vm0, $0x4038;
	[tilespmem:$0x600] =	vst v63  }
0x55: {  	_ =	swait.ge [sflag:s3], $0x100  }
0x56: {  	[sflag:s3] =	ssyncset.done $0x0  }
0x57: {  	[sflag:s3] =	ssyncadd.s32 $0xFFFFFF00  }
0x58: {  	_ =	sfence.sel $0x180000  }
0x59: {  	[bflag:$0x0] =	sbarrier.arrive $0xFFFF  }
0x5a: {  	[sflag:s4] =	ssyncpa.u1 $0x1  }
0x5b: {  	[sflag:s3] =	ssyncpa.u1 $0x1  }
0x5c: {  	_ =	sfence.stream.spmem  }
0x5d: {  	s31 =	simm.s32 $0x3D;
	[bflag:$0x0] =	sbarrier.arrive $0xFFFF  }
0x5e: {  	s3 =	simm.s32 @p0 $0x3D;
	[sflag:s31] =	ssyncpa.u1 $0x0  }
0x5f: {  	[sflag:s3] =	ssyncpa.u1 @p0 $0x1  }
0x60: {  	[bflag:$0x0] =	sbarrier.arrive @p0 $0xFFFF  }
0x61: {  	_ =	strace @p0 $0x9000004A  }
0x62: {  	s3 =	simm.s32 @!p0 $0x1C3D;
	[bflag:$0x2] =	sbarrier.arrive @p0 $0xFFFF  }
0x63: {  	[hbm:s1], [sflag:s3] =	dma.local @!p0 [spmem:s2], $0x400  }
0x64: {  	s1 =	simm.s32 @!p0 $0x3D  }
0x65: {  	_ =	swait.ge @!p0 [sflag:s1], $0x400  }
0x66: {  	[sflag:s1] =	ssyncset.done @!p0 $0x0  }
0x67: {  	[sflag:s1] =	ssyncadd.s32 @!p0 $0xFFFFFC00  }
0x68: {  	[sflag:s1] =	ssyncpa.u1 @!p0 $0x1  }
0x69: {  	[bflag:$0x0] =	sbarrier.arrive @!p0 $0xFFFF  }
0x6a: {  	_ =	strace @!p0 $0x9000004A  }
0x6b: {  	s0 =	sadd.s32 @!p0 $0x100000, s0;
	[bflag:$0x2] =	sbarrier.arrive @!p0 $0xFFFF  }
0x6c: {  	[sflag:s0] =	ssyncadd.tile.s32 @!p0 $0x1;
	_ =	shalt  }
.Lfunc_end2:
_tile_overlayer_lowered:
.L_overlay_start_2:
0x6d: {  	(tag) =	ssettag $0x2  }
0x6e: {  	s0 =	rddreg [dreg:$0x0];
	s2 =	stileid.u32  }
0x6f: {  	s1 =	rddreg [dreg:$0x1];
	p0 =	sne.s32 s2, $0x0  }
0x70: {  	s3 =	rddreg [dreg:$0x2];
	[bflag:$0x3] =	sbarrier.arrive $0xFFFF;
	s2 =	simm.s32 @!p0 $0x1C01  }
0x71: {  	[timem:s3], [sflag:s2] =	dma.local @!p0 [hbm:s0], s1  }
0x72: {  	s0 =	simm.s32 @!p0 $0x1  }
0x73: {  	_ =	swait.ge @!p0 [sflag:s0], s1  }
0x74: {  	s1 =	ssub.s32 @!p0 $0x0, s1;
	[sflag:s0] =	ssyncset.done @!p0 $0x0  }
0x75: {  	[sflag:s0] =	ssyncadd.s32 @!p0 s1  }
0x76: {  	[bflag:$0x3] =	sbarrier.arrive $0xFFFF  }
0x77: {  	_ =	shalt  }

</sc_bundles>
